<compile_context>
chip_gen: v7x
topology: tpu7x:2x2x1
jax: 0.10.2.dev20260603
libtpu: 0.0.44.dev20260713+nightly
codegen_flags: <defaults>
</compile_context>

<pallas_src>
import functools

import jax
import jax.numpy as jnp
from jax import lax
from jax.experimental import pallas as pl
from jax.experimental.pallas import tpu as pltpu
from jax.experimental.pallas import tpu_sc as plsc

N = 10000
E = 320000
D = 128
NPAD = 10240
K = 8000
NC, NS = 2, 16
NW = NC * NS
CH = 128
NCHUNK = E // CH
ROWS_PT = NPAD // NS

_mesh = plsc.VectorSubcoreMesh(core_axis_name="c", subcore_axis_name="s")


EPAD = 2560 * CH
G = 4
CHK = G * CH
NCH3 = EPAD // CHK
NFIX = (EPAD // CH) // NW
EPT = NFIX * CH


def _agg_body(src_p, dst_p, x_hbm, zrow_hbm, zcnt_hbm, ones_hbm,
              agg_out, cnt_out, acc, cacc, sidx_f,
              rows0, rows1, d0, d1, d2, d3, ones_v,
              sg0, sg1, si0, si1, si2, si3, so0, so1, so2, so3):
  c = lax.axis_index("c")
  s = lax.axis_index("s")
  wid = s * NC + c
  row0 = s * ROWS_PT
  base = wid * EPT
  dbufs = (d0, d1, d2, d3)
  isems = (si0, si1, si2, si3)
  osems = (so0, so1, so2, so3)
  rbufs = (rows0, rows1)
  gsems = (sg0, sg1)
  pltpu.sync_copy(zrow_hbm, acc.at[pl.ds(row0, ROWS_PT)])
  pltpu.sync_copy(zcnt_hbm, cacc.at[pl.ds(row0, ROWS_PT)])
  pltpu.sync_copy(ones_hbm, ones_v)
  pltpu.sync_copy(src_p.at[pl.ds(base, EPT)], sidx_f)
  plsc.subcore_barrier()

  def gidx(i):
    return sidx_f.at[pl.ds(i * CH, CH)]

  def fire_gather(i, b4):
    pltpu.async_copy(x_hbm.at[gidx(i)], rbufs[b4], gsems[b4])

  def fire_didx(i, b4):
    pltpu.async_copy(dst_p.at[pl.ds(base + i * CH, CH)], dbufs[b4],
                     isems[b4])

  fire_didx(0, 0)
  fire_didx(1, 1)
  fire_gather(0, 0)
  fire_gather(1, 1)

  def group(j, carry):
    for b in range(4):
      i = 4 * j + b
      b2 = b % 2
      rbuf, dbuf = rbufs[b2], dbufs[b]
      pltpu.make_async_copy(dst_p.at[pl.ds(base, CH)], dbuf, isems[b]).wait()
      pltpu.make_async_copy(x_hbm.at[gidx(0)], rbuf, gsems[b2]).wait()
      pltpu.sync_copy(rbuf, acc.at[dbuf], add=True)
      pltpu.async_copy(ones_v, cacc.at[dbuf], osems[b], add=True)

      @pl.when(i + 2 < NFIX)
      def _():
        b4 = (b + 2) % 4

        @pl.when(i >= 2)
        def _():
          pltpu.make_async_copy(ones_v, cacc.at[d0], osems[b4]).wait()

        fire_didx(i + 2, b4)
        fire_gather(i + 2, b2)

    return carry

  lax.fori_loop(0, NFIX // 4, group, jnp.int32(0))
  for b4 in range(4):
    pltpu.make_async_copy(ones_v, cacc.at[d0], osems[b4]).wait()
  plsc.subcore_barrier()
  pltpu.sync_copy(acc.at[pl.ds(row0, ROWS_PT)],
                  agg_out.at[c, pl.ds(row0, ROWS_PT)])
  pltpu.sync_copy(cacc.at[pl.ds(row0, ROWS_PT)],
                  cnt_out.at[c, pl.ds(row0, ROWS_PT)])


_stage_a = functools.partial(
    pl.kernel,
    out_type=(jax.ShapeDtypeStruct((NC, NPAD, D), jnp.float32),
              jax.ShapeDtypeStruct((NC, NPAD), jnp.float32)),
    mesh=_mesh,
    compiler_params=pltpu.CompilerParams(skip_device_barrier=True),
    scratch_types=[
        pltpu.VMEM_SHARED((NPAD, D), jnp.float32),
        pltpu.VMEM_SHARED((NPAD,), jnp.float32),
        pltpu.VMEM((EPT,), jnp.int32),
        pltpu.VMEM((CH, D), jnp.float32),
        pltpu.VMEM((CH, D), jnp.float32),
        pltpu.VMEM((CH,), jnp.int32),
        pltpu.VMEM((CH,), jnp.int32),
        pltpu.VMEM((CH,), jnp.int32),
        pltpu.VMEM((CH,), jnp.int32),
        pltpu.VMEM((CH,), jnp.float32),
    ] + [pltpu.SemaphoreType.DMA] * 10,
)(_agg_body)


NFC = NCH3 // NW


def _seg1_body(src2, dst2, r_hbm, zcnt_hbm,
               s2_out, sacc, r_local,
               vals0, vals1, s0, s1, d0, d1, d2, d3,
               sl0, sl1, si0, si1, si2, si3, sc0, sc1, sc2, sc3):
  c = lax.axis_index("c")
  s = lax.axis_index("s")
  wid = s * NC + c
  row0 = s * ROWS_PT
  base = wid * NFC
  sbufs = (s0, s1)
  dbufs = (d0, d1, d2, d3)
  vbufs = (vals0, vals1)
  lsems = (sl0, sl1)
  isems = (si0, si1, si2, si3)
  csems = (sc0, sc1, sc2, sc3)
  pltpu.sync_copy(zcnt_hbm, sacc.at[pl.ds(row0, ROWS_PT)])
  pltpu.sync_copy(r_hbm, r_local)

  def fire_sidx(i, b2):
    pltpu.async_copy(src2.at[base + i], sbufs[b2], lsems[b2])

  def fire_didx(i, b4):
    pltpu.async_copy(dst2.at[base + i], dbufs[b4], isems[b4])

  for b in range(2):
    fire_sidx(b, b)
    fire_didx(b, b)
  plsc.subcore_barrier()

  def fill(vbuf, sbuf):
    for k in range(CHK // 16):
      vs = sbuf[pl.ds(k * 16, 16)]
      vbuf[pl.ds(k * 16, 16)] = plsc.load_gather(r_local, [vs])

  def group(j, carry):
    for b in range(4):
      i = 4 * j + b
      b2 = b % 2
      vbuf, sbuf = vbufs[b2], sbufs[b2]
      pltpu.make_async_copy(src2.at[base], sbuf, lsems[b2]).wait()
      pltpu.make_async_copy(dst2.at[base], dbufs[b], isems[b]).wait()

      @pl.when(i >= 2)
      def _():
        pltpu.make_async_copy(vbuf, sacc.at[d0], csems[(b + 2) % 4]).wait()

      fill(vbuf, sbuf)

      @pl.when(i + 2 < NFC)
      def _():
        fire_sidx(i + 2, b2)
        fire_didx(i + 2, (b + 2) % 4)

      pltpu.async_copy(vbuf, sacc.at[dbufs[b]], csems[b], add=True)
    return carry

  lax.fori_loop(0, NFC // 4, group, jnp.int32(0))
  pltpu.make_async_copy(vals0, sacc.at[d0], csems[(NFC - 2) % 4]).wait()
  pltpu.make_async_copy(vals1, sacc.at[d0], csems[(NFC - 1) % 4]).wait()
  plsc.subcore_barrier()
  pltpu.sync_copy(sacc.at[pl.ds(row0, ROWS_PT)],
                  s2_out.at[c, pl.ds(row0, ROWS_PT)])


_stage_c = functools.partial(
    pl.kernel,
    out_type=jax.ShapeDtypeStruct((NC, NPAD), jnp.float32),
    mesh=_mesh,
    compiler_params=pltpu.CompilerParams(needs_layout_passes=False, skip_device_barrier=True),
    scratch_types=[
        pltpu.VMEM_SHARED((NPAD,), jnp.float32),
        pltpu.VMEM((NPAD,), jnp.float32),
        pltpu.VMEM((CHK,), jnp.float32),
        pltpu.VMEM((CHK,), jnp.float32),
        pltpu.VMEM((CHK,), jnp.int32),
        pltpu.VMEM((CHK,), jnp.int32),
        pltpu.VMEM((CHK,), jnp.int32),
        pltpu.VMEM((CHK,), jnp.int32),
        pltpu.VMEM((CHK,), jnp.int32),
        pltpu.VMEM((CHK,), jnp.int32),
    ] + [pltpu.SemaphoreType.DMA] * 10,
)(_seg1_body)


BN = 1024


def _h_body(agg_ref, cntb_ref, x_ref, wl_ref, bl_ref, wr_ref, wcat_ref,
            h_ref, rrgt_ref):
  a = agg_ref[0] + agg_ref[1]
  mean = a / jnp.maximum(cntb_ref[...], 1.0)
  h = jnp.dot(mean, wl_ref[...], preferred_element_type=jnp.float32)
  h += jnp.dot(x_ref[...], wr_ref[...], preferred_element_type=jnp.float32)
  h = jnp.maximum(h + bl_ref[...], 0.0)
  h_ref[...] = h
  rrgt_ref[...] = lax.dot_general(
      wcat_ref[...], h, (((0,), (1,)), ((), ())),
      preferred_element_type=jnp.float32)


def _stage_b(aggp, cntb, xpad, wl, bl, wr, wcat):
  return pl.pallas_call(
      _h_body,
      grid=(NPAD // BN,),
      in_specs=[
          pl.BlockSpec((NC, BN, D), lambda i: (0, i, 0)),
          pl.BlockSpec((BN, 1), lambda i: (i, 0)),
          pl.BlockSpec((BN, D), lambda i: (i, 0)),
          pl.BlockSpec((D, D), lambda i: (0, 0)),
          pl.BlockSpec((1, D), lambda i: (0, 0)),
          pl.BlockSpec((D, D), lambda i: (0, 0)),
          pl.BlockSpec((D, D), lambda i: (0, 0)),
      ],
      out_specs=[
          pl.BlockSpec((BN, D), lambda i: (i, 0)),
          pl.BlockSpec((D, BN), lambda i: (0, i)),
      ],
      out_shape=[
          jax.ShapeDtypeStruct((NPAD, D), jnp.float32),
          jax.ShapeDtypeStruct((D, NPAD), jnp.float32),
      ],
  )(aggp, cntb, xpad, wl, bl, wr, wcat)


NROW = NPAD // 128


def _readout_body(s2p_ref, rho_ref, g_ref, h_ref, brel_ref, bgate_ref,
                  out_ref, coef_ref):
  s2 = s2p_ref[0] + s2p_ref[1]
  score = jnp.tanh(s2 + rho_ref[...] + brel_ref[...])
  ub = lax.bitcast_convert_type(score, jnp.uint32)
  sgn = ub >> jnp.uint32(31)
  flip = jnp.where(sgn == jnp.uint32(1),
                   jnp.uint32(0xFFFFFFFF), jnp.uint32(0x80000000))
  key = ub ^ flip
  rows = lax.broadcasted_iota(jnp.int32, (NROW, 128), 0)
  cols = lax.broadcasted_iota(jnp.int32, (NROW, 128), 1)
  idx = rows * 128 + cols
  key = jnp.where(idx < N, key, jnp.uint32(0))

  def cnt_ge(m):
    return jnp.sum((key >= m).astype(jnp.int32))

  def bit_body(i, t):
    cand = t | (jnp.uint32(1) << (jnp.uint32(31) - i.astype(jnp.uint32)))
    return jnp.where(cnt_ge(cand) >= K, cand, t)

  t = lax.fori_loop(0, 32, bit_body, jnp.uint32(0))
  c_gt = cnt_ge(t + jnp.uint32(1))
  r_extra = K - c_gt
  ties = key == t

  def tie_cnt(j):
    return jnp.sum((ties & (idx <= j)).astype(jnp.int32))

  def bs_body(i, lohi):
    lo, hi = lohi
    mid = (lo + hi) // 2
    pred = tie_cnt(mid) >= r_extra
    return (jnp.where(pred, lo, mid + 1), jnp.where(pred, mid, hi))

  jstar, _ = lax.fori_loop(0, 14, bs_body,
                           (jnp.int32(0), jnp.int32(NPAD - 1)))
  sel = (key > t) | (ties & (idx <= jstar))

  gate = score * g_ref[...] + bgate_ref[...]
  gmax = jnp.max(jnp.where(sel, gate, -1e30))
  e = jnp.where(sel, jnp.exp(gate - gmax), 0.0)
  z = jnp.sum(e)
  coef_ref[...] = e * score / z

  h3 = h_ref[...].reshape(NROW, 128, D)
  coef3 = coef_ref[...].reshape(NROW, 1, 128)
  prods = lax.dot_general(coef3, h3, (((2,), (1,)), ((0,), (0,))),
                          preferred_element_type=jnp.float32)
  out_ref[...] = jnp.sum(prods, axis=0)


def _stage_d(s2p3, rho2d, g2d, h, brelb, bgateb):
  return pl.pallas_call(
      _readout_body,
      out_shape=jax.ShapeDtypeStruct((1, D), jnp.float32),
      scratch_shapes=[pltpu.VMEM((NROW, 128), jnp.float32)],
  )(s2p3, rho2d, g2d, h, brelb, bgateb)


@jax.jit
def kernel(x, edge_index, W_l, b_l, W_r, W_rel, b_rel, W_root, W_gate,
           b_gate):
  src = edge_index[0]
  dst = edge_index[1]
  npad_e = EPAD - E
  fill = jnp.arange(npad_e, dtype=jnp.int32)
  src_p = jnp.concatenate([src, fill % N])
  dst_p = jnp.concatenate([dst, N + fill % (NPAD - N)])
  src2 = src_p.reshape(NCH3, CHK)
  dst2 = dst_p.reshape(NCH3, CHK)
  zrow = jnp.zeros((ROWS_PT, D), jnp.float32)
  zcnt = jnp.zeros((ROWS_PT,), jnp.float32)
  ones = jnp.ones((CH,), jnp.float32)

  aggp, cntp = _stage_a(src_p, dst_p, x, zrow, zcnt, ones)

  csum = cntp[0] + cntp[1]
  cntb = csum[:, None]
  xpad = jnp.pad(x, ((0, NPAD - N), (0, 0)))
  wcat = jnp.concatenate(
      [W_rel, W_root, W_gate, jnp.zeros((D, D - 3), jnp.float32)], axis=1)
  h, rrgt = _stage_b(aggp, cntb, xpad, W_l, b_l.reshape(1, D), W_r, wcat)

  r = rrgt[0]
  s2p = _stage_c(src2, dst2, r, zcnt)

  s2p3 = s2p.reshape(NC, NROW, 128)
  rho2d = rrgt[1].reshape(NROW, 128)
  g2d = rrgt[2].reshape(NROW, 128)
  brelb = jnp.broadcast_to(b_rel.reshape(1, 1), (1, 128))
  bgateb = jnp.broadcast_to(b_gate.reshape(1, 1), (1, 128))
  return _stage_d(s2p3, rho2d, g2d, h, brelb, bgateb)

# --- scband reference (transcript-rebuilt; emitter-appended) ---
"""Pipeline reference for scband-path-feature-33114197852441 (READ-ONLY COPY).

The authoritative reference and input builder live on the scoring server;
editing this copy changes nothing except your own understanding.
"""

import jax, jax.numpy as jnp
import numpy as np

N, E, D = 10000, 320000, 128
RATIO = 0.8

def setup_inputs(seed: int = 0) -> dict:
    key = jax.random.key(seed)
    ks = jax.random.split(key, 10)
    x = jax.random.normal(ks[0], (N, D), dtype=jnp.float32)
    edge_index = jax.random.randint(ks[1], (2, E), 0, N, dtype=jnp.int32)
    s = 1.0 / np.sqrt(D)
    # SAGEConv(D, D): lin_l (aggregated neighbors, with bias), lin_r (root, no bias)
    W_l = jax.random.uniform(ks[2], (D, D), jnp.float32, -s, s)
    b_l = jax.random.uniform(ks[3], (D,), jnp.float32, -s, s)
    W_r = jax.random.uniform(ks[4], (D, D), jnp.float32, -s, s)
    # SAGPooling gnn = GraphConv(D, 1): lin_rel (with bias), lin_root (no bias)
    W_rel = jax.random.uniform(ks[5], (D, 1), jnp.float32, -s, s)
    b_rel = jax.random.uniform(ks[6], (1,), jnp.float32, -s, s)
    W_root = jax.random.uniform(ks[7], (D, 1), jnp.float32, -s, s)
    # GlobalAttention gate_nn = Linear(D, 1)
    W_gate = jax.random.uniform(ks[8], (D, 1), jnp.float32, -s, s)
    b_gate = jax.random.uniform(ks[9], (1,), jnp.float32, -s, s)
    return {"x": x, "edge_index": edge_index, "W_l": W_l, "b_l": b_l, "W_r": W_r,
            "W_rel": W_rel, "b_rel": b_rel, "W_root": W_root,
            "W_gate": W_gate, "b_gate": b_gate}

def reference(x, edge_index, W_l, b_l, W_r, W_rel, b_rel, W_root, W_gate, b_gate):
    n = x.shape[0]
    src = edge_index[0]
    dst = edge_index[1]
    # --- SAGEConv (mean aggregation over incoming neighbors) ---
    agg = jax.ops.segment_sum(x[src], dst, num_segments=n)
    cnt = jax.ops.segment_sum(jnp.ones((src.shape[0],), x.dtype), dst, num_segments=n)
    mean = agg / jnp.maximum(cnt, 1.0)[:, None]
    h = mean @ W_l + b_l + x @ W_r
    h = jax.nn.relu(h)
    # --- SAGPooling: score = tanh(GraphConv(h)); topk ratio=0.8 ---
    agg2 = jax.ops.segment_sum(h[src], dst, num_segments=n)
    score = (agg2 @ W_rel + b_rel + h @ W_root).reshape(-1)
    score = jnp.tanh(score)
    k = int(np.ceil(RATIO * n))
    top_scores, perm = jax.lax.top_k(score, k)
    xp = h[perm] * top_scores[:, None]
    # --- GlobalAttention readout (single graph) ---
    gate = xp @ W_gate + b_gate  # [k, 1]
    alpha = jax.nn.softmax(gate, axis=0)
    out = jnp.sum(alpha * xp, axis=0, keepdims=True)  # [1, D]
    return out

if __name__ == "__main__":
    import jax
    _d = setup_inputs()
    print(jax.jit(kernel)(*tuple(_d.values())))

</pallas_src>

<mosaic_0001>
#map = affine_map<(d0, d1) -> (0)>
#map1 = affine_map<(d0, d1) -> (0, 0)>
#map2 = affine_map<(d0, d1) -> (0, 0, 0)>
module attributes {stable_mosaic.version = 14 : i64} {
  func.func @_agg_body(%arg0: i32, %arg1: i32, %arg2: memref<327680xi32, #tpu.memory_space<hbm>>, %arg3: memref<327680xi32, #tpu.memory_space<hbm>>, %arg4: memref<10000x128xf32, #tpu.memory_space<hbm>>, %arg5: memref<640x128xf32, #tpu.memory_space<hbm>>, %arg6: memref<640xf32, #tpu.memory_space<hbm>>, %arg7: memref<128xf32, #tpu.memory_space<hbm>>, %arg8: memref<2x10240x128xf32, #tpu.memory_space<hbm>>, %arg9: memref<2x10240xf32, #tpu.memory_space<hbm>>, %arg10: memref<10240x128xf32, #tpu.memory_space<vmem_shared>>, %arg11: memref<10240xf32, #tpu.memory_space<vmem_shared>>, %arg12: memref<10240xi32, #tpu.memory_space<vmem>>, %arg13: memref<128x128xf32, #tpu.memory_space<vmem>>, %arg14: memref<128x128xf32, #tpu.memory_space<vmem>>, %arg15: memref<128xi32, #tpu.memory_space<vmem>>, %arg16: memref<128xi32, #tpu.memory_space<vmem>>, %arg17: memref<128xi32, #tpu.memory_space<vmem>>, %arg18: memref<128xi32, #tpu.memory_space<vmem>>, %arg19: memref<128xf32, #tpu.memory_space<vmem>>, %arg20: memref<!tpu.dma_semaphore, #tpu.memory_space<semaphore_mem>>, %arg21: memref<!tpu.dma_semaphore, #tpu.memory_space<semaphore_mem>>, %arg22: memref<!tpu.dma_semaphore, #tpu.memory_space<semaphore_mem>>, %arg23: memref<!tpu.dma_semaphore, #tpu.memory_space<semaphore_mem>>, %arg24: memref<!tpu.dma_semaphore, #tpu.memory_space<semaphore_mem>>, %arg25: memref<!tpu.dma_semaphore, #tpu.memory_space<semaphore_mem>>, %arg26: memref<!tpu.dma_semaphore, #tpu.memory_space<semaphore_mem>>, %arg27: memref<!tpu.dma_semaphore, #tpu.memory_space<semaphore_mem>>, %arg28: memref<!tpu.dma_semaphore, #tpu.memory_space<semaphore_mem>>, %arg29: memref<!tpu.dma_semaphore, #tpu.memory_space<semaphore_mem>>) attributes {dimension_semantics = [#tpu.dimension_semantics<core_parallel>, #tpu.dimension_semantics<subcore_parallel>], iteration_bounds = array<i64: 2, 16>, scalar_prefetch = 0 : i64, scratch_operands = 20 : i64, tpu.core_type = #tpu.core_type<sc_vector_subcore>, window_params = [{transform_indices = #map}, {transform_indices = #map}, {transform_indices = #map1}, {transform_indices = #map1}, {transform_indices = #map}, {transform_indices = #map}, {transform_indices = #map2}, {transform_indices = #map1}]} {
    %mul3A = arith.constant 2 : i32
    %mul3A_0 = arith.muli %arg1, %mul3A : i32
    %add3A = arith.addi %mul3A_0, %arg0 : i32
    %mul3A_1 = arith.constant 640 : i32
    %mul3A_2 = arith.muli %arg1, %mul3A_1 : i32
    %mul3A_3 = arith.constant 10240 : i32
    %mul3A_4 = arith.muli %add3A, %mul3A_3 : i32
    "tpu.region"() ({
      %run_scoped3A = tpu.sem_alloc : memref<!tpu.dma_semaphore, #tpu.memory_space<semaphore_mem>>
      %dma_start3A_35 = arith.constant 0 : i32
      %dma_start3A_36 = tpu.memref_slice %arg10[%mul3A_2, %dma_start3A_35] : memref<10240x128xf32, #tpu.memory_space<vmem_shared>> -> memref<640x128xf32, #tpu.memory_space<vmem_shared>>
      tpu.enqueue_dma source(%arg5 : memref<640x128xf32, #tpu.memory_space<hbm>>) target(%dma_start3A_36 : memref<640x128xf32, #tpu.memory_space<vmem_shared>>) target_semaphore(%run_scoped3A : memref<!tpu.dma_semaphore, #tpu.memory_space<semaphore_mem>>)
      %dma_wait3A_37 = arith.constant 0 : i32
      %dma_wait3A_38 = tpu.memref_slice %arg10[%mul3A_2, %dma_wait3A_37] : memref<10240x128xf32, #tpu.memory_space<vmem_shared>> -> memref<640x128xf32, #tpu.memory_space<vmem_shared>>
      tpu.wait_dma2 semaphore(%run_scoped3A : memref<!tpu.dma_semaphore, #tpu.memory_space<semaphore_mem>>) src(%arg5 : memref<640x128xf32, #tpu.memory_space<hbm>>) dst(%dma_wait3A_38 : memref<640x128xf32, #tpu.memory_space<vmem_shared>>)
      tpu.yield
    }) : () -> ()
    "tpu.region"() ({
      %run_scoped3A = tpu.sem_alloc : memref<!tpu.dma_semaphore, #tpu.memory_space<semaphore_mem>>
      %dma_start3A_35 = tpu.memref_slice %arg11[%mul3A_2] : memref<10240xf32, #tpu.memory_space<vmem_shared>> -> memref<640xf32, #tpu.memory_space<vmem_shared>>
      tpu.enqueue_dma source(%arg6 : memref<640xf32, #tpu.memory_space<hbm>>) target(%dma_start3A_35 : memref<640xf32, #tpu.memory_space<vmem_shared>>) target_semaphore(%run_scoped3A : memref<!tpu.dma_semaphore, #tpu.memory_space<semaphore_mem>>)
      %dma_wait3A_36 = tpu.memref_slice %arg11[%mul3A_2] : memref<10240xf32, #tpu.memory_space<vmem_shared>> -> memref<640xf32, #tpu.memory_space<vmem_shared>>
      tpu.wait_dma2 semaphore(%run_scoped3A : memref<!tpu.dma_semaphore, #tpu.memory_space<semaphore_mem>>) src(%arg6 : memref<640xf32, #tpu.memory_space<hbm>>) dst(%dma_wait3A_36 : memref<640xf32, #tpu.memory_space<vmem_shared>>)
      tpu.yield
    }) : () -> ()
    "tpu.region"() ({
      %run_scoped3A = tpu.sem_alloc : memref<!tpu.dma_semaphore, #tpu.memory_space<semaphore_mem>>
      tpu.enqueue_dma source(%arg7 : memref<128xf32, #tpu.memory_space<hbm>>) target(%arg19 : memref<128xf32, #tpu.memory_space<vmem>>) target_semaphore(%run_scoped3A : memref<!tpu.dma_semaphore, #tpu.memory_space<semaphore_mem>>)
      tpu.wait_dma2 semaphore(%run_scoped3A : memref<!tpu.dma_semaphore, #tpu.memory_space<semaphore_mem>>) src(%arg7 : memref<128xf32, #tpu.memory_space<hbm>>) dst(%arg19 : memref<128xf32, #tpu.memory_space<vmem>>)
      tpu.yield
    }) : () -> ()
    "tpu.region"() ({
      %run_scoped3A = tpu.sem_alloc : memref<!tpu.dma_semaphore, #tpu.memory_space<semaphore_mem>>
      %dma_start3A_35 = tpu.memref_slice %arg2[%mul3A_4] : memref<327680xi32, #tpu.memory_space<hbm>> -> memref<10240xi32, #tpu.memory_space<hbm>>
      %dma_start3A_36 = tpu.memref_slice %arg2[%mul3A_4] : memref<327680xi32, #tpu.memory_space<hbm>> -> memref<10240xi32, #tpu.memory_space<hbm>>
      tpu.enqueue_dma source(%dma_start3A_36 : memref<10240xi32, #tpu.memory_space<hbm>>) target(%arg12 : memref<10240xi32, #tpu.memory_space<vmem>>) target_semaphore(%run_scoped3A : memref<!tpu.dma_semaphore, #tpu.memory_space<semaphore_mem>>)
      %dma_wait3A_37 = tpu.memref_slice %arg2[%mul3A_4] : memref<327680xi32, #tpu.memory_space<hbm>> -> memref<10240xi32, #tpu.memory_space<hbm>>
      %dma_wait3A_38 = tpu.memref_slice %arg2[%mul3A_4] : memref<327680xi32, #tpu.memory_space<hbm>> -> memref<10240xi32, #tpu.memory_space<hbm>>
      tpu.wait_dma2 semaphore(%run_scoped3A : memref<!tpu.dma_semaphore, #tpu.memory_space<semaphore_mem>>) src(%dma_wait3A_38 : memref<10240xi32, #tpu.memory_space<hbm>>) dst(%arg12 : memref<10240xi32, #tpu.memory_space<vmem>>)
      tpu.yield
    }) : () -> ()
    %barrier3A = arith.constant 0 : index
    tpu.barrier barrier_id(%barrier3A)
    %add3A_5 = arith.constant 0 : i32
    %add3A_6 = arith.addi %mul3A_4, %add3A_5 : i32
    %dma_start3A = tpu.memref_slice %arg3[%add3A_6] : memref<327680xi32, #tpu.memory_space<hbm>> -> memref<128xi32, #tpu.memory_space<hbm>>
    %dma_start3A_7 = tpu.memref_slice %arg3[%add3A_6] : memref<327680xi32, #tpu.memory_space<hbm>> -> memref<128xi32, #tpu.memory_space<hbm>>
    tpu.enqueue_dma source(%dma_start3A_7 : memref<128xi32, #tpu.memory_space<hbm>>) target(%arg15 : memref<128xi32, #tpu.memory_space<vmem>>) target_semaphore(%arg22 : memref<!tpu.dma_semaphore, #tpu.memory_space<semaphore_mem>>)
    %add3A_8 = arith.constant 128 : i32
    %add3A_9 = arith.addi %mul3A_4, %add3A_8 : i32
    %dma_start3A_10 = tpu.memref_slice %arg3[%add3A_9] : memref<327680xi32, #tpu.memory_space<hbm>> -> memref<128xi32, #tpu.memory_space<hbm>>
    %dma_start3A_11 = tpu.memref_slice %arg3[%add3A_9] : memref<327680xi32, #tpu.memory_space<hbm>> -> memref<128xi32, #tpu.memory_space<hbm>>
    tpu.enqueue_dma source(%dma_start3A_11 : memref<128xi32, #tpu.memory_space<hbm>>) target(%arg16 : memref<128xi32, #tpu.memory_space<vmem>>) target_semaphore(%arg23 : memref<!tpu.dma_semaphore, #tpu.memory_space<semaphore_mem>>)
    %dma_start3A_12 = arith.constant 0 : i32
    %dma_start3A_13 = tpu.memref_slice %arg12[%dma_start3A_12] : memref<10240xi32, #tpu.memory_space<vmem>> -> memref<128xi32, #tpu.memory_space<vmem>>
    %dma_start3A_14 = arith.constant 0 : i32
    %dma_start3A_15 = arith.constant 0 : i32
    %dma_start3A_16 = tpu.memref_slice %arg4[%dma_start3A_14, %dma_start3A_15] : memref<10000x128xf32, #tpu.memory_space<hbm>> -> memref<10000x128xf32, #tpu.memory_space<hbm>>
    tpu.enqueue_indirect_dma source(%dma_start3A_16 : memref<10000x128xf32, #tpu.memory_space<hbm>>) target(%arg13 : memref<128x128xf32, #tpu.memory_space<vmem>>) offsets(%dma_start3A_13 : memref<128xi32, #tpu.memory_space<vmem>>) semaphore(%arg20 : memref<!tpu.dma_semaphore, #tpu.memory_space<semaphore_mem>>)
    %dma_start3A_17 = arith.constant 128 : i32
    %dma_start3A_18 = tpu.memref_slice %arg12[%dma_start3A_17] : memref<10240xi32, #tpu.memory_space<vmem>> -> memref<128xi32, #tpu.memory_space<vmem>>
    %dma_start3A_19 = arith.constant 0 : i32
    %dma_start3A_20 = arith.constant 0 : i32
    %dma_start3A_21 = tpu.memref_slice %arg4[%dma_start3A_19, %dma_start3A_20] : memref<10000x128xf32, #tpu.memory_space<hbm>> -> memref<10000x128xf32, #tpu.memory_space<hbm>>
    tpu.enqueue_indirect_dma source(%dma_start3A_21 : memref<10000x128xf32, #tpu.memory_space<hbm>>) target(%arg14 : memref<128x128xf32, #tpu.memory_space<vmem>>) offsets(%dma_start3A_18 : memref<128xi32, #tpu.memory_space<vmem>>) semaphore(%arg21 : memref<!tpu.dma_semaphore, #tpu.memory_space<semaphore_mem>>)
    %scan3A = arith.constant 0 : i32
    %scan3A_22 = arith.constant 0 : i32
    %scan3A_23 = arith.constant 20 : i32
    %scan3A_24 = arith.addi %scan3A_22, %scan3A_23 : i32
    %scan3A_25 = arith.constant 1 : i32
    scf.for %scan3A_35 = %scan3A_22 to %scan3A_24 step %scan3A_25  : i32 {
      %mul3A_36 = arith.constant 4 : i32
      %mul3A_37 = arith.muli %mul3A_36, %scan3A_35 : i32
      %add3A_38 = arith.constant 0 : i32
      %add3A_39 = arith.addi %mul3A_37, %add3A_38 : i32
      %dma_wait3A_40 = tpu.memref_slice %arg3[%mul3A_4] : memref<327680xi32, #tpu.memory_space<hbm>> -> memref<128xi32, #tpu.memory_space<hbm>>
      %dma_wait3A_41 = tpu.memref_slice %arg3[%mul3A_4] : memref<327680xi32, #tpu.memory_space<hbm>> -> memref<128xi32, #tpu.memory_space<hbm>>
      tpu.wait_dma2 semaphore(%arg22 : memref<!tpu.dma_semaphore, #tpu.memory_space<semaphore_mem>>) src(%dma_wait3A_41 : memref<128xi32, #tpu.memory_space<hbm>>) dst(%arg15 : memref<128xi32, #tpu.memory_space<vmem>>)
      %dma_wait3A_42 = arith.constant 0 : i32
      %dma_wait3A_43 = tpu.memref_slice %arg12[%dma_wait3A_42] : memref<10240xi32, #tpu.memory_space<vmem>> -> memref<128xi32, #tpu.memory_space<vmem>>
      %dma_wait3A_44 = arith.constant 0 : i32
      %dma_wait3A_45 = arith.constant 0 : i32
      %dma_wait3A_46 = tpu.memref_slice %arg4[%dma_wait3A_44, %dma_wait3A_45] : memref<10000x128xf32, #tpu.memory_space<hbm>> -> memref<10000x128xf32, #tpu.memory_space<hbm>>
      tpu.wait_indirect_dma semaphore(%arg20 : memref<!tpu.dma_semaphore, #tpu.memory_space<semaphore_mem>>) src(%dma_wait3A_46 : memref<10000x128xf32, #tpu.memory_space<hbm>>) dst(%arg13 : memref<128x128xf32, #tpu.memory_space<vmem>>)
      "tpu.region"() ({
        %run_scoped3A = tpu.sem_alloc : memref<!tpu.dma_semaphore, #tpu.memory_space<semaphore_mem>>
        %dma_start3A_113 = arith.constant 0 : i32
        %dma_start3A_114 = arith.constant 0 : i32
        %dma_start3A_115 = tpu.memref_slice %arg10[%dma_start3A_113, %dma_start3A_114] : memref<10240x128xf32, #tpu.memory_space<vmem_shared>> -> memref<10240x128xf32, #tpu.memory_space<vmem_shared>>
        tpu.enqueue_indirect_dma source(%arg13 : memref<128x128xf32, #tpu.memory_space<vmem>>) target(%dma_start3A_115 : memref<10240x128xf32, #tpu.memory_space<vmem_shared>>) offsets(%arg15 : memref<128xi32, #tpu.memory_space<vmem>>) semaphore(%run_scoped3A : memref<!tpu.dma_semaphore, #tpu.memory_space<semaphore_mem>>) {add = true}
        %dma_wait3A_116 = arith.constant 0 : i32
        %dma_wait3A_117 = arith.constant 0 : i32
        %dma_wait3A_118 = tpu.memref_slice %arg10[%dma_wait3A_116, %dma_wait3A_117] : memref<10240x128xf32, #tpu.memory_space<vmem_shared>> -> memref<10240x128xf32, #tpu.memory_space<vmem_shared>>
        tpu.wait_indirect_dma semaphore(%run_scoped3A : memref<!tpu.dma_semaphore, #tpu.memory_space<semaphore_mem>>) src(%arg13 : memref<128x128xf32, #tpu.memory_space<vmem>>) dst(%dma_wait3A_118 : memref<10240x128xf32, #tpu.memory_space<vmem_shared>>)
        tpu.yield
      }) : () -> ()
      %dma_start3A_47 = arith.constant 0 : i32
      %dma_start3A_48 = tpu.memref_slice %arg11[%dma_start3A_47] : memref<10240xf32, #tpu.memory_space<vmem_shared>> -> memref<10240xf32, #tpu.memory_space<vmem_shared>>
      tpu.enqueue_indirect_dma source(%arg19 : memref<128xf32, #tpu.memory_space<vmem>>) target(%dma_start3A_48 : memref<10240xf32, #tpu.memory_space<vmem_shared>>) offsets(%arg15 : memref<128xi32, #tpu.memory_space<vmem>>) semaphore(%arg26 : memref<!tpu.dma_semaphore, #tpu.memory_space<semaphore_mem>>) {add = true}
      %add3A_49 = arith.constant 2 : i32
      %add3A_50 = arith.addi %add3A_39, %add3A_49 : i32
      %lt3A = arith.constant 80 : i32
      %lt3A_51 = arith.cmpi slt, %add3A_50, %lt3A : i32
      %convert_element_type3A = arith.extui %lt3A_51 : i1 to i32
      %cond3A = arith.constant 0 : i32
      %cond3A_52 = arith.cmpi ne, %convert_element_type3A, %cond3A : i32
      scf.if %cond3A_52 {
        %ge3A = arith.constant 2 : i32
        %ge3A_113 = arith.cmpi sge, %add3A_39, %ge3A : i32
        %convert_element_type3A_114 = arith.extui %ge3A_113 : i1 to i32
        %cond3A_115 = arith.constant 0 : i32
        %cond3A_116 = arith.cmpi ne, %convert_element_type3A_114, %cond3A_115 : i32
        scf.if %cond3A_116 {
          %dma_wait3A_132 = arith.constant 0 : i32
          %dma_wait3A_133 = tpu.memref_slice %arg11[%dma_wait3A_132] : memref<10240xf32, #tpu.memory_space<vmem_shared>> -> memref<10240xf32, #tpu.memory_space<vmem_shared>>
          tpu.wait_indirect_dma semaphore(%arg28 : memref<!tpu.dma_semaphore, #tpu.memory_space<semaphore_mem>>) src(%arg19 : memref<128xf32, #tpu.memory_space<vmem>>) dst(%dma_wait3A_133 : memref<10240xf32, #tpu.memory_space<vmem_shared>>)
        } else {
        }
        %add3A_117 = arith.constant 2 : i32
        %add3A_118 = arith.addi %add3A_39, %add3A_117 : i32
        %mul3A_119 = arith.constant 128 : i32
        %mul3A_120 = arith.muli %add3A_118, %mul3A_119 : i32
        %add3A_121 = arith.addi %mul3A_4, %mul3A_120 : i32
        %dma_start3A_122 = tpu.memref_slice %arg3[%add3A_121] : memref<327680xi32, #tpu.memory_space<hbm>> -> memref<128xi32, #tpu.memory_space<hbm>>
        %dma_start3A_123 = tpu.memref_slice %arg3[%add3A_121] : memref<327680xi32, #tpu.memory_space<hbm>> -> memref<128xi32, #tpu.memory_space<hbm>>
        tpu.enqueue_dma source(%dma_start3A_123 : memref<128xi32, #tpu.memory_space<hbm>>) target(%arg17 : memref<128xi32, #tpu.memory_space<vmem>>) target_semaphore(%arg24 : memref<!tpu.dma_semaphore, #tpu.memory_space<semaphore_mem>>)
        %add3A_124 = arith.constant 2 : i32
        %add3A_125 = arith.addi %add3A_39, %add3A_124 : i32
        %mul3A_126 = arith.constant 128 : i32
        %mul3A_127 = arith.muli %add3A_125, %mul3A_126 : i32
        %dma_start3A_128 = tpu.memref_slice %arg12[%mul3A_127] : memref<10240xi32, #tpu.memory_space<vmem>> -> memref<128xi32, #tpu.memory_space<vmem>>
        %dma_start3A_129 = arith.constant 0 : i32
        %dma_start3A_130 = arith.constant 0 : i32
        %dma_start3A_131 = tpu.memref_slice %arg4[%dma_start3A_129, %dma_start3A_130] : memref<10000x128xf32, #tpu.memory_space<hbm>> -> memref<10000x128xf32, #tpu.memory_space<hbm>>
        tpu.enqueue_indirect_dma source(%dma_start3A_131 : memref<10000x128xf32, #tpu.memory_space<hbm>>) target(%arg13 : memref<128x128xf32, #tpu.memory_space<vmem>>) offsets(%dma_start3A_128 : memref<128xi32, #tpu.memory_space<vmem>>) semaphore(%arg20 : memref<!tpu.dma_semaphore, #tpu.memory_space<semaphore_mem>>)
      } else {
      }
      %mul3A_53 = arith.constant 4 : i32
      %mul3A_54 = arith.muli %mul3A_53, %scan3A_35 : i32
      %add3A_55 = arith.constant 1 : i32
      %add3A_56 = arith.addi %mul3A_54, %add3A_55 : i32
      %dma_wait3A_57 = tpu.memref_slice %arg3[%mul3A_4] : memref<327680xi32, #tpu.memory_space<hbm>> -> memref<128xi32, #tpu.memory_space<hbm>>
      %dma_wait3A_58 = tpu.memref_slice %arg3[%mul3A_4] : memref<327680xi32, #tpu.memory_space<hbm>> -> memref<128xi32, #tpu.memory_space<hbm>>
      tpu.wait_dma2 semaphore(%arg23 : memref<!tpu.dma_semaphore, #tpu.memory_space<semaphore_mem>>) src(%dma_wait3A_58 : memref<128xi32, #tpu.memory_space<hbm>>) dst(%arg16 : memref<128xi32, #tpu.memory_space<vmem>>)
      %dma_wait3A_59 = arith.constant 0 : i32
      %dma_wait3A_60 = tpu.memref_slice %arg12[%dma_wait3A_59] : memref<10240xi32, #tpu.memory_space<vmem>> -> memref<128xi32, #tpu.memory_space<vmem>>
      %dma_wait3A_61 = arith.constant 0 : i32
      %dma_wait3A_62 = arith.constant 0 : i32
      %dma_wait3A_63 = tpu.memref_slice %arg4[%dma_wait3A_61, %dma_wait3A_62] : memref<10000x128xf32, #tpu.memory_space<hbm>> -> memref<10000x128xf32, #tpu.memory_space<hbm>>
      tpu.wait_indirect_dma semaphore(%arg21 : memref<!tpu.dma_semaphore, #tpu.memory_space<semaphore_mem>>) src(%dma_wait3A_63 : memref<10000x128xf32, #tpu.memory_space<hbm>>) dst(%arg14 : memref<128x128xf32, #tpu.memory_space<vmem>>)
      "tpu.region"() ({
        %run_scoped3A = tpu.sem_alloc : memref<!tpu.dma_semaphore, #tpu.memory_space<semaphore_mem>>
        %dma_start3A_113 = arith.constant 0 : i32
        %dma_start3A_114 = arith.constant 0 : i32
        %dma_start3A_115 = tpu.memref_slice %arg10[%dma_start3A_113, %dma_start3A_114] : memref<10240x128xf32, #tpu.memory_space<vmem_shared>> -> memref<10240x128xf32, #tpu.memory_space<vmem_shared>>
        tpu.enqueue_indirect_dma source(%arg14 : memref<128x128xf32, #tpu.memory_space<vmem>>) target(%dma_start3A_115 : memref<10240x128xf32, #tpu.memory_space<vmem_shared>>) offsets(%arg16 : memref<128xi32, #tpu.memory_space<vmem>>) semaphore(%run_scoped3A : memref<!tpu.dma_semaphore, #tpu.memory_space<semaphore_mem>>) {add = true}
        %dma_wait3A_116 = arith.constant 0 : i32
        %dma_wait3A_117 = arith.constant 0 : i32
        %dma_wait3A_118 = tpu.memref_slice %arg10[%dma_wait3A_116, %dma_wait3A_117] : memref<10240x128xf32, #tpu.memory_space<vmem_shared>> -> memref<10240x128xf32, #tpu.memory_space<vmem_shared>>
        tpu.wait_indirect_dma semaphore(%run_scoped3A : memref<!tpu.dma_semaphore, #tpu.memory_space<semaphore_mem>>) src(%arg14 : memref<128x128xf32, #tpu.memory_space<vmem>>) dst(%dma_wait3A_118 : memref<10240x128xf32, #tpu.memory_space<vmem_shared>>)
        tpu.yield
      }) : () -> ()
      %dma_start3A_64 = arith.constant 0 : i32
      %dma_start3A_65 = tpu.memref_slice %arg11[%dma_start3A_64] : memref<10240xf32, #tpu.memory_space<vmem_shared>> -> memref<10240xf32, #tpu.memory_space<vmem_shared>>
      tpu.enqueue_indirect_dma source(%arg19 : memref<128xf32, #tpu.memory_space<vmem>>) target(%dma_start3A_65 : memref<10240xf32, #tpu.memory_space<vmem_shared>>) offsets(%arg16 : memref<128xi32, #tpu.memory_space<vmem>>) semaphore(%arg27 : memref<!tpu.dma_semaphore, #tpu.memory_space<semaphore_mem>>) {add = true}
      %add3A_66 = arith.constant 2 : i32
      %add3A_67 = arith.addi %add3A_56, %add3A_66 : i32
      %lt3A_68 = arith.constant 80 : i32
      %lt3A_69 = arith.cmpi slt, %add3A_67, %lt3A_68 : i32
      %convert_element_type3A_70 = arith.extui %lt3A_69 : i1 to i32
      %cond3A_71 = arith.constant 0 : i32
      %cond3A_72 = arith.cmpi ne, %convert_element_type3A_70, %cond3A_71 : i32
      scf.if %cond3A_72 {
        %ge3A = arith.constant 2 : i32
        %ge3A_113 = arith.cmpi sge, %add3A_56, %ge3A : i32
        %convert_element_type3A_114 = arith.extui %ge3A_113 : i1 to i32
        %cond3A_115 = arith.constant 0 : i32
        %cond3A_116 = arith.cmpi ne, %convert_element_type3A_114, %cond3A_115 : i32
        scf.if %cond3A_116 {
          %dma_wait3A_132 = arith.constant 0 : i32
          %dma_wait3A_133 = tpu.memref_slice %arg11[%dma_wait3A_132] : memref<10240xf32, #tpu.memory_space<vmem_shared>> -> memref<10240xf32, #tpu.memory_space<vmem_shared>>
          tpu.wait_indirect_dma semaphore(%arg29 : memref<!tpu.dma_semaphore, #tpu.memory_space<semaphore_mem>>) src(%arg19 : memref<128xf32, #tpu.memory_space<vmem>>) dst(%dma_wait3A_133 : memref<10240xf32, #tpu.memory_space<vmem_shared>>)
        } else {
        }
        %add3A_117 = arith.constant 2 : i32
        %add3A_118 = arith.addi %add3A_56, %add3A_117 : i32
        %mul3A_119 = arith.constant 128 : i32
        %mul3A_120 = arith.muli %add3A_118, %mul3A_119 : i32
        %add3A_121 = arith.addi %mul3A_4, %mul3A_120 : i32
        %dma_start3A_122 = tpu.memref_slice %arg3[%add3A_121] : memref<327680xi32, #tpu.memory_space<hbm>> -> memref<128xi32, #tpu.memory_space<hbm>>
        %dma_start3A_123 = tpu.memref_slice %arg3[%add3A_121] : memref<327680xi32, #tpu.memory_space<hbm>> -> memref<128xi32, #tpu.memory_space<hbm>>
        tpu.enqueue_dma source(%dma_start3A_123 : memref<128xi32, #tpu.memory_space<hbm>>) target(%arg18 : memref<128xi32, #tpu.memory_space<vmem>>) target_semaphore(%arg25 : memref<!tpu.dma_semaphore, #tpu.memory_space<semaphore_mem>>)
        %add3A_124 = arith.constant 2 : i32
        %add3A_125 = arith.addi %add3A_56, %add3A_124 : i32
        %mul3A_126 = arith.constant 128 : i32
        %mul3A_127 = arith.muli %add3A_125, %mul3A_126 : i32
        %dma_start3A_128 = tpu.memref_slice %arg12[%mul3A_127] : memref<10240xi32, #tpu.memory_space<vmem>> -> memref<128xi32, #tpu.memory_space<vmem>>
        %dma_start3A_129 = arith.constant 0 : i32
        %dma_start3A_130 = arith.constant 0 : i32
        %dma_start3A_131 = tpu.memref_slice %arg4[%dma_start3A_129, %dma_start3A_130] : memref<10000x128xf32, #tpu.memory_space<hbm>> -> memref<10000x128xf32, #tpu.memory_space<hbm>>
        tpu.enqueue_indirect_dma source(%dma_start3A_131 : memref<10000x128xf32, #tpu.memory_space<hbm>>) target(%arg14 : memref<128x128xf32, #tpu.memory_space<vmem>>) offsets(%dma_start3A_128 : memref<128xi32, #tpu.memory_space<vmem>>) semaphore(%arg21 : memref<!tpu.dma_semaphore, #tpu.memory_space<semaphore_mem>>)
      } else {
      }
      %mul3A_73 = arith.constant 4 : i32
      %mul3A_74 = arith.muli %mul3A_73, %scan3A_35 : i32
      %add3A_75 = arith.constant 2 : i32
      %add3A_76 = arith.addi %mul3A_74, %add3A_75 : i32
      %dma_wait3A_77 = tpu.memref_slice %arg3[%mul3A_4] : memref<327680xi32, #tpu.memory_space<hbm>> -> memref<128xi32, #tpu.memory_space<hbm>>
      %dma_wait3A_78 = tpu.memref_slice %arg3[%mul3A_4] : memref<327680xi32, #tpu.memory_space<hbm>> -> memref<128xi32, #tpu.memory_space<hbm>>
      tpu.wait_dma2 semaphore(%arg24 : memref<!tpu.dma_semaphore, #tpu.memory_space<semaphore_mem>>) src(%dma_wait3A_78 : memref<128xi32, #tpu.memory_space<hbm>>) dst(%arg17 : memref<128xi32, #tpu.memory_space<vmem>>)
      %dma_wait3A_79 = arith.constant 0 : i32
      %dma_wait3A_80 = tpu.memref_slice %arg12[%dma_wait3A_79] : memref<10240xi32, #tpu.memory_space<vmem>> -> memref<128xi32, #tpu.memory_space<vmem>>
      %dma_wait3A_81 = arith.constant 0 : i32
      %dma_wait3A_82 = arith.constant 0 : i32
      %dma_wait3A_83 = tpu.memref_slice %arg4[%dma_wait3A_81, %dma_wait3A_82] : memref<10000x128xf32, #tpu.memory_space<hbm>> -> memref<10000x128xf32, #tpu.memory_space<hbm>>
      tpu.wait_indirect_dma semaphore(%arg20 : memref<!tpu.dma_semaphore, #tpu.memory_space<semaphore_mem>>) src(%dma_wait3A_83 : memref<10000x128xf32, #tpu.memory_space<hbm>>) dst(%arg13 : memref<128x128xf32, #tpu.memory_space<vmem>>)
      "tpu.region"() ({
        %run_scoped3A = tpu.sem_alloc : memref<!tpu.dma_semaphore, #tpu.memory_space<semaphore_mem>>
        %dma_start3A_113 = arith.constant 0 : i32
        %dma_start3A_114 = arith.constant 0 : i32
        %dma_start3A_115 = tpu.memref_slice %arg10[%dma_start3A_113, %dma_start3A_114] : memref<10240x128xf32, #tpu.memory_space<vmem_shared>> -> memref<10240x128xf32, #tpu.memory_space<vmem_shared>>
        tpu.enqueue_indirect_dma source(%arg13 : memref<128x128xf32, #tpu.memory_space<vmem>>) target(%dma_start3A_115 : memref<10240x128xf32, #tpu.memory_space<vmem_shared>>) offsets(%arg17 : memref<128xi32, #tpu.memory_space<vmem>>) semaphore(%run_scoped3A : memref<!tpu.dma_semaphore, #tpu.memory_space<semaphore_mem>>) {add = true}
        %dma_wait3A_116 = arith.constant 0 : i32
        %dma_wait3A_117 = arith.constant 0 : i32
        %dma_wait3A_118 = tpu.memref_slice %arg10[%dma_wait3A_116, %dma_wait3A_117] : memref<10240x128xf32, #tpu.memory_space<vmem_shared>> -> memref<10240x128xf32, #tpu.memory_space<vmem_shared>>
        tpu.wait_indirect_dma semaphore(%run_scoped3A : memref<!tpu.dma_semaphore, #tpu.memory_space<semaphore_mem>>) src(%arg13 : memref<128x128xf32, #tpu.memory_space<vmem>>) dst(%dma_wait3A_118 : memref<10240x128xf32, #tpu.memory_space<vmem_shared>>)
        tpu.yield
      }) : () -> ()
      %dma_start3A_84 = arith.constant 0 : i32
      %dma_start3A_85 = tpu.memref_slice %arg11[%dma_start3A_84] : memref<10240xf32, #tpu.memory_space<vmem_shared>> -> memref<10240xf32, #tpu.memory_space<vmem_shared>>
      tpu.enqueue_indirect_dma source(%arg19 : memref<128xf32, #tpu.memory_space<vmem>>) target(%dma_start3A_85 : memref<10240xf32, #tpu.memory_space<vmem_shared>>) offsets(%arg17 : memref<128xi32, #tpu.memory_space<vmem>>) semaphore(%arg28 : memref<!tpu.dma_semaphore, #tpu.memory_space<semaphore_mem>>) {add = true}
      %add3A_86 = arith.constant 2 : i32
      %add3A_87 = arith.addi %add3A_76, %add3A_86 : i32
      %lt3A_88 = arith.constant 80 : i32
      %lt3A_89 = arith.cmpi slt, %add3A_87, %lt3A_88 : i32
      %convert_element_type3A_90 = arith.extui %lt3A_89 : i1 to i32
      %cond3A_91 = arith.constant 0 : i32
      %cond3A_92 = arith.cmpi ne, %convert_element_type3A_90, %cond3A_91 : i32
      scf.if %cond3A_92 {
        %ge3A = arith.constant 2 : i32
        %ge3A_113 = arith.cmpi sge, %add3A_76, %ge3A : i32
        %convert_element_type3A_114 = arith.extui %ge3A_113 : i1 to i32
        %cond3A_115 = arith.constant 0 : i32
        %cond3A_116 = arith.cmpi ne, %convert_element_type3A_114, %cond3A_115 : i32
        scf.if %cond3A_116 {
          %dma_wait3A_132 = arith.constant 0 : i32
          %dma_wait3A_133 = tpu.memref_slice %arg11[%dma_wait3A_132] : memref<10240xf32, #tpu.memory_space<vmem_shared>> -> memref<10240xf32, #tpu.memory_space<vmem_shared>>
          tpu.wait_indirect_dma semaphore(%arg26 : memref<!tpu.dma_semaphore, #tpu.memory_space<semaphore_mem>>) src(%arg19 : memref<128xf32, #tpu.memory_space<vmem>>) dst(%dma_wait3A_133 : memref<10240xf32, #tpu.memory_space<vmem_shared>>)
        } else {
        }
        %add3A_117 = arith.constant 2 : i32
        %add3A_118 = arith.addi %add3A_76, %add3A_117 : i32
        %mul3A_119 = arith.constant 128 : i32
        %mul3A_120 = arith.muli %add3A_118, %mul3A_119 : i32
        %add3A_121 = arith.addi %mul3A_4, %mul3A_120 : i32
        %dma_start3A_122 = tpu.memref_slice %arg3[%add3A_121] : memref<327680xi32, #tpu.memory_space<hbm>> -> memref<128xi32, #tpu.memory_space<hbm>>
        %dma_start3A_123 = tpu.memref_slice %arg3[%add3A_121] : memref<327680xi32, #tpu.memory_space<hbm>> -> memref<128xi32, #tpu.memory_space<hbm>>
        tpu.enqueue_dma source(%dma_start3A_123 : memref<128xi32, #tpu.memory_space<hbm>>) target(%arg15 : memref<128xi32, #tpu.memory_space<vmem>>) target_semaphore(%arg22 : memref<!tpu.dma_semaphore, #tpu.memory_space<semaphore_mem>>)
        %add3A_124 = arith.constant 2 : i32
        %add3A_125 = arith.addi %add3A_76, %add3A_124 : i32
        %mul3A_126 = arith.constant 128 : i32
        %mul3A_127 = arith.muli %add3A_125, %mul3A_126 : i32
        %dma_start3A_128 = tpu.memref_slice %arg12[%mul3A_127] : memref<10240xi32, #tpu.memory_space<vmem>> -> memref<128xi32, #tpu.memory_space<vmem>>
        %dma_start3A_129 = arith.constant 0 : i32
        %dma_start3A_130 = arith.constant 0 : i32
        %dma_start3A_131 = tpu.memref_slice %arg4[%dma_start3A_129, %dma_start3A_130] : memref<10000x128xf32, #tpu.memory_space<hbm>> -> memref<10000x128xf32, #tpu.memory_space<hbm>>
        tpu.enqueue_indirect_dma source(%dma_start3A_131 : memref<10000x128xf32, #tpu.memory_space<hbm>>) target(%arg13 : memref<128x128xf32, #tpu.memory_space<vmem>>) offsets(%dma_start3A_128 : memref<128xi32, #tpu.memory_space<vmem>>) semaphore(%arg20 : memref<!tpu.dma_semaphore, #tpu.memory_space<semaphore_mem>>)
      } else {
      }
      %mul3A_93 = arith.constant 4 : i32
      %mul3A_94 = arith.muli %mul3A_93, %scan3A_35 : i32
      %add3A_95 = arith.constant 3 : i32
      %add3A_96 = arith.addi %mul3A_94, %add3A_95 : i32
      %dma_wait3A_97 = tpu.memref_slice %arg3[%mul3A_4] : memref<327680xi32, #tpu.memory_space<hbm>> -> memref<128xi32, #tpu.memory_space<hbm>>
      %dma_wait3A_98 = tpu.memref_slice %arg3[%mul3A_4] : memref<327680xi32, #tpu.memory_space<hbm>> -> memref<128xi32, #tpu.memory_space<hbm>>
      tpu.wait_dma2 semaphore(%arg25 : memref<!tpu.dma_semaphore, #tpu.memory_space<semaphore_mem>>) src(%dma_wait3A_98 : memref<128xi32, #tpu.memory_space<hbm>>) dst(%arg18 : memref<128xi32, #tpu.memory_space<vmem>>)
      %dma_wait3A_99 = arith.constant 0 : i32
      %dma_wait3A_100 = tpu.memref_slice %arg12[%dma_wait3A_99] : memref<10240xi32, #tpu.memory_space<vmem>> -> memref<128xi32, #tpu.memory_space<vmem>>
      %dma_wait3A_101 = arith.constant 0 : i32
      %dma_wait3A_102 = arith.constant 0 : i32
      %dma_wait3A_103 = tpu.memref_slice %arg4[%dma_wait3A_101, %dma_wait3A_102] : memref<10000x128xf32, #tpu.memory_space<hbm>> -> memref<10000x128xf32, #tpu.memory_space<hbm>>
      tpu.wait_indirect_dma semaphore(%arg21 : memref<!tpu.dma_semaphore, #tpu.memory_space<semaphore_mem>>) src(%dma_wait3A_103 : memref<10000x128xf32, #tpu.memory_space<hbm>>) dst(%arg14 : memref<128x128xf32, #tpu.memory_space<vmem>>)
      "tpu.region"() ({
        %run_scoped3A = tpu.sem_alloc : memref<!tpu.dma_semaphore, #tpu.memory_space<semaphore_mem>>
        %dma_start3A_113 = arith.constant 0 : i32
        %dma_start3A_114 = arith.constant 0 : i32
        %dma_start3A_115 = tpu.memref_slice %arg10[%dma_start3A_113, %dma_start3A_114] : memref<10240x128xf32, #tpu.memory_space<vmem_shared>> -> memref<10240x128xf32, #tpu.memory_space<vmem_shared>>
        tpu.enqueue_indirect_dma source(%arg14 : memref<128x128xf32, #tpu.memory_space<vmem>>) target(%dma_start3A_115 : memref<10240x128xf32, #tpu.memory_space<vmem_shared>>) offsets(%arg18 : memref<128xi32, #tpu.memory_space<vmem>>) semaphore(%run_scoped3A : memref<!tpu.dma_semaphore, #tpu.memory_space<semaphore_mem>>) {add = true}
        %dma_wait3A_116 = arith.constant 0 : i32
        %dma_wait3A_117 = arith.constant 0 : i32
        %dma_wait3A_118 = tpu.memref_slice %arg10[%dma_wait3A_116, %dma_wait3A_117] : memref<10240x128xf32, #tpu.memory_space<vmem_shared>> -> memref<10240x128xf32, #tpu.memory_space<vmem_shared>>
        tpu.wait_indirect_dma semaphore(%run_scoped3A : memref<!tpu.dma_semaphore, #tpu.memory_space<semaphore_mem>>) src(%arg14 : memref<128x128xf32, #tpu.memory_space<vmem>>) dst(%dma_wait3A_118 : memref<10240x128xf32, #tpu.memory_space<vmem_shared>>)
        tpu.yield
      }) : () -> ()
      %dma_start3A_104 = arith.constant 0 : i32
      %dma_start3A_105 = tpu.memref_slice %arg11[%dma_start3A_104] : memref<10240xf32, #tpu.memory_space<vmem_shared>> -> memref<10240xf32, #tpu.memory_space<vmem_shared>>
      tpu.enqueue_indirect_dma source(%arg19 : memref<128xf32, #tpu.memory_space<vmem>>) target(%dma_start3A_105 : memref<10240xf32, #tpu.memory_space<vmem_shared>>) offsets(%arg18 : memref<128xi32, #tpu.memory_space<vmem>>) semaphore(%arg29 : memref<!tpu.dma_semaphore, #tpu.memory_space<semaphore_mem>>) {add = true}
      %add3A_106 = arith.constant 2 : i32
      %add3A_107 = arith.addi %add3A_96, %add3A_106 : i32
      %lt3A_108 = arith.constant 80 : i32
      %lt3A_109 = arith.cmpi slt, %add3A_107, %lt3A_108 : i32
      %convert_element_type3A_110 = arith.extui %lt3A_109 : i1 to i32
      %cond3A_111 = arith.constant 0 : i32
      %cond3A_112 = arith.cmpi ne, %convert_element_type3A_110, %cond3A_111 : i32
      scf.if %cond3A_112 {
        %ge3A = arith.constant 2 : i32
        %ge3A_113 = arith.cmpi sge, %add3A_96, %ge3A : i32
        %convert_element_type3A_114 = arith.extui %ge3A_113 : i1 to i32
        %cond3A_115 = arith.constant 0 : i32
        %cond3A_116 = arith.cmpi ne, %convert_element_type3A_114, %cond3A_115 : i32
        scf.if %cond3A_116 {
          %dma_wait3A_132 = arith.constant 0 : i32
          %dma_wait3A_133 = tpu.memref_slice %arg11[%dma_wait3A_132] : memref<10240xf32, #tpu.memory_space<vmem_shared>> -> memref<10240xf32, #tpu.memory_space<vmem_shared>>
          tpu.wait_indirect_dma semaphore(%arg27 : memref<!tpu.dma_semaphore, #tpu.memory_space<semaphore_mem>>) src(%arg19 : memref<128xf32, #tpu.memory_space<vmem>>) dst(%dma_wait3A_133 : memref<10240xf32, #tpu.memory_space<vmem_shared>>)
        } else {
        }
        %add3A_117 = arith.constant 2 : i32
        %add3A_118 = arith.addi %add3A_96, %add3A_117 : i32
        %mul3A_119 = arith.constant 128 : i32
        %mul3A_120 = arith.muli %add3A_118, %mul3A_119 : i32
        %add3A_121 = arith.addi %mul3A_4, %mul3A_120 : i32
        %dma_start3A_122 = tpu.memref_slice %arg3[%add3A_121] : memref<327680xi32, #tpu.memory_space<hbm>> -> memref<128xi32, #tpu.memory_space<hbm>>
        %dma_start3A_123 = tpu.memref_slice %arg3[%add3A_121] : memref<327680xi32, #tpu.memory_space<hbm>> -> memref<128xi32, #tpu.memory_space<hbm>>
        tpu.enqueue_dma source(%dma_start3A_123 : memref<128xi32, #tpu.memory_space<hbm>>) target(%arg16 : memref<128xi32, #tpu.memory_space<vmem>>) target_semaphore(%arg23 : memref<!tpu.dma_semaphore, #tpu.memory_space<semaphore_mem>>)
        %add3A_124 = arith.constant 2 : i32
        %add3A_125 = arith.addi %add3A_96, %add3A_124 : i32
        %mul3A_126 = arith.constant 128 : i32
        %mul3A_127 = arith.muli %add3A_125, %mul3A_126 : i32
        %dma_start3A_128 = tpu.memref_slice %arg12[%mul3A_127] : memref<10240xi32, #tpu.memory_space<vmem>> -> memref<128xi32, #tpu.memory_space<vmem>>
        %dma_start3A_129 = arith.constant 0 : i32
        %dma_start3A_130 = arith.constant 0 : i32
        %dma_start3A_131 = tpu.memref_slice %arg4[%dma_start3A_129, %dma_start3A_130] : memref<10000x128xf32, #tpu.memory_space<hbm>> -> memref<10000x128xf32, #tpu.memory_space<hbm>>
        tpu.enqueue_indirect_dma source(%dma_start3A_131 : memref<10000x128xf32, #tpu.memory_space<hbm>>) target(%arg14 : memref<128x128xf32, #tpu.memory_space<vmem>>) offsets(%dma_start3A_128 : memref<128xi32, #tpu.memory_space<vmem>>) semaphore(%arg21 : memref<!tpu.dma_semaphore, #tpu.memory_space<semaphore_mem>>)
      } else {
      }
    }
    %scan3A_26 = arith.constant 20 : i32
    %dma_wait3A = arith.constant 0 : i32
    %dma_wait3A_27 = tpu.memref_slice %arg11[%dma_wait3A] : memref<10240xf32, #tpu.memory_space<vmem_shared>> -> memref<10240xf32, #tpu.memory_space<vmem_shared>>
    tpu.wait_indirect_dma semaphore(%arg26 : memref<!tpu.dma_semaphore, #tpu.memory_space<semaphore_mem>>) src(%arg19 : memref<128xf32, #tpu.memory_space<vmem>>) dst(%dma_wait3A_27 : memref<10240xf32, #tpu.memory_space<vmem_shared>>)
    %dma_wait3A_28 = arith.constant 0 : i32
    %dma_wait3A_29 = tpu.memref_slice %arg11[%dma_wait3A_28] : memref<10240xf32, #tpu.memory_space<vmem_shared>> -> memref<10240xf32, #tpu.memory_space<vmem_shared>>
    tpu.wait_indirect_dma semaphore(%arg27 : memref<!tpu.dma_semaphore, #tpu.memory_space<semaphore_mem>>) src(%arg19 : memref<128xf32, #tpu.memory_space<vmem>>) dst(%dma_wait3A_29 : memref<10240xf32, #tpu.memory_space<vmem_shared>>)
    %dma_wait3A_30 = arith.constant 0 : i32
    %dma_wait3A_31 = tpu.memref_slice %arg11[%dma_wait3A_30] : memref<10240xf32, #tpu.memory_space<vmem_shared>> -> memref<10240xf32, #tpu.memory_space<vmem_shared>>
    tpu.wait_indirect_dma semaphore(%arg28 : memref<!tpu.dma_semaphore, #tpu.memory_space<semaphore_mem>>) src(%arg19 : memref<128xf32, #tpu.memory_space<vmem>>) dst(%dma_wait3A_31 : memref<10240xf32, #tpu.memory_space<vmem_shared>>)
    %dma_wait3A_32 = arith.constant 0 : i32
    %dma_wait3A_33 = tpu.memref_slice %arg11[%dma_wait3A_32] : memref<10240xf32, #tpu.memory_space<vmem_shared>> -> memref<10240xf32, #tpu.memory_space<vmem_shared>>
    tpu.wait_indirect_dma semaphore(%arg29 : memref<!tpu.dma_semaphore, #tpu.memory_space<semaphore_mem>>) src(%arg19 : memref<128xf32, #tpu.memory_space<vmem>>) dst(%dma_wait3A_33 : memref<10240xf32, #tpu.memory_space<vmem_shared>>)
    %barrier3A_34 = arith.constant 0 : index
    tpu.barrier barrier_id(%barrier3A_34)
    "tpu.region"() ({
      %run_scoped3A = tpu.sem_alloc : memref<!tpu.dma_semaphore, #tpu.memory_space<semaphore_mem>>
      %dma_start3A_35 = arith.constant 0 : i32
      %dma_start3A_36 = tpu.memref_slice %arg8[%arg0, %mul3A_2, %dma_start3A_35] : memref<2x10240x128xf32, #tpu.memory_space<hbm>> -> memref<1x640x128xf32, #tpu.memory_space<hbm>>
      %dma_start3A_37 = tpu.memref_squeeze %dma_start3A_36 : memref<1x640x128xf32, #tpu.memory_space<hbm>> -> memref<640x128xf32, #tpu.memory_space<hbm>>
      %dma_start3A_38 = arith.constant 0 : i32
      %dma_start3A_39 = tpu.memref_slice %arg10[%mul3A_2, %dma_start3A_38] : memref<10240x128xf32, #tpu.memory_space<vmem_shared>> -> memref<640x128xf32, #tpu.memory_space<vmem_shared>>
      tpu.enqueue_dma source(%dma_start3A_39 : memref<640x128xf32, #tpu.memory_space<vmem_shared>>) target(%dma_start3A_37 : memref<640x128xf32, #tpu.memory_space<hbm>>) target_semaphore(%run_scoped3A : memref<!tpu.dma_semaphore, #tpu.memory_space<semaphore_mem>>)
      %dma_wait3A_40 = arith.constant 0 : i32
      %dma_wait3A_41 = tpu.memref_slice %arg8[%arg0, %mul3A_2, %dma_wait3A_40] : memref<2x10240x128xf32, #tpu.memory_space<hbm>> -> memref<1x640x128xf32, #tpu.memory_space<hbm>>
      %dma_wait3A_42 = tpu.memref_squeeze %dma_wait3A_41 : memref<1x640x128xf32, #tpu.memory_space<hbm>> -> memref<640x128xf32, #tpu.memory_space<hbm>>
      %dma_wait3A_43 = arith.constant 0 : i32
      %dma_wait3A_44 = tpu.memref_slice %arg10[%mul3A_2, %dma_wait3A_43] : memref<10240x128xf32, #tpu.memory_space<vmem_shared>> -> memref<640x128xf32, #tpu.memory_space<vmem_shared>>
      tpu.wait_dma2 semaphore(%run_scoped3A : memref<!tpu.dma_semaphore, #tpu.memory_space<semaphore_mem>>) src(%dma_wait3A_44 : memref<640x128xf32, #tpu.memory_space<vmem_shared>>) dst(%dma_wait3A_42 : memref<640x128xf32, #tpu.memory_space<hbm>>)
      tpu.yield
    }) : () -> ()
    "tpu.region"() ({
      %run_scoped3A = tpu.sem_alloc : memref<!tpu.dma_semaphore, #tpu.memory_space<semaphore_mem>>
      %dma_start3A_35 = tpu.memref_slice %arg9[%arg0, %mul3A_2] : memref<2x10240xf32, #tpu.memory_space<hbm>> -> memref<1x640xf32, #tpu.memory_space<hbm>>
      %dma_start3A_36 = tpu.memref_squeeze %dma_start3A_35 : memref<1x640xf32, #tpu.memory_space<hbm>> -> memref<640xf32, #tpu.memory_space<hbm>>
      %dma_start3A_37 = tpu.memref_slice %arg11[%mul3A_2] : memref<10240xf32, #tpu.memory_space<vmem_shared>> -> memref<640xf32, #tpu.memory_space<vmem_shared>>
      tpu.enqueue_dma source(%dma_start3A_37 : memref<640xf32, #tpu.memory_space<vmem_shared>>) target(%dma_start3A_36 : memref<640xf32, #tpu.memory_space<hbm>>) target_semaphore(%run_scoped3A : memref<!tpu.dma_semaphore, #tpu.memory_space<semaphore_mem>>)
      %dma_wait3A_38 = tpu.memref_slice %arg9[%arg0, %mul3A_2] : memref<2x10240xf32, #tpu.memory_space<hbm>> -> memref<1x640xf32, #tpu.memory_space<hbm>>
      %dma_wait3A_39 = tpu.memref_squeeze %dma_wait3A_38 : memref<1x640xf32, #tpu.memory_space<hbm>> -> memref<640xf32, #tpu.memory_space<hbm>>
      %dma_wait3A_40 = tpu.memref_slice %arg11[%mul3A_2] : memref<10240xf32, #tpu.memory_space<vmem_shared>> -> memref<640xf32, #tpu.memory_space<vmem_shared>>
      tpu.wait_dma2 semaphore(%run_scoped3A : memref<!tpu.dma_semaphore, #tpu.memory_space<semaphore_mem>>) src(%dma_wait3A_40 : memref<640xf32, #tpu.memory_space<vmem_shared>>) dst(%dma_wait3A_39 : memref<640xf32, #tpu.memory_space<hbm>>)
      tpu.yield
    }) : () -> ()
    return
  }
}

#map = affine_map<(d0, d1) -> (0, 0)>
#map1 = affine_map<(d0, d1) -> (0)>
module attributes {stable_mosaic.version = 14 : i64} {
  func.func @_seg1_body(%arg0: i32, %arg1: i32, %arg2: memref<640x512xi32, #tpu.memory_space<hbm>>, %arg3: memref<640x512xi32, #tpu.memory_space<hbm>>, %arg4: memref<10240xf32, #tpu.memory_space<hbm>>, %arg5: memref<640xf32, #tpu.memory_space<hbm>>, %arg6: memref<2x10240xf32, #tpu.memory_space<hbm>>, %arg7: memref<10240xf32, #tpu.memory_space<vmem_shared>>, %arg8: memref<10240xf32, #tpu.memory_space<vmem>>, %arg9: memref<512xf32, #tpu.memory_space<vmem>>, %arg10: memref<512xf32, #tpu.memory_space<vmem>>, %arg11: memref<512xi32, #tpu.memory_space<vmem>>, %arg12: memref<512xi32, #tpu.memory_space<vmem>>, %arg13: memref<512xi32, #tpu.memory_space<vmem>>, %arg14: memref<512xi32, #tpu.memory_space<vmem>>, %arg15: memref<512xi32, #tpu.memory_space<vmem>>, %arg16: memref<512xi32, #tpu.memory_space<vmem>>, %arg17: memref<!tpu.dma_semaphore, #tpu.memory_space<semaphore_mem>>, %arg18: memref<!tpu.dma_semaphore, #tpu.memory_space<semaphore_mem>>, %arg19: memref<!tpu.dma_semaphore, #tpu.memory_space<semaphore_mem>>, %arg20: memref<!tpu.dma_semaphore, #tpu.memory_space<semaphore_mem>>, %arg21: memref<!tpu.dma_semaphore, #tpu.memory_space<semaphore_mem>>, %arg22: memref<!tpu.dma_semaphore, #tpu.memory_space<semaphore_mem>>, %arg23: memref<!tpu.dma_semaphore, #tpu.memory_space<semaphore_mem>>, %arg24: memref<!tpu.dma_semaphore, #tpu.memory_space<semaphore_mem>>, %arg25: memref<!tpu.dma_semaphore, #tpu.memory_space<semaphore_mem>>, %arg26: memref<!tpu.dma_semaphore, #tpu.memory_space<semaphore_mem>>) attributes {dimension_semantics = [#tpu.dimension_semantics<core_parallel>, #tpu.dimension_semantics<subcore_parallel>], iteration_bounds = array<i64: 2, 16>, scalar_prefetch = 0 : i64, scratch_operands = 20 : i64, tpu.core_type = #tpu.core_type<sc_vector_subcore>, window_params = [{transform_indices = #map}, {transform_indices = #map}, {transform_indices = #map1}, {transform_indices = #map1}, {transform_indices = #map}]} {
    %mul3A = arith.constant 2 : i32
    %mul3A_0 = arith.muli %arg1, %mul3A : i32
    %add3A = arith.addi %mul3A_0, %arg0 : i32
    %mul3A_1 = arith.constant 640 : i32
    %mul3A_2 = arith.muli %arg1, %mul3A_1 : i32
    %mul3A_3 = arith.constant 20 : i32
    %mul3A_4 = arith.muli %add3A, %mul3A_3 : i32
    "tpu.region"() ({
      %run_scoped3A = tpu.sem_alloc : memref<!tpu.dma_semaphore, #tpu.memory_space<semaphore_mem>>
      %dma_start3A_45 = tpu.memref_slice %arg7[%mul3A_2] : memref<10240xf32, #tpu.memory_space<vmem_shared>> -> memref<640xf32, #tpu.memory_space<vmem_shared>>
      tpu.enqueue_dma source(%arg5 : memref<640xf32, #tpu.memory_space<hbm>>) target(%dma_start3A_45 : memref<640xf32, #tpu.memory_space<vmem_shared>>) target_semaphore(%run_scoped3A : memref<!tpu.dma_semaphore, #tpu.memory_space<semaphore_mem>>)
      %dma_wait3A_46 = tpu.memref_slice %arg7[%mul3A_2] : memref<10240xf32, #tpu.memory_space<vmem_shared>> -> memref<640xf32, #tpu.memory_space<vmem_shared>>
      tpu.wait_dma2 semaphore(%run_scoped3A : memref<!tpu.dma_semaphore, #tpu.memory_space<semaphore_mem>>) src(%arg5 : memref<640xf32, #tpu.memory_space<hbm>>) dst(%dma_wait3A_46 : memref<640xf32, #tpu.memory_space<vmem_shared>>)
      tpu.yield
    }) : () -> ()
    "tpu.region"() ({
      %run_scoped3A = tpu.sem_alloc : memref<!tpu.dma_semaphore, #tpu.memory_space<semaphore_mem>>
      tpu.enqueue_dma source(%arg4 : memref<10240xf32, #tpu.memory_space<hbm>>) target(%arg8 : memref<10240xf32, #tpu.memory_space<vmem>>) target_semaphore(%run_scoped3A : memref<!tpu.dma_semaphore, #tpu.memory_space<semaphore_mem>>)
      tpu.wait_dma2 semaphore(%run_scoped3A : memref<!tpu.dma_semaphore, #tpu.memory_space<semaphore_mem>>) src(%arg4 : memref<10240xf32, #tpu.memory_space<hbm>>) dst(%arg8 : memref<10240xf32, #tpu.memory_space<vmem>>)
      tpu.yield
    }) : () -> ()
    %add3A_5 = arith.constant 0 : i32
    %add3A_6 = arith.addi %mul3A_4, %add3A_5 : i32
    %dma_start3A = arith.constant 0 : i32
    %dma_start3A_7 = tpu.memref_slice %arg2[%add3A_6, %dma_start3A] : memref<640x512xi32, #tpu.memory_space<hbm>> -> memref<1x512xi32, #tpu.memory_space<hbm>>
    %dma_start3A_8 = tpu.memref_squeeze %dma_start3A_7 : memref<1x512xi32, #tpu.memory_space<hbm>> -> memref<512xi32, #tpu.memory_space<hbm>>
    %dma_start3A_9 = arith.constant 0 : i32
    %dma_start3A_10 = tpu.memref_slice %arg2[%add3A_6, %dma_start3A_9] : memref<640x512xi32, #tpu.memory_space<hbm>> -> memref<1x512xi32, #tpu.memory_space<hbm>>
    %dma_start3A_11 = tpu.memref_squeeze %dma_start3A_10 : memref<1x512xi32, #tpu.memory_space<hbm>> -> memref<512xi32, #tpu.memory_space<hbm>>
    tpu.enqueue_dma source(%dma_start3A_11 : memref<512xi32, #tpu.memory_space<hbm>>) target(%arg11 : memref<512xi32, #tpu.memory_space<vmem>>) target_semaphore(%arg17 : memref<!tpu.dma_semaphore, #tpu.memory_space<semaphore_mem>>)
    %add3A_12 = arith.constant 0 : i32
    %add3A_13 = arith.addi %mul3A_4, %add3A_12 : i32
    %dma_start3A_14 = arith.constant 0 : i32
    %dma_start3A_15 = tpu.memref_slice %arg3[%add3A_13, %dma_start3A_14] : memref<640x512xi32, #tpu.memory_space<hbm>> -> memref<1x512xi32, #tpu.memory_space<hbm>>
    %dma_start3A_16 = tpu.memref_squeeze %dma_start3A_15 : memref<1x512xi32, #tpu.memory_space<hbm>> -> memref<512xi32, #tpu.memory_space<hbm>>
    %dma_start3A_17 = arith.constant 0 : i32
    %dma_start3A_18 = tpu.memref_slice %arg3[%add3A_13, %dma_start3A_17] : memref<640x512xi32, #tpu.memory_space<hbm>> -> memref<1x512xi32, #tpu.memory_space<hbm>>
    %dma_start3A_19 = tpu.memref_squeeze %dma_start3A_18 : memref<1x512xi32, #tpu.memory_space<hbm>> -> memref<512xi32, #tpu.memory_space<hbm>>
    tpu.enqueue_dma source(%dma_start3A_19 : memref<512xi32, #tpu.memory_space<hbm>>) target(%arg13 : memref<512xi32, #tpu.memory_space<vmem>>) target_semaphore(%arg19 : memref<!tpu.dma_semaphore, #tpu.memory_space<semaphore_mem>>)
    %add3A_20 = arith.constant 1 : i32
    %add3A_21 = arith.addi %mul3A_4, %add3A_20 : i32
    %dma_start3A_22 = arith.constant 0 : i32
    %dma_start3A_23 = tpu.memref_slice %arg2[%add3A_21, %dma_start3A_22] : memref<640x512xi32, #tpu.memory_space<hbm>> -> memref<1x512xi32, #tpu.memory_space<hbm>>
    %dma_start3A_24 = tpu.memref_squeeze %dma_start3A_23 : memref<1x512xi32, #tpu.memory_space<hbm>> -> memref<512xi32, #tpu.memory_space<hbm>>
    %dma_start3A_25 = arith.constant 0 : i32
    %dma_start3A_26 = tpu.memref_slice %arg2[%add3A_21, %dma_start3A_25] : memref<640x512xi32, #tpu.memory_space<hbm>> -> memref<1x512xi32, #tpu.memory_space<hbm>>
    %dma_start3A_27 = tpu.memref_squeeze %dma_start3A_26 : memref<1x512xi32, #tpu.memory_space<hbm>> -> memref<512xi32, #tpu.memory_space<hbm>>
    tpu.enqueue_dma source(%dma_start3A_27 : memref<512xi32, #tpu.memory_space<hbm>>) target(%arg12 : memref<512xi32, #tpu.memory_space<vmem>>) target_semaphore(%arg18 : memref<!tpu.dma_semaphore, #tpu.memory_space<semaphore_mem>>)
    %add3A_28 = arith.constant 1 : i32
    %add3A_29 = arith.addi %mul3A_4, %add3A_28 : i32
    %dma_start3A_30 = arith.constant 0 : i32
    %dma_start3A_31 = tpu.memref_slice %arg3[%add3A_29, %dma_start3A_30] : memref<640x512xi32, #tpu.memory_space<hbm>> -> memref<1x512xi32, #tpu.memory_space<hbm>>
    %dma_start3A_32 = tpu.memref_squeeze %dma_start3A_31 : memref<1x512xi32, #tpu.memory_space<hbm>> -> memref<512xi32, #tpu.memory_space<hbm>>
    %dma_start3A_33 = arith.constant 0 : i32
    %dma_start3A_34 = tpu.memref_slice %arg3[%add3A_29, %dma_start3A_33] : memref<640x512xi32, #tpu.memory_space<hbm>> -> memref<1x512xi32, #tpu.memory_space<hbm>>
    %dma_start3A_35 = tpu.memref_squeeze %dma_start3A_34 : memref<1x512xi32, #tpu.memory_space<hbm>> -> memref<512xi32, #tpu.memory_space<hbm>>
    tpu.enqueue_dma source(%dma_start3A_35 : memref<512xi32, #tpu.memory_space<hbm>>) target(%arg14 : memref<512xi32, #tpu.memory_space<vmem>>) target_semaphore(%arg20 : memref<!tpu.dma_semaphore, #tpu.memory_space<semaphore_mem>>)
    %barrier3A = arith.constant 0 : index
    tpu.barrier barrier_id(%barrier3A)
    %scan3A = arith.constant 0 : i32
    %scan3A_36 = arith.constant 0 : i32
    %scan3A_37 = arith.constant 5 : i32
    %scan3A_38 = arith.addi %scan3A_36, %scan3A_37 : i32
    %scan3A_39 = arith.constant 1 : i32
    scf.for %scan3A_45 = %scan3A_36 to %scan3A_38 step %scan3A_39  : i32 {
      %mul3A_46 = arith.constant 4 : i32
      %mul3A_47 = arith.muli %mul3A_46, %scan3A_45 : i32
      %add3A_48 = arith.constant 0 : i32
      %add3A_49 = arith.addi %mul3A_47, %add3A_48 : i32
      %dma_wait3A_50 = arith.constant 0 : i32
      %dma_wait3A_51 = tpu.memref_slice %arg2[%mul3A_4, %dma_wait3A_50] : memref<640x512xi32, #tpu.memory_space<hbm>> -> memref<1x512xi32, #tpu.memory_space<hbm>>
      %dma_wait3A_52 = tpu.memref_squeeze %dma_wait3A_51 : memref<1x512xi32, #tpu.memory_space<hbm>> -> memref<512xi32, #tpu.memory_space<hbm>>
      %dma_wait3A_53 = arith.constant 0 : i32
      %dma_wait3A_54 = tpu.memref_slice %arg2[%mul3A_4, %dma_wait3A_53] : memref<640x512xi32, #tpu.memory_space<hbm>> -> memref<1x512xi32, #tpu.memory_space<hbm>>
      %dma_wait3A_55 = tpu.memref_squeeze %dma_wait3A_54 : memref<1x512xi32, #tpu.memory_space<hbm>> -> memref<512xi32, #tpu.memory_space<hbm>>
      tpu.wait_dma2 semaphore(%arg17 : memref<!tpu.dma_semaphore, #tpu.memory_space<semaphore_mem>>) src(%dma_wait3A_55 : memref<512xi32, #tpu.memory_space<hbm>>) dst(%arg11 : memref<512xi32, #tpu.memory_space<vmem>>)
      %dma_wait3A_56 = arith.constant 0 : i32
      %dma_wait3A_57 = tpu.memref_slice %arg3[%mul3A_4, %dma_wait3A_56] : memref<640x512xi32, #tpu.memory_space<hbm>> -> memref<1x512xi32, #tpu.memory_space<hbm>>
      %dma_wait3A_58 = tpu.memref_squeeze %dma_wait3A_57 : memref<1x512xi32, #tpu.memory_space<hbm>> -> memref<512xi32, #tpu.memory_space<hbm>>
      %dma_wait3A_59 = arith.constant 0 : i32
      %dma_wait3A_60 = tpu.memref_slice %arg3[%mul3A_4, %dma_wait3A_59] : memref<640x512xi32, #tpu.memory_space<hbm>> -> memref<1x512xi32, #tpu.memory_space<hbm>>
      %dma_wait3A_61 = tpu.memref_squeeze %dma_wait3A_60 : memref<1x512xi32, #tpu.memory_space<hbm>> -> memref<512xi32, #tpu.memory_space<hbm>>
      tpu.wait_dma2 semaphore(%arg19 : memref<!tpu.dma_semaphore, #tpu.memory_space<semaphore_mem>>) src(%dma_wait3A_61 : memref<512xi32, #tpu.memory_space<hbm>>) dst(%arg13 : memref<512xi32, #tpu.memory_space<vmem>>)
      %ge3A = arith.constant 2 : i32
      %ge3A_62 = arith.cmpi sge, %add3A_49, %ge3A : i32
      %convert_element_type3A = arith.extui %ge3A_62 : i1 to i32
      %cond3A = arith.constant 0 : i32
      %cond3A_63 = arith.cmpi ne, %convert_element_type3A, %cond3A : i32
      scf.if %cond3A_63 {
        %dma_wait3A_799 = arith.constant 0 : i32
        %dma_wait3A_800 = tpu.memref_slice %arg7[%dma_wait3A_799] : memref<10240xf32, #tpu.memory_space<vmem_shared>> -> memref<10240xf32, #tpu.memory_space<vmem_shared>>
        tpu.wait_indirect_dma semaphore(%arg25 : memref<!tpu.dma_semaphore, #tpu.memory_space<semaphore_mem>>) src(%arg9 : memref<512xf32, #tpu.memory_space<vmem>>) dst(%dma_wait3A_800 : memref<10240xf32, #tpu.memory_space<vmem_shared>>)
      } else {
      }
      %get3A = arith.constant 0 : index
      %get3A_64 = tpu.vector_load %arg11[%get3A] {strides = array<i32>} : memref<512xi32, #tpu.memory_space<vmem>>, vector<16xi32>,
      %gather3A = tpu.vector_load_idx %arg8[%get3A_64] : memref<10240xf32, #tpu.memory_space<vmem>>[vector<16xi32>], vector<16xf32>,
      %swap3A = arith.constant 0 : index
      %swap3A_65 = tpu.vector_load %arg9[%swap3A] {strides = array<i32>} : memref<512xf32, #tpu.memory_space<vmem>>, vector<16xf32>,
      tpu.vector_store %arg9[%swap3A], %gather3A {strides = array<i32>} : memref<512xf32, #tpu.memory_space<vmem>>, vector<16xf32>,
      %get3A_66 = arith.constant 16 : index
      %get3A_67 = tpu.vector_load %arg11[%get3A_66] {strides = array<i32>} : memref<512xi32, #tpu.memory_space<vmem>>, vector<16xi32>,
      %gather3A_68 = tpu.vector_load_idx %arg8[%get3A_67] : memref<10240xf32, #tpu.memory_space<vmem>>[vector<16xi32>], vector<16xf32>,
      %swap3A_69 = arith.constant 16 : index
      %swap3A_70 = tpu.vector_load %arg9[%swap3A_69] {strides = array<i32>} : memref<512xf32, #tpu.memory_space<vmem>>, vector<16xf32>,
      tpu.vector_store %arg9[%swap3A_69], %gather3A_68 {strides = array<i32>} : memref<512xf32, #tpu.memory_space<vmem>>, vector<16xf32>,
      %get3A_71 = arith.constant 32 : index
      %get3A_72 = tpu.vector_load %arg11[%get3A_71] {strides = array<i32>} : memref<512xi32, #tpu.memory_space<vmem>>, vector<16xi32>,
      %gather3A_73 = tpu.vector_load_idx %arg8[%get3A_72] : memref<10240xf32, #tpu.memory_space<vmem>>[vector<16xi32>], vector<16xf32>,
      %swap3A_74 = arith.constant 32 : index
      %swap3A_75 = tpu.vector_load %arg9[%swap3A_74] {strides = array<i32>} : memref<512xf32, #tpu.memory_space<vmem>>, vector<16xf32>,
      tpu.vector_store %arg9[%swap3A_74], %gather3A_73 {strides = array<i32>} : memref<512xf32, #tpu.memory_space<vmem>>, vector<16xf32>,
      %get3A_76 = arith.constant 48 : index
      %get3A_77 = tpu.vector_load %arg11[%get3A_76] {strides = array<i32>} : memref<512xi32, #tpu.memory_space<vmem>>, vector<16xi32>,
      %gather3A_78 = tpu.vector_load_idx %arg8[%get3A_77] : memref<10240xf32, #tpu.memory_space<vmem>>[vector<16xi32>], vector<16xf32>,
      %swap3A_79 = arith.constant 48 : index
      %swap3A_80 = tpu.vector_load %arg9[%swap3A_79] {strides = array<i32>} : memref<512xf32, #tpu.memory_space<vmem>>, vector<16xf32>,
      tpu.vector_store %arg9[%swap3A_79], %gather3A_78 {strides = array<i32>} : memref<512xf32, #tpu.memory_space<vmem>>, vector<16xf32>,
      %get3A_81 = arith.constant 64 : index
      %get3A_82 = tpu.vector_load %arg11[%get3A_81] {strides = array<i32>} : memref<512xi32, #tpu.memory_space<vmem>>, vector<16xi32>,
      %gather3A_83 = tpu.vector_load_idx %arg8[%get3A_82] : memref<10240xf32, #tpu.memory_space<vmem>>[vector<16xi32>], vector<16xf32>,
      %swap3A_84 = arith.constant 64 : index
      %swap3A_85 = tpu.vector_load %arg9[%swap3A_84] {strides = array<i32>} : memref<512xf32, #tpu.memory_space<vmem>>, vector<16xf32>,
      tpu.vector_store %arg9[%swap3A_84], %gather3A_83 {strides = array<i32>} : memref<512xf32, #tpu.memory_space<vmem>>, vector<16xf32>,
      %get3A_86 = arith.constant 80 : index
      %get3A_87 = tpu.vector_load %arg11[%get3A_86] {strides = array<i32>} : memref<512xi32, #tpu.memory_space<vmem>>, vector<16xi32>,
      %gather3A_88 = tpu.vector_load_idx %arg8[%get3A_87] : memref<10240xf32, #tpu.memory_space<vmem>>[vector<16xi32>], vector<16xf32>,
      %swap3A_89 = arith.constant 80 : index
      %swap3A_90 = tpu.vector_load %arg9[%swap3A_89] {strides = array<i32>} : memref<512xf32, #tpu.memory_space<vmem>>, vector<16xf32>,
      tpu.vector_store %arg9[%swap3A_89], %gather3A_88 {strides = array<i32>} : memref<512xf32, #tpu.memory_space<vmem>>, vector<16xf32>,
      %get3A_91 = arith.constant 96 : index
      %get3A_92 = tpu.vector_load %arg11[%get3A_91] {strides = array<i32>} : memref<512xi32, #tpu.memory_space<vmem>>, vector<16xi32>,
      %gather3A_93 = tpu.vector_load_idx %arg8[%get3A_92] : memref<10240xf32, #tpu.memory_space<vmem>>[vector<16xi32>], vector<16xf32>,
      %swap3A_94 = arith.constant 96 : index
      %swap3A_95 = tpu.vector_load %arg9[%swap3A_94] {strides = array<i32>} : memref<512xf32, #tpu.memory_space<vmem>>, vector<16xf32>,
      tpu.vector_store %arg9[%swap3A_94], %gather3A_93 {strides = array<i32>} : memref<512xf32, #tpu.memory_space<vmem>>, vector<16xf32>,
      %get3A_96 = arith.constant 112 : index
      %get3A_97 = tpu.vector_load %arg11[%get3A_96] {strides = array<i32>} : memref<512xi32, #tpu.memory_space<vmem>>, vector<16xi32>,
      %gather3A_98 = tpu.vector_load_idx %arg8[%get3A_97] : memref<10240xf32, #tpu.memory_space<vmem>>[vector<16xi32>], vector<16xf32>,
      %swap3A_99 = arith.constant 112 : index
      %swap3A_100 = tpu.vector_load %arg9[%swap3A_99] {strides = array<i32>} : memref<512xf32, #tpu.memory_space<vmem>>, vector<16xf32>,
      tpu.vector_store %arg9[%swap3A_99], %gather3A_98 {strides = array<i32>} : memref<512xf32, #tpu.memory_space<vmem>>, vector<16xf32>,
      %get3A_101 = arith.constant 128 : index
      %get3A_102 = tpu.vector_load %arg11[%get3A_101] {strides = array<i32>} : memref<512xi32, #tpu.memory_space<vmem>>, vector<16xi32>,
      %gather3A_103 = tpu.vector_load_idx %arg8[%get3A_102] : memref<10240xf32, #tpu.memory_space<vmem>>[vector<16xi32>], vector<16xf32>,
      %swap3A_104 = arith.constant 128 : index
      %swap3A_105 = tpu.vector_load %arg9[%swap3A_104] {strides = array<i32>} : memref<512xf32, #tpu.memory_space<vmem>>, vector<16xf32>,
      tpu.vector_store %arg9[%swap3A_104], %gather3A_103 {strides = array<i32>} : memref<512xf32, #tpu.memory_space<vmem>>, vector<16xf32>,
      %get3A_106 = arith.constant 144 : index
      %get3A_107 = tpu.vector_load %arg11[%get3A_106] {strides = array<i32>} : memref<512xi32, #tpu.memory_space<vmem>>, vector<16xi32>,
      %gather3A_108 = tpu.vector_load_idx %arg8[%get3A_107] : memref<10240xf32, #tpu.memory_space<vmem>>[vector<16xi32>], vector<16xf32>,
      %swap3A_109 = arith.constant 144 : index
      %swap3A_110 = tpu.vector_load %arg9[%swap3A_109] {strides = array<i32>} : memref<512xf32, #tpu.memory_space<vmem>>, vector<16xf32>,
      tpu.vector_store %arg9[%swap3A_109], %gather3A_108 {strides = array<i32>} : memref<512xf32, #tpu.memory_space<vmem>>, vector<16xf32>,
      %get3A_111 = arith.constant 160 : index
      %get3A_112 = tpu.vector_load %arg11[%get3A_111] {strides = array<i32>} : memref<512xi32, #tpu.memory_space<vmem>>, vector<16xi32>,
      %gather3A_113 = tpu.vector_load_idx %arg8[%get3A_112] : memref<10240xf32, #tpu.memory_space<vmem>>[vector<16xi32>], vector<16xf32>,
      %swap3A_114 = arith.constant 160 : index
      %swap3A_115 = tpu.vector_load %arg9[%swap3A_114] {strides = array<i32>} : memref<512xf32, #tpu.memory_space<vmem>>, vector<16xf32>,
      tpu.vector_store %arg9[%swap3A_114], %gather3A_113 {strides = array<i32>} : memref<512xf32, #tpu.memory_space<vmem>>, vector<16xf32>,
      %get3A_116 = arith.constant 176 : index
      %get3A_117 = tpu.vector_load %arg11[%get3A_116] {strides = array<i32>} : memref<512xi32, #tpu.memory_space<vmem>>, vector<16xi32>,
      %gather3A_118 = tpu.vector_load_idx %arg8[%get3A_117] : memref<10240xf32, #tpu.memory_space<vmem>>[vector<16xi32>], vector<16xf32>,
      %swap3A_119 = arith.constant 176 : index
      %swap3A_120 = tpu.vector_load %arg9[%swap3A_119] {strides = array<i32>} : memref<512xf32, #tpu.memory_space<vmem>>, vector<16xf32>,
      tpu.vector_store %arg9[%swap3A_119], %gather3A_118 {strides = array<i32>} : memref<512xf32, #tpu.memory_space<vmem>>, vector<16xf32>,
      %get3A_121 = arith.constant 192 : index
      %get3A_122 = tpu.vector_load %arg11[%get3A_121] {strides = array<i32>} : memref<512xi32, #tpu.memory_space<vmem>>, vector<16xi32>,
      %gather3A_123 = tpu.vector_load_idx %arg8[%get3A_122] : memref<10240xf32, #tpu.memory_space<vmem>>[vector<16xi32>], vector<16xf32>,
      %swap3A_124 = arith.constant 192 : index
      %swap3A_125 = tpu.vector_load %arg9[%swap3A_124] {strides = array<i32>} : memref<512xf32, #tpu.memory_space<vmem>>, vector<16xf32>,
      tpu.vector_store %arg9[%swap3A_124], %gather3A_123 {strides = array<i32>} : memref<512xf32, #tpu.memory_space<vmem>>, vector<16xf32>,
      %get3A_126 = arith.constant 208 : index
      %get3A_127 = tpu.vector_load %arg11[%get3A_126] {strides = array<i32>} : memref<512xi32, #tpu.memory_space<vmem>>, vector<16xi32>,
      %gather3A_128 = tpu.vector_load_idx %arg8[%get3A_127] : memref<10240xf32, #tpu.memory_space<vmem>>[vector<16xi32>], vector<16xf32>,
      %swap3A_129 = arith.constant 208 : index
      %swap3A_130 = tpu.vector_load %arg9[%swap3A_129] {strides = array<i32>} : memref<512xf32, #tpu.memory_space<vmem>>, vector<16xf32>,
      tpu.vector_store %arg9[%swap3A_129], %gather3A_128 {strides = array<i32>} : memref<512xf32, #tpu.memory_space<vmem>>, vector<16xf32>,
      %get3A_131 = arith.constant 224 : index
      %get3A_132 = tpu.vector_load %arg11[%get3A_131] {strides = array<i32>} : memref<512xi32, #tpu.memory_space<vmem>>, vector<16xi32>,
      %gather3A_133 = tpu.vector_load_idx %arg8[%get3A_132] : memref<10240xf32, #tpu.memory_space<vmem>>[vector<16xi32>], vector<16xf32>,
      %swap3A_134 = arith.constant 224 : index
      %swap3A_135 = tpu.vector_load %arg9[%swap3A_134] {strides = array<i32>} : memref<512xf32, #tpu.memory_space<vmem>>, vector<16xf32>,
      tpu.vector_store %arg9[%swap3A_134], %gather3A_133 {strides = array<i32>} : memref<512xf32, #tpu.memory_space<vmem>>, vector<16xf32>,
      %get3A_136 = arith.constant 240 : index
      %get3A_137 = tpu.vector_load %arg11[%get3A_136] {strides = array<i32>} : memref<512xi32, #tpu.memory_space<vmem>>, vector<16xi32>,
      %gather3A_138 = tpu.vector_load_idx %arg8[%get3A_137] : memref<10240xf32, #tpu.memory_space<vmem>>[vector<16xi32>], vector<16xf32>,
      %swap3A_139 = arith.constant 240 : index
      %swap3A_140 = tpu.vector_load %arg9[%swap3A_139] {strides = array<i32>} : memref<512xf32, #tpu.memory_space<vmem>>, vector<16xf32>,
      tpu.vector_store %arg9[%swap3A_139], %gather3A_138 {strides = array<i32>} : memref<512xf32, #tpu.memory_space<vmem>>, vector<16xf32>,
      %get3A_141 = arith.constant 256 : index
      %get3A_142 = tpu.vector_load %arg11[%get3A_141] {strides = array<i32>} : memref<512xi32, #tpu.memory_space<vmem>>, vector<16xi32>,
      %gather3A_143 = tpu.vector_load_idx %arg8[%get3A_142] : memref<10240xf32, #tpu.memory_space<vmem>>[vector<16xi32>], vector<16xf32>,
      %swap3A_144 = arith.constant 256 : index
      %swap3A_145 = tpu.vector_load %arg9[%swap3A_144] {strides = array<i32>} : memref<512xf32, #tpu.memory_space<vmem>>, vector<16xf32>,
      tpu.vector_store %arg9[%swap3A_144], %gather3A_143 {strides = array<i32>} : memref<512xf32, #tpu.memory_space<vmem>>, vector<16xf32>,
      %get3A_146 = arith.constant 272 : index
      %get3A_147 = tpu.vector_load %arg11[%get3A_146] {strides = array<i32>} : memref<512xi32, #tpu.memory_space<vmem>>, vector<16xi32>,
      %gather3A_148 = tpu.vector_load_idx %arg8[%get3A_147] : memref<10240xf32, #tpu.memory_space<vmem>>[vector<16xi32>], vector<16xf32>,
      %swap3A_149 = arith.constant 272 : index
      %swap3A_150 = tpu.vector_load %arg9[%swap3A_149] {strides = array<i32>} : memref<512xf32, #tpu.memory_space<vmem>>, vector<16xf32>,
      tpu.vector_store %arg9[%swap3A_149], %gather3A_148 {strides = array<i32>} : memref<512xf32, #tpu.memory_space<vmem>>, vector<16xf32>,
      %get3A_151 = arith.constant 288 : index
      %get3A_152 = tpu.vector_load %arg11[%get3A_151] {strides = array<i32>} : memref<512xi32, #tpu.memory_space<vmem>>, vector<16xi32>,
      %gather3A_153 = tpu.vector_load_idx %arg8[%get3A_152] : memref<10240xf32, #tpu.memory_space<vmem>>[vector<16xi32>], vector<16xf32>,
      %swap3A_154 = arith.constant 288 : index
      %swap3A_155 = tpu.vector_load %arg9[%swap3A_154] {strides = array<i32>} : memref<512xf32, #tpu.memory_space<vmem>>, vector<16xf32>,
      tpu.vector_store %arg9[%swap3A_154], %gather3A_153 {strides = array<i32>} : memref<512xf32, #tpu.memory_space<vmem>>, vector<16xf32>,
      %get3A_156 = arith.constant 304 : index
      %get3A_157 = tpu.vector_load %arg11[%get3A_156] {strides = array<i32>} : memref<512xi32, #tpu.memory_space<vmem>>, vector<16xi32>,
      %gather3A_158 = tpu.vector_load_idx %arg8[%get3A_157] : memref<10240xf32, #tpu.memory_space<vmem>>[vector<16xi32>], vector<16xf32>,
      %swap3A_159 = arith.constant 304 : index
      %swap3A_160 = tpu.vector_load %arg9[%swap3A_159] {strides = array<i32>} : memref<512xf32, #tpu.memory_space<vmem>>, vector<16xf32>,
      tpu.vector_store %arg9[%swap3A_159], %gather3A_158 {strides = array<i32>} : memref<512xf32, #tpu.memory_space<vmem>>, vector<16xf32>,
      %get3A_161 = arith.constant 320 : index
      %get3A_162 = tpu.vector_load %arg11[%get3A_161] {strides = array<i32>} : memref<512xi32, #tpu.memory_space<vmem>>, vector<16xi32>,
      %gather3A_163 = tpu.vector_load_idx %arg8[%get3A_162] : memref<10240xf32, #tpu.memory_space<vmem>>[vector<16xi32>], vector<16xf32>,
      %swap3A_164 = arith.constant 320 : index
      %swap3A_165 = tpu.vector_load %arg9[%swap3A_164] {strides = array<i32>} : memref<512xf32, #tpu.memory_space<vmem>>, vector<16xf32>,
      tpu.vector_store %arg9[%swap3A_164], %gather3A_163 {strides = array<i32>} : memref<512xf32, #tpu.memory_space<vmem>>, vector<16xf32>,
      %get3A_166 = arith.constant 336 : index
      %get3A_167 = tpu.vector_load %arg11[%get3A_166] {strides = array<i32>} : memref<512xi32, #tpu.memory_space<vmem>>, vector<16xi32>,
      %gather3A_168 = tpu.vector_load_idx %arg8[%get3A_167] : memref<10240xf32, #tpu.memory_space<vmem>>[vector<16xi32>], vector<16xf32>,
      %swap3A_169 = arith.constant 336 : index
      %swap3A_170 = tpu.vector_load %arg9[%swap3A_169] {strides = array<i32>} : memref<512xf32, #tpu.memory_space<vmem>>, vector<16xf32>,
      tpu.vector_store %arg9[%swap3A_169], %gather3A_168 {strides = array<i32>} : memref<512xf32, #tpu.memory_space<vmem>>, vector<16xf32>,
      %get3A_171 = arith.constant 352 : index
      %get3A_172 = tpu.vector_load %arg11[%get3A_171] {strides = array<i32>} : memref<512xi32, #tpu.memory_space<vmem>>, vector<16xi32>,
      %gather3A_173 = tpu.vector_load_idx %arg8[%get3A_172] : memref<10240xf32, #tpu.memory_space<vmem>>[vector<16xi32>], vector<16xf32>,
      %swap3A_174 = arith.constant 352 : index
      %swap3A_175 = tpu.vector_load %arg9[%swap3A_174] {strides = array<i32>} : memref<512xf32, #tpu.memory_space<vmem>>, vector<16xf32>,
      tpu.vector_store %arg9[%swap3A_174], %gather3A_173 {strides = array<i32>} : memref<512xf32, #tpu.memory_space<vmem>>, vector<16xf32>,
      %get3A_176 = arith.constant 368 : index
      %get3A_177 = tpu.vector_load %arg11[%get3A_176] {strides = array<i32>} : memref<512xi32, #tpu.memory_space<vmem>>, vector<16xi32>,
      %gather3A_178 = tpu.vector_load_idx %arg8[%get3A_177] : memref<10240xf32, #tpu.memory_space<vmem>>[vector<16xi32>], vector<16xf32>,
      %swap3A_179 = arith.constant 368 : index
      %swap3A_180 = tpu.vector_load %arg9[%swap3A_179] {strides = array<i32>} : memref<512xf32, #tpu.memory_space<vmem>>, vector<16xf32>,
      tpu.vector_store %arg9[%swap3A_179], %gather3A_178 {strides = array<i32>} : memref<512xf32, #tpu.memory_space<vmem>>, vector<16xf32>,
      %get3A_181 = arith.constant 384 : index
      %get3A_182 = tpu.vector_load %arg11[%get3A_181] {strides = array<i32>} : memref<512xi32, #tpu.memory_space<vmem>>, vector<16xi32>,
      %gather3A_183 = tpu.vector_load_idx %arg8[%get3A_182] : memref<10240xf32, #tpu.memory_space<vmem>>[vector<16xi32>], vector<16xf32>,
      %swap3A_184 = arith.constant 384 : index
      %swap3A_185 = tpu.vector_load %arg9[%swap3A_184] {strides = array<i32>} : memref<512xf32, #tpu.memory_space<vmem>>, vector<16xf32>,
      tpu.vector_store %arg9[%swap3A_184], %gather3A_183 {strides = array<i32>} : memref<512xf32, #tpu.memory_space<vmem>>, vector<16xf32>,
      %get3A_186 = arith.constant 400 : index
      %get3A_187 = tpu.vector_load %arg11[%get3A_186] {strides = array<i32>} : memref<512xi32, #tpu.memory_space<vmem>>, vector<16xi32>,
      %gather3A_188 = tpu.vector_load_idx %arg8[%get3A_187] : memref<10240xf32, #tpu.memory_space<vmem>>[vector<16xi32>], vector<16xf32>,
      %swap3A_189 = arith.constant 400 : index
      %swap3A_190 = tpu.vector_load %arg9[%swap3A_189] {strides = array<i32>} : memref<512xf32, #tpu.memory_space<vmem>>, vector<16xf32>,
      tpu.vector_store %arg9[%swap3A_189], %gather3A_188 {strides = array<i32>} : memref<512xf32, #tpu.memory_space<vmem>>, vector<16xf32>,
      %get3A_191 = arith.constant 416 : index
      %get3A_192 = tpu.vector_load %arg11[%get3A_191] {strides = array<i32>} : memref<512xi32, #tpu.memory_space<vmem>>, vector<16xi32>,
      %gather3A_193 = tpu.vector_load_idx %arg8[%get3A_192] : memref<10240xf32, #tpu.memory_space<vmem>>[vector<16xi32>], vector<16xf32>,
      %swap3A_194 = arith.constant 416 : index
      %swap3A_195 = tpu.vector_load %arg9[%swap3A_194] {strides = array<i32>} : memref<512xf32, #tpu.memory_space<vmem>>, vector<16xf32>,
      tpu.vector_store %arg9[%swap3A_194], %gather3A_193 {strides = array<i32>} : memref<512xf32, #tpu.memory_space<vmem>>, vector<16xf32>,
      %get3A_196 = arith.constant 432 : index
      %get3A_197 = tpu.vector_load %arg11[%get3A_196] {strides = array<i32>} : memref<512xi32, #tpu.memory_space<vmem>>, vector<16xi32>,
      %gather3A_198 = tpu.vector_load_idx %arg8[%get3A_197] : memref<10240xf32, #tpu.memory_space<vmem>>[vector<16xi32>], vector<16xf32>,
      %swap3A_199 = arith.constant 432 : index
      %swap3A_200 = tpu.vector_load %arg9[%swap3A_199] {strides = array<i32>} : memref<512xf32, #tpu.memory_space<vmem>>, vector<16xf32>,
      tpu.vector_store %arg9[%swap3A_199], %gather3A_198 {strides = array<i32>} : memref<512xf32, #tpu.memory_space<vmem>>, vector<16xf32>,
      %get3A_201 = arith.constant 448 : index
      %get3A_202 = tpu.vector_load %arg11[%get3A_201] {strides = array<i32>} : memref<512xi32, #tpu.memory_space<vmem>>, vector<16xi32>,
      %gather3A_203 = tpu.vector_load_idx %arg8[%get3A_202] : memref<10240xf32, #tpu.memory_space<vmem>>[vector<16xi32>], vector<16xf32>,
      %swap3A_204 = arith.constant 448 : index
      %swap3A_205 = tpu.vector_load %arg9[%swap3A_204] {strides = array<i32>} : memref<512xf32, #tpu.memory_space<vmem>>, vector<16xf32>,
      tpu.vector_store %arg9[%swap3A_204], %gather3A_203 {strides = array<i32>} : memref<512xf32, #tpu.memory_space<vmem>>, vector<16xf32>,
      %get3A_206 = arith.constant 464 : index
      %get3A_207 = tpu.vector_load %arg11[%get3A_206] {strides = array<i32>} : memref<512xi32, #tpu.memory_space<vmem>>, vector<16xi32>,
      %gather3A_208 = tpu.vector_load_idx %arg8[%get3A_207] : memref<10240xf32, #tpu.memory_space<vmem>>[vector<16xi32>], vector<16xf32>,
      %swap3A_209 = arith.constant 464 : index
      %swap3A_210 = tpu.vector_load %arg9[%swap3A_209] {strides = array<i32>} : memref<512xf32, #tpu.memory_space<vmem>>, vector<16xf32>,
      tpu.vector_store %arg9[%swap3A_209], %gather3A_208 {strides = array<i32>} : memref<512xf32, #tpu.memory_space<vmem>>, vector<16xf32>,
      %get3A_211 = arith.constant 480 : index
      %get3A_212 = tpu.vector_load %arg11[%get3A_211] {strides = array<i32>} : memref<512xi32, #tpu.memory_space<vmem>>, vector<16xi32>,
      %gather3A_213 = tpu.vector_load_idx %arg8[%get3A_212] : memref<10240xf32, #tpu.memory_space<vmem>>[vector<16xi32>], vector<16xf32>,
      %swap3A_214 = arith.constant 480 : index
      %swap3A_215 = tpu.vector_load %arg9[%swap3A_214] {strides = array<i32>} : memref<512xf32, #tpu.memory_space<vmem>>, vector<16xf32>,
      tpu.vector_store %arg9[%swap3A_214], %gather3A_213 {strides = array<i32>} : memref<512xf32, #tpu.memory_space<vmem>>, vector<16xf32>,
      %get3A_216 = arith.constant 496 : index
      %get3A_217 = tpu.vector_load %arg11[%get3A_216] {strides = array<i32>} : memref<512xi32, #tpu.memory_space<vmem>>, vector<16xi32>,
      %gather3A_218 = tpu.vector_load_idx %arg8[%get3A_217] : memref<10240xf32, #tpu.memory_space<vmem>>[vector<16xi32>], vector<16xf32>,
      %swap3A_219 = arith.constant 496 : index
      %swap3A_220 = tpu.vector_load %arg9[%swap3A_219] {strides = array<i32>} : memref<512xf32, #tpu.memory_space<vmem>>, vector<16xf32>,
      tpu.vector_store %arg9[%swap3A_219], %gather3A_218 {strides = array<i32>} : memref<512xf32, #tpu.memory_space<vmem>>, vector<16xf32>,
      %add3A_221 = arith.constant 2 : i32
      %add3A_222 = arith.addi %add3A_49, %add3A_221 : i32
      %lt3A = arith.constant 20 : i32
      %lt3A_223 = arith.cmpi slt, %add3A_222, %lt3A : i32
      %convert_element_type3A_224 = arith.extui %lt3A_223 : i1 to i32
      %cond3A_225 = arith.constant 0 : i32
      %cond3A_226 = arith.cmpi ne, %convert_element_type3A_224, %cond3A_225 : i32
      scf.if %cond3A_226 {
        %add3A_799 = arith.constant 2 : i32
        %add3A_800 = arith.addi %add3A_49, %add3A_799 : i32
        %add3A_801 = arith.addi %mul3A_4, %add3A_800 : i32
        %dma_start3A_802 = arith.constant 0 : i32
        %dma_start3A_803 = tpu.memref_slice %arg2[%add3A_801, %dma_start3A_802] : memref<640x512xi32, #tpu.memory_space<hbm>> -> memref<1x512xi32, #tpu.memory_space<hbm>>
        %dma_start3A_804 = tpu.memref_squeeze %dma_start3A_803 : memref<1x512xi32, #tpu.memory_space<hbm>> -> memref<512xi32, #tpu.memory_space<hbm>>
        %dma_start3A_805 = arith.constant 0 : i32
        %dma_start3A_806 = tpu.memref_slice %arg2[%add3A_801, %dma_start3A_805] : memref<640x512xi32, #tpu.memory_space<hbm>> -> memref<1x512xi32, #tpu.memory_space<hbm>>
        %dma_start3A_807 = tpu.memref_squeeze %dma_start3A_806 : memref<1x512xi32, #tpu.memory_space<hbm>> -> memref<512xi32, #tpu.memory_space<hbm>>
        tpu.enqueue_dma source(%dma_start3A_807 : memref<512xi32, #tpu.memory_space<hbm>>) target(%arg11 : memref<512xi32, #tpu.memory_space<vmem>>) target_semaphore(%arg17 : memref<!tpu.dma_semaphore, #tpu.memory_space<semaphore_mem>>)
        %add3A_808 = arith.constant 2 : i32
        %add3A_809 = arith.addi %add3A_49, %add3A_808 : i32
        %add3A_810 = arith.addi %mul3A_4, %add3A_809 : i32
        %dma_start3A_811 = arith.constant 0 : i32
        %dma_start3A_812 = tpu.memref_slice %arg3[%add3A_810, %dma_start3A_811] : memref<640x512xi32, #tpu.memory_space<hbm>> -> memref<1x512xi32, #tpu.memory_space<hbm>>
        %dma_start3A_813 = tpu.memref_squeeze %dma_start3A_812 : memref<1x512xi32, #tpu.memory_space<hbm>> -> memref<512xi32, #tpu.memory_space<hbm>>
        %dma_start3A_814 = arith.constant 0 : i32
        %dma_start3A_815 = tpu.memref_slice %arg3[%add3A_810, %dma_start3A_814] : memref<640x512xi32, #tpu.memory_space<hbm>> -> memref<1x512xi32, #tpu.memory_space<hbm>>
        %dma_start3A_816 = tpu.memref_squeeze %dma_start3A_815 : memref<1x512xi32, #tpu.memory_space<hbm>> -> memref<512xi32, #tpu.memory_space<hbm>>
        tpu.enqueue_dma source(%dma_start3A_816 : memref<512xi32, #tpu.memory_space<hbm>>) target(%arg15 : memref<512xi32, #tpu.memory_space<vmem>>) target_semaphore(%arg21 : memref<!tpu.dma_semaphore, #tpu.memory_space<semaphore_mem>>)
      } else {
      }
      %dma_start3A_227 = arith.constant 0 : i32
      %dma_start3A_228 = tpu.memref_slice %arg7[%dma_start3A_227] : memref<10240xf32, #tpu.memory_space<vmem_shared>> -> memref<10240xf32, #tpu.memory_space<vmem_shared>>
      tpu.enqueue_indirect_dma source(%arg9 : memref<512xf32, #tpu.memory_space<vmem>>) target(%dma_start3A_228 : memref<10240xf32, #tpu.memory_space<vmem_shared>>) offsets(%arg13 : memref<512xi32, #tpu.memory_space<vmem>>) semaphore(%arg23 : memref<!tpu.dma_semaphore, #tpu.memory_space<semaphore_mem>>) {add = true}
      %mul3A_229 = arith.constant 4 : i32
      %mul3A_230 = arith.muli %mul3A_229, %scan3A_45 : i32
      %add3A_231 = arith.constant 1 : i32
      %add3A_232 = arith.addi %mul3A_230, %add3A_231 : i32
      %dma_wait3A_233 = arith.constant 0 : i32
      %dma_wait3A_234 = tpu.memref_slice %arg2[%mul3A_4, %dma_wait3A_233] : memref<640x512xi32, #tpu.memory_space<hbm>> -> memref<1x512xi32, #tpu.memory_space<hbm>>
      %dma_wait3A_235 = tpu.memref_squeeze %dma_wait3A_234 : memref<1x512xi32, #tpu.memory_space<hbm>> -> memref<512xi32, #tpu.memory_space<hbm>>
      %dma_wait3A_236 = arith.constant 0 : i32
      %dma_wait3A_237 = tpu.memref_slice %arg2[%mul3A_4, %dma_wait3A_236] : memref<640x512xi32, #tpu.memory_space<hbm>> -> memref<1x512xi32, #tpu.memory_space<hbm>>
      %dma_wait3A_238 = tpu.memref_squeeze %dma_wait3A_237 : memref<1x512xi32, #tpu.memory_space<hbm>> -> memref<512xi32, #tpu.memory_space<hbm>>
      tpu.wait_dma2 semaphore(%arg18 : memref<!tpu.dma_semaphore, #tpu.memory_space<semaphore_mem>>) src(%dma_wait3A_238 : memref<512xi32, #tpu.memory_space<hbm>>) dst(%arg12 : memref<512xi32, #tpu.memory_space<vmem>>)
      %dma_wait3A_239 = arith.constant 0 : i32
      %dma_wait3A_240 = tpu.memref_slice %arg3[%mul3A_4, %dma_wait3A_239] : memref<640x512xi32, #tpu.memory_space<hbm>> -> memref<1x512xi32, #tpu.memory_space<hbm>>
      %dma_wait3A_241 = tpu.memref_squeeze %dma_wait3A_240 : memref<1x512xi32, #tpu.memory_space<hbm>> -> memref<512xi32, #tpu.memory_space<hbm>>
      %dma_wait3A_242 = arith.constant 0 : i32
      %dma_wait3A_243 = tpu.memref_slice %arg3[%mul3A_4, %dma_wait3A_242] : memref<640x512xi32, #tpu.memory_space<hbm>> -> memref<1x512xi32, #tpu.memory_space<hbm>>
      %dma_wait3A_244 = tpu.memref_squeeze %dma_wait3A_243 : memref<1x512xi32, #tpu.memory_space<hbm>> -> memref<512xi32, #tpu.memory_space<hbm>>
      tpu.wait_dma2 semaphore(%arg20 : memref<!tpu.dma_semaphore, #tpu.memory_space<semaphore_mem>>) src(%dma_wait3A_244 : memref<512xi32, #tpu.memory_space<hbm>>) dst(%arg14 : memref<512xi32, #tpu.memory_space<vmem>>)
      %ge3A_245 = arith.constant 2 : i32
      %ge3A_246 = arith.cmpi sge, %add3A_232, %ge3A_245 : i32
      %convert_element_type3A_247 = arith.extui %ge3A_246 : i1 to i32
      %cond3A_248 = arith.constant 0 : i32
      %cond3A_249 = arith.cmpi ne, %convert_element_type3A_247, %cond3A_248 : i32
      scf.if %cond3A_249 {
        %dma_wait3A_799 = arith.constant 0 : i32
        %dma_wait3A_800 = tpu.memref_slice %arg7[%dma_wait3A_799] : memref<10240xf32, #tpu.memory_space<vmem_shared>> -> memref<10240xf32, #tpu.memory_space<vmem_shared>>
        tpu.wait_indirect_dma semaphore(%arg26 : memref<!tpu.dma_semaphore, #tpu.memory_space<semaphore_mem>>) src(%arg10 : memref<512xf32, #tpu.memory_space<vmem>>) dst(%dma_wait3A_800 : memref<10240xf32, #tpu.memory_space<vmem_shared>>)
      } else {
      }
      %get3A_250 = arith.constant 0 : index
      %get3A_251 = tpu.vector_load %arg12[%get3A_250] {strides = array<i32>} : memref<512xi32, #tpu.memory_space<vmem>>, vector<16xi32>,
      %gather3A_252 = tpu.vector_load_idx %arg8[%get3A_251] : memref<10240xf32, #tpu.memory_space<vmem>>[vector<16xi32>], vector<16xf32>,
      %swap3A_253 = arith.constant 0 : index
      %swap3A_254 = tpu.vector_load %arg10[%swap3A_253] {strides = array<i32>} : memref<512xf32, #tpu.memory_space<vmem>>, vector<16xf32>,
      tpu.vector_store %arg10[%swap3A_253], %gather3A_252 {strides = array<i32>} : memref<512xf32, #tpu.memory_space<vmem>>, vector<16xf32>,
      %get3A_255 = arith.constant 16 : index
      %get3A_256 = tpu.vector_load %arg12[%get3A_255] {strides = array<i32>} : memref<512xi32, #tpu.memory_space<vmem>>, vector<16xi32>,
      %gather3A_257 = tpu.vector_load_idx %arg8[%get3A_256] : memref<10240xf32, #tpu.memory_space<vmem>>[vector<16xi32>], vector<16xf32>,
      %swap3A_258 = arith.constant 16 : index
      %swap3A_259 = tpu.vector_load %arg10[%swap3A_258] {strides = array<i32>} : memref<512xf32, #tpu.memory_space<vmem>>, vector<16xf32>,
      tpu.vector_store %arg10[%swap3A_258], %gather3A_257 {strides = array<i32>} : memref<512xf32, #tpu.memory_space<vmem>>, vector<16xf32>,
      %get3A_260 = arith.constant 32 : index
      %get3A_261 = tpu.vector_load %arg12[%get3A_260] {strides = array<i32>} : memref<512xi32, #tpu.memory_space<vmem>>, vector<16xi32>,
      %gather3A_262 = tpu.vector_load_idx %arg8[%get3A_261] : memref<10240xf32, #tpu.memory_space<vmem>>[vector<16xi32>], vector<16xf32>,
      %swap3A_263 = arith.constant 32 : index
      %swap3A_264 = tpu.vector_load %arg10[%swap3A_263] {strides = array<i32>} : memref<512xf32, #tpu.memory_space<vmem>>, vector<16xf32>,
      tpu.vector_store %arg10[%swap3A_263], %gather3A_262 {strides = array<i32>} : memref<512xf32, #tpu.memory_space<vmem>>, vector<16xf32>,
      %get3A_265 = arith.constant 48 : index
      %get3A_266 = tpu.vector_load %arg12[%get3A_265] {strides = array<i32>} : memref<512xi32, #tpu.memory_space<vmem>>, vector<16xi32>,
      %gather3A_267 = tpu.vector_load_idx %arg8[%get3A_266] : memref<10240xf32, #tpu.memory_space<vmem>>[vector<16xi32>], vector<16xf32>,
      %swap3A_268 = arith.constant 48 : index
      %swap3A_269 = tpu.vector_load %arg10[%swap3A_268] {strides = array<i32>} : memref<512xf32, #tpu.memory_space<vmem>>, vector<16xf32>,
      tpu.vector_store %arg10[%swap3A_268], %gather3A_267 {strides = array<i32>} : memref<512xf32, #tpu.memory_space<vmem>>, vector<16xf32>,
      %get3A_270 = arith.constant 64 : index
      %get3A_271 = tpu.vector_load %arg12[%get3A_270] {strides = array<i32>} : memref<512xi32, #tpu.memory_space<vmem>>, vector<16xi32>,
      %gather3A_272 = tpu.vector_load_idx %arg8[%get3A_271] : memref<10240xf32, #tpu.memory_space<vmem>>[vector<16xi32>], vector<16xf32>,
      %swap3A_273 = arith.constant 64 : index
      %swap3A_274 = tpu.vector_load %arg10[%swap3A_273] {strides = array<i32>} : memref<512xf32, #tpu.memory_space<vmem>>, vector<16xf32>,
      tpu.vector_store %arg10[%swap3A_273], %gather3A_272 {strides = array<i32>} : memref<512xf32, #tpu.memory_space<vmem>>, vector<16xf32>,
      %get3A_275 = arith.constant 80 : index
      %get3A_276 = tpu.vector_load %arg12[%get3A_275] {strides = array<i32>} : memref<512xi32, #tpu.memory_space<vmem>>, vector<16xi32>,
      %gather3A_277 = tpu.vector_load_idx %arg8[%get3A_276] : memref<10240xf32, #tpu.memory_space<vmem>>[vector<16xi32>], vector<16xf32>,
      %swap3A_278 = arith.constant 80 : index
      %swap3A_279 = tpu.vector_load %arg10[%swap3A_278] {strides = array<i32>} : memref<512xf32, #tpu.memory_space<vmem>>, vector<16xf32>,
      tpu.vector_store %arg10[%swap3A_278], %gather3A_277 {strides = array<i32>} : memref<512xf32, #tpu.memory_space<vmem>>, vector<16xf32>,
      %get3A_280 = arith.constant 96 : index
      %get3A_281 = tpu.vector_load %arg12[%get3A_280] {strides = array<i32>} : memref<512xi32, #tpu.memory_space<vmem>>, vector<16xi32>,
      %gather3A_282 = tpu.vector_load_idx %arg8[%get3A_281] : memref<10240xf32, #tpu.memory_space<vmem>>[vector<16xi32>], vector<16xf32>,
      %swap3A_283 = arith.constant 96 : index
      %swap3A_284 = tpu.vector_load %arg10[%swap3A_283] {strides = array<i32>} : memref<512xf32, #tpu.memory_space<vmem>>, vector<16xf32>,
      tpu.vector_store %arg10[%swap3A_283], %gather3A_282 {strides = array<i32>} : memref<512xf32, #tpu.memory_space<vmem>>, vector<16xf32>,
      %get3A_285 = arith.constant 112 : index
      %get3A_286 = tpu.vector_load %arg12[%get3A_285] {strides = array<i32>} : memref<512xi32, #tpu.memory_space<vmem>>, vector<16xi32>,
      %gather3A_287 = tpu.vector_load_idx %arg8[%get3A_286] : memref<10240xf32, #tpu.memory_space<vmem>>[vector<16xi32>], vector<16xf32>,
      %swap3A_288 = arith.constant 112 : index
      %swap3A_289 = tpu.vector_load %arg10[%swap3A_288] {strides = array<i32>} : memref<512xf32, #tpu.memory_space<vmem>>, vector<16xf32>,
      tpu.vector_store %arg10[%swap3A_288], %gather3A_287 {strides = array<i32>} : memref<512xf32, #tpu.memory_space<vmem>>, vector<16xf32>,
      %get3A_290 = arith.constant 128 : index
      %get3A_291 = tpu.vector_load %arg12[%get3A_290] {strides = array<i32>} : memref<512xi32, #tpu.memory_space<vmem>>, vector<16xi32>,
      %gather3A_292 = tpu.vector_load_idx %arg8[%get3A_291] : memref<10240xf32, #tpu.memory_space<vmem>>[vector<16xi32>], vector<16xf32>,
      %swap3A_293 = arith.constant 128 : index
      %swap3A_294 = tpu.vector_load %arg10[%swap3A_293] {strides = array<i32>} : memref<512xf32, #tpu.memory_space<vmem>>, vector<16xf32>,
      tpu.vector_store %arg10[%swap3A_293], %gather3A_292 {strides = array<i32>} : memref<512xf32, #tpu.memory_space<vmem>>, vector<16xf32>,
      %get3A_295 = arith.constant 144 : index
      %get3A_296 = tpu.vector_load %arg12[%get3A_295] {strides = array<i32>} : memref<512xi32, #tpu.memory_space<vmem>>, vector<16xi32>,
      %gather3A_297 = tpu.vector_load_idx %arg8[%get3A_296] : memref<10240xf32, #tpu.memory_space<vmem>>[vector<16xi32>], vector<16xf32>,
      %swap3A_298 = arith.constant 144 : index
      %swap3A_299 = tpu.vector_load %arg10[%swap3A_298] {strides = array<i32>} : memref<512xf32, #tpu.memory_space<vmem>>, vector<16xf32>,
      tpu.vector_store %arg10[%swap3A_298], %gather3A_297 {strides = array<i32>} : memref<512xf32, #tpu.memory_space<vmem>>, vector<16xf32>,
      %get3A_300 = arith.constant 160 : index
      %get3A_301 = tpu.vector_load %arg12[%get3A_300] {strides = array<i32>} : memref<512xi32, #tpu.memory_space<vmem>>, vector<16xi32>,
      %gather3A_302 = tpu.vector_load_idx %arg8[%get3A_301] : memref<10240xf32, #tpu.memory_space<vmem>>[vector<16xi32>], vector<16xf32>,
      %swap3A_303 = arith.constant 160 : index
      %swap3A_304 = tpu.vector_load %arg10[%swap3A_303] {strides = array<i32>} : memref<512xf32, #tpu.memory_space<vmem>>, vector<16xf32>,
      tpu.vector_store %arg10[%swap3A_303], %gather3A_302 {strides = array<i32>} : memref<512xf32, #tpu.memory_space<vmem>>, vector<16xf32>,
      %get3A_305 = arith.constant 176 : index
      %get3A_306 = tpu.vector_load %arg12[%get3A_305] {strides = array<i32>} : memref<512xi32, #tpu.memory_space<vmem>>, vector<16xi32>,
      %gather3A_307 = tpu.vector_load_idx %arg8[%get3A_306] : memref<10240xf32, #tpu.memory_space<vmem>>[vector<16xi32>], vector<16xf32>,
      %swap3A_308 = arith.constant 176 : index
      %swap3A_309 = tpu.vector_load %arg10[%swap3A_308] {strides = array<i32>} : memref<512xf32, #tpu.memory_space<vmem>>, vector<16xf32>,
      tpu.vector_store %arg10[%swap3A_308], %gather3A_307 {strides = array<i32>} : memref<512xf32, #tpu.memory_space<vmem>>, vector<16xf32>,
      %get3A_310 = arith.constant 192 : index
      %get3A_311 = tpu.vector_load %arg12[%get3A_310] {strides = array<i32>} : memref<512xi32, #tpu.memory_space<vmem>>, vector<16xi32>,
      %gather3A_312 = tpu.vector_load_idx %arg8[%get3A_311] : memref<10240xf32, #tpu.memory_space<vmem>>[vector<16xi32>], vector<16xf32>,
      %swap3A_313 = arith.constant 192 : index
      %swap3A_314 = tpu.vector_load %arg10[%swap3A_313] {strides = array<i32>} : memref<512xf32, #tpu.memory_space<vmem>>, vector<16xf32>,
      tpu.vector_store %arg10[%swap3A_313], %gather3A_312 {strides = array<i32>} : memref<512xf32, #tpu.memory_space<vmem>>, vector<16xf32>,
      %get3A_315 = arith.constant 208 : index
      %get3A_316 = tpu.vector_load %arg12[%get3A_315] {strides = array<i32>} : memref<512xi32, #tpu.memory_space<vmem>>, vector<16xi32>,
      %gather3A_317 = tpu.vector_load_idx %arg8[%get3A_316] : memref<10240xf32, #tpu.memory_space<vmem>>[vector<16xi32>], vector<16xf32>,
      %swap3A_318 = arith.constant 208 : index
      %swap3A_319 = tpu.vector_load %arg10[%swap3A_318] {strides = array<i32>} : memref<512xf32, #tpu.memory_space<vmem>>, vector<16xf32>,
      tpu.vector_store %arg10[%swap3A_318], %gather3A_317 {strides = array<i32>} : memref<512xf32, #tpu.memory_space<vmem>>, vector<16xf32>,
      %get3A_320 = arith.constant 224 : index
      %get3A_321 = tpu.vector_load %arg12[%get3A_320] {strides = array<i32>} : memref<512xi32, #tpu.memory_space<vmem>>, vector<16xi32>,
      %gather3A_322 = tpu.vector_load_idx %arg8[%get3A_321] : memref<10240xf32, #tpu.memory_space<vmem>>[vector<16xi32>], vector<16xf32>,
      %swap3A_323 = arith.constant 224 : index
      %swap3A_324 = tpu.vector_load %arg10[%swap3A_323] {strides = array<i32>} : memref<512xf32, #tpu.memory_space<vmem>>, vector<16xf32>,
      tpu.vector_store %arg10[%swap3A_323], %gather3A_322 {strides = array<i32>} : memref<512xf32, #tpu.memory_space<vmem>>, vector<16xf32>,
      %get3A_325 = arith.constant 240 : index
      %get3A_326 = tpu.vector_load %arg12[%get3A_325] {strides = array<i32>} : memref<512xi32, #tpu.memory_space<vmem>>, vector<16xi32>,
      %gather3A_327 = tpu.vector_load_idx %arg8[%get3A_326] : memref<10240xf32, #tpu.memory_space<vmem>>[vector<16xi32>], vector<16xf32>,
      %swap3A_328 = arith.constant 240 : index
      %swap3A_329 = tpu.vector_load %arg10[%swap3A_328] {strides = array<i32>} : memref<512xf32, #tpu.memory_space<vmem>>, vector<16xf32>,
      tpu.vector_store %arg10[%swap3A_328], %gather3A_327 {strides = array<i32>} : memref<512xf32, #tpu.memory_space<vmem>>, vector<16xf32>,
      %get3A_330 = arith.constant 256 : index
      %get3A_331 = tpu.vector_load %arg12[%get3A_330] {strides = array<i32>} : memref<512xi32, #tpu.memory_space<vmem>>, vector<16xi32>,
      %gather3A_332 = tpu.vector_load_idx %arg8[%get3A_331] : memref<10240xf32, #tpu.memory_space<vmem>>[vector<16xi32>], vector<16xf32>,
      %swap3A_333 = arith.constant 256 : index
      %swap3A_334 = tpu.vector_load %arg10[%swap3A_333] {strides = array<i32>} : memref<512xf32, #tpu.memory_space<vmem>>, vector<16xf32>,
      tpu.vector_store %arg10[%swap3A_333], %gather3A_332 {strides = array<i32>} : memref<512xf32, #tpu.memory_space<vmem>>, vector<16xf32>,
      %get3A_335 = arith.constant 272 : index
      %get3A_336 = tpu.vector_load %arg12[%get3A_335] {strides = array<i32>} : memref<512xi32, #tpu.memory_space<vmem>>, vector<16xi32>,
      %gather3A_337 = tpu.vector_load_idx %arg8[%get3A_336] : memref<10240xf32, #tpu.memory_space<vmem>>[vector<16xi32>], vector<16xf32>,
      %swap3A_338 = arith.constant 272 : index
      %swap3A_339 = tpu.vector_load %arg10[%swap3A_338] {strides = array<i32>} : memref<512xf32, #tpu.memory_space<vmem>>, vector<16xf32>,
      tpu.vector_store %arg10[%swap3A_338], %gather3A_337 {strides = array<i32>} : memref<512xf32, #tpu.memory_space<vmem>>, vector<16xf32>,
      %get3A_340 = arith.constant 288 : index
      %get3A_341 = tpu.vector_load %arg12[%get3A_340] {strides = array<i32>} : memref<512xi32, #tpu.memory_space<vmem>>, vector<16xi32>,
      %gather3A_342 = tpu.vector_load_idx %arg8[%get3A_341] : memref<10240xf32, #tpu.memory_space<vmem>>[vector<16xi32>], vector<16xf32>,
      %swap3A_343 = arith.constant 288 : index
      %swap3A_344 = tpu.vector_load %arg10[%swap3A_343] {strides = array<i32>} : memref<512xf32, #tpu.memory_space<vmem>>, vector<16xf32>,
      tpu.vector_store %arg10[%swap3A_343], %gather3A_342 {strides = array<i32>} : memref<512xf32, #tpu.memory_space<vmem>>, vector<16xf32>,
      %get3A_345 = arith.constant 304 : index
      %get3A_346 = tpu.vector_load %arg12[%get3A_345] {strides = array<i32>} : memref<512xi32, #tpu.memory_space<vmem>>, vector<16xi32>,
      %gather3A_347 = tpu.vector_load_idx %arg8[%get3A_346] : memref<10240xf32, #tpu.memory_space<vmem>>[vector<16xi32>], vector<16xf32>,
      %swap3A_348 = arith.constant 304 : index
      %swap3A_349 = tpu.vector_load %arg10[%swap3A_348] {strides = array<i32>} : memref<512xf32, #tpu.memory_space<vmem>>, vector<16xf32>,
      tpu.vector_store %arg10[%swap3A_348], %gather3A_347 {strides = array<i32>} : memref<512xf32, #tpu.memory_space<vmem>>, vector<16xf32>,
      %get3A_350 = arith.constant 320 : index
      %get3A_351 = tpu.vector_load %arg12[%get3A_350] {strides = array<i32>} : memref<512xi32, #tpu.memory_space<vmem>>, vector<16xi32>,
      %gather3A_352 = tpu.vector_load_idx %arg8[%get3A_351] : memref<10240xf32, #tpu.memory_space<vmem>>[vector<16xi32>], vector<16xf32>,
      %swap3A_353 = arith.constant 320 : index
      %swap3A_354 = tpu.vector_load %arg10[%swap3A_353] {strides = array<i32>} : memref<512xf32, #tpu.memory_space<vmem>>, vector<16xf32>,
      tpu.vector_store %arg10[%swap3A_353], %gather3A_352 {strides = array<i32>} : memref<512xf32, #tpu.memory_space<vmem>>, vector<16xf32>,
      %get3A_355 = arith.constant 336 : index
      %get3A_356 = tpu.vector_load %arg12[%get3A_355] {strides = array<i32>} : memref<512xi32, #tpu.memory_space<vmem>>, vector<16xi32>,
      %gather3A_357 = tpu.vector_load_idx %arg8[%get3A_356] : memref<10240xf32, #tpu.memory_space<vmem>>[vector<16xi32>], vector<16xf32>,
      %swap3A_358 = arith.constant 336 : index
      %swap3A_359 = tpu.vector_load %arg10[%swap3A_358] {strides = array<i32>} : memref<512xf32, #tpu.memory_space<vmem>>, vector<16xf32>,
      tpu.vector_store %arg10[%swap3A_358], %gather3A_357 {strides = array<i32>} : memref<512xf32, #tpu.memory_space<vmem>>, vector<16xf32>,
      %get3A_360 = arith.constant 352 : index
      %get3A_361 = tpu.vector_load %arg12[%get3A_360] {strides = array<i32>} : memref<512xi32, #tpu.memory_space<vmem>>, vector<16xi32>,
      %gather3A_362 = tpu.vector_load_idx %arg8[%get3A_361] : memref<10240xf32, #tpu.memory_space<vmem>>[vector<16xi32>], vector<16xf32>,
      %swap3A_363 = arith.constant 352 : index
      %swap3A_364 = tpu.vector_load %arg10[%swap3A_363] {strides = array<i32>} : memref<512xf32, #tpu.memory_space<vmem>>, vector<16xf32>,
      tpu.vector_store %arg10[%swap3A_363], %gather3A_362 {strides = array<i32>} : memref<512xf32, #tpu.memory_space<vmem>>, vector<16xf32>,
      %get3A_365 = arith.constant 368 : index
      %get3A_366 = tpu.vector_load %arg12[%get3A_365] {strides = array<i32>} : memref<512xi32, #tpu.memory_space<vmem>>, vector<16xi32>,
      %gather3A_367 = tpu.vector_load_idx %arg8[%get3A_366] : memref<10240xf32, #tpu.memory_space<vmem>>[vector<16xi32>], vector<16xf32>,
      %swap3A_368 = arith.constant 368 : index
      %swap3A_369 = tpu.vector_load %arg10[%swap3A_368] {strides = array<i32>} : memref<512xf32, #tpu.memory_space<vmem>>, vector<16xf32>,
      tpu.vector_store %arg10[%swap3A_368], %gather3A_367 {strides = array<i32>} : memref<512xf32, #tpu.memory_space<vmem>>, vector<16xf32>,
      %get3A_370 = arith.constant 384 : index
      %get3A_371 = tpu.vector_load %arg12[%get3A_370] {strides = array<i32>} : memref<512xi32, #tpu.memory_space<vmem>>, vector<16xi32>,
      %gather3A_372 = tpu.vector_load_idx %arg8[%get3A_371] : memref<10240xf32, #tpu.memory_space<vmem>>[vector<16xi32>], vector<16xf32>,
      %swap3A_373 = arith.constant 384 : index
      %swap3A_374 = tpu.vector_load %arg10[%swap3A_373] {strides = array<i32>} : memref<512xf32, #tpu.memory_space<vmem>>, vector<16xf32>,
      tpu.vector_store %arg10[%swap3A_373], %gather3A_372 {strides = array<i32>} : memref<512xf32, #tpu.memory_space<vmem>>, vector<16xf32>,
      %get3A_375 = arith.constant 400 : index
      %get3A_376 = tpu.vector_load %arg12[%get3A_375] {strides = array<i32>} : memref<512xi32, #tpu.memory_space<vmem>>, vector<16xi32>,
      %gather3A_377 = tpu.vector_load_idx %arg8[%get3A_376] : memref<10240xf32, #tpu.memory_space<vmem>>[vector<16xi32>], vector<16xf32>,
      %swap3A_378 = arith.constant 400 : index
      %swap3A_379 = tpu.vector_load %arg10[%swap3A_378] {strides = array<i32>} : memref<512xf32, #tpu.memory_space<vmem>>, vector<16xf32>,
      tpu.vector_store %arg10[%swap3A_378], %gather3A_377 {strides = array<i32>} : memref<512xf32, #tpu.memory_space<vmem>>, vector<16xf32>,
      %get3A_380 = arith.constant 416 : index
      %get3A_381 = tpu.vector_load %arg12[%get3A_380] {strides = array<i32>} : memref<512xi32, #tpu.memory_space<vmem>>, vector<16xi32>,
      %gather3A_382 = tpu.vector_load_idx %arg8[%get3A_381] : memref<10240xf32, #tpu.memory_space<vmem>>[vector<16xi32>], vector<16xf32>,
      %swap3A_383 = arith.constant 416 : index
      %swap3A_384 = tpu.vector_load %arg10[%swap3A_383] {strides = array<i32>} : memref<512xf32, #tpu.memory_space<vmem>>, vector<16xf32>,
      tpu.vector_store %arg10[%swap3A_383], %gather3A_382 {strides = array<i32>} : memref<512xf32, #tpu.memory_space<vmem>>, vector<16xf32>,
      %get3A_385 = arith.constant 432 : index
      %get3A_386 = tpu.vector_load %arg12[%get3A_385] {strides = array<i32>} : memref<512xi32, #tpu.memory_space<vmem>>, vector<16xi32>,
      %gather3A_387 = tpu.vector_load_idx %arg8[%get3A_386] : memref<10240xf32, #tpu.memory_space<vmem>>[vector<16xi32>], vector<16xf32>,
      %swap3A_388 = arith.constant 432 : index
      %swap3A_389 = tpu.vector_load %arg10[%swap3A_388] {strides = array<i32>} : memref<512xf32, #tpu.memory_space<vmem>>, vector<16xf32>,
      tpu.vector_store %arg10[%swap3A_388], %gather3A_387 {strides = array<i32>} : memref<512xf32, #tpu.memory_space<vmem>>, vector<16xf32>,
      %get3A_390 = arith.constant 448 : index
      %get3A_391 = tpu.vector_load %arg12[%get3A_390] {strides = array<i32>} : memref<512xi32, #tpu.memory_space<vmem>>, vector<16xi32>,
      %gather3A_392 = tpu.vector_load_idx %arg8[%get3A_391] : memref<10240xf32, #tpu.memory_space<vmem>>[vector<16xi32>], vector<16xf32>,
      %swap3A_393 = arith.constant 448 : index
      %swap3A_394 = tpu.vector_load %arg10[%swap3A_393] {strides = array<i32>} : memref<512xf32, #tpu.memory_space<vmem>>, vector<16xf32>,
      tpu.vector_store %arg10[%swap3A_393], %gather3A_392 {strides = array<i32>} : memref<512xf32, #tpu.memory_space<vmem>>, vector<16xf32>,
      %get3A_395 = arith.constant 464 : index
      %get3A_396 = tpu.vector_load %arg12[%get3A_395] {strides = array<i32>} : memref<512xi32, #tpu.memory_space<vmem>>, vector<16xi32>,
      %gather3A_397 = tpu.vector_load_idx %arg8[%get3A_396] : memref<10240xf32, #tpu.memory_space<vmem>>[vector<16xi32>], vector<16xf32>,
      %swap3A_398 = arith.constant 464 : index
      %swap3A_399 = tpu.vector_load %arg10[%swap3A_398] {strides = array<i32>} : memref<512xf32, #tpu.memory_space<vmem>>, vector<16xf32>,
      tpu.vector_store %arg10[%swap3A_398], %gather3A_397 {strides = array<i32>} : memref<512xf32, #tpu.memory_space<vmem>>, vector<16xf32>,
      %get3A_400 = arith.constant 480 : index
      %get3A_401 = tpu.vector_load %arg12[%get3A_400] {strides = array<i32>} : memref<512xi32, #tpu.memory_space<vmem>>, vector<16xi32>,
      %gather3A_402 = tpu.vector_load_idx %arg8[%get3A_401] : memref<10240xf32, #tpu.memory_space<vmem>>[vector<16xi32>], vector<16xf32>,
      %swap3A_403 = arith.constant 480 : index
      %swap3A_404 = tpu.vector_load %arg10[%swap3A_403] {strides = array<i32>} : memref<512xf32, #tpu.memory_space<vmem>>, vector<16xf32>,
      tpu.vector_store %arg10[%swap3A_403], %gather3A_402 {strides = array<i32>} : memref<512xf32, #tpu.memory_space<vmem>>, vector<16xf32>,
      %get3A_405 = arith.constant 496 : index
      %get3A_406 = tpu.vector_load %arg12[%get3A_405] {strides = array<i32>} : memref<512xi32, #tpu.memory_space<vmem>>, vector<16xi32>,
      %gather3A_407 = tpu.vector_load_idx %arg8[%get3A_406] : memref<10240xf32, #tpu.memory_space<vmem>>[vector<16xi32>], vector<16xf32>,
      %swap3A_408 = arith.constant 496 : index
      %swap3A_409 = tpu.vector_load %arg10[%swap3A_408] {strides = array<i32>} : memref<512xf32, #tpu.memory_space<vmem>>, vector<16xf32>,
      tpu.vector_store %arg10[%swap3A_408], %gather3A_407 {strides = array<i32>} : memref<512xf32, #tpu.memory_space<vmem>>, vector<16xf32>,
      %add3A_410 = arith.constant 2 : i32
      %add3A_411 = arith.addi %add3A_232, %add3A_410 : i32
      %lt3A_412 = arith.constant 20 : i32
      %lt3A_413 = arith.cmpi slt, %add3A_411, %lt3A_412 : i32
      %convert_element_type3A_414 = arith.extui %lt3A_413 : i1 to i32
      %cond3A_415 = arith.constant 0 : i32
      %cond3A_416 = arith.cmpi ne, %convert_element_type3A_414, %cond3A_415 : i32
      scf.if %cond3A_416 {
        %add3A_799 = arith.constant 2 : i32
        %add3A_800 = arith.addi %add3A_232, %add3A_799 : i32
        %add3A_801 = arith.addi %mul3A_4, %add3A_800 : i32
        %dma_start3A_802 = arith.constant 0 : i32
        %dma_start3A_803 = tpu.memref_slice %arg2[%add3A_801, %dma_start3A_802] : memref<640x512xi32, #tpu.memory_space<hbm>> -> memref<1x512xi32, #tpu.memory_space<hbm>>
        %dma_start3A_804 = tpu.memref_squeeze %dma_start3A_803 : memref<1x512xi32, #tpu.memory_space<hbm>> -> memref<512xi32, #tpu.memory_space<hbm>>
        %dma_start3A_805 = arith.constant 0 : i32
        %dma_start3A_806 = tpu.memref_slice %arg2[%add3A_801, %dma_start3A_805] : memref<640x512xi32, #tpu.memory_space<hbm>> -> memref<1x512xi32, #tpu.memory_space<hbm>>
        %dma_start3A_807 = tpu.memref_squeeze %dma_start3A_806 : memref<1x512xi32, #tpu.memory_space<hbm>> -> memref<512xi32, #tpu.memory_space<hbm>>
        tpu.enqueue_dma source(%dma_start3A_807 : memref<512xi32, #tpu.memory_space<hbm>>) target(%arg12 : memref<512xi32, #tpu.memory_space<vmem>>) target_semaphore(%arg18 : memref<!tpu.dma_semaphore, #tpu.memory_space<semaphore_mem>>)
        %add3A_808 = arith.constant 2 : i32
        %add3A_809 = arith.addi %add3A_232, %add3A_808 : i32
        %add3A_810 = arith.addi %mul3A_4, %add3A_809 : i32
        %dma_start3A_811 = arith.constant 0 : i32
        %dma_start3A_812 = tpu.memref_slice %arg3[%add3A_810, %dma_start3A_811] : memref<640x512xi32, #tpu.memory_space<hbm>> -> memref<1x512xi32, #tpu.memory_space<hbm>>
        %dma_start3A_813 = tpu.memref_squeeze %dma_start3A_812 : memref<1x512xi32, #tpu.memory_space<hbm>> -> memref<512xi32, #tpu.memory_space<hbm>>
        %dma_start3A_814 = arith.constant 0 : i32
        %dma_start3A_815 = tpu.memref_slice %arg3[%add3A_810, %dma_start3A_814] : memref<640x512xi32, #tpu.memory_space<hbm>> -> memref<1x512xi32, #tpu.memory_space<hbm>>
        %dma_start3A_816 = tpu.memref_squeeze %dma_start3A_815 : memref<1x512xi32, #tpu.memory_space<hbm>> -> memref<512xi32, #tpu.memory_space<hbm>>
        tpu.enqueue_dma source(%dma_start3A_816 : memref<512xi32, #tpu.memory_space<hbm>>) target(%arg16 : memref<512xi32, #tpu.memory_space<vmem>>) target_semaphore(%arg22 : memref<!tpu.dma_semaphore, #tpu.memory_space<semaphore_mem>>)
      } else {
      }
      %dma_start3A_417 = arith.constant 0 : i32
      %dma_start3A_418 = tpu.memref_slice %arg7[%dma_start3A_417] : memref<10240xf32, #tpu.memory_space<vmem_shared>> -> memref<10240xf32, #tpu.memory_space<vmem_shared>>
      tpu.enqueue_indirect_dma source(%arg10 : memref<512xf32, #tpu.memory_space<vmem>>) target(%dma_start3A_418 : memref<10240xf32, #tpu.memory_space<vmem_shared>>) offsets(%arg14 : memref<512xi32, #tpu.memory_space<vmem>>) semaphore(%arg24 : memref<!tpu.dma_semaphore, #tpu.memory_space<semaphore_mem>>) {add = true}
      %mul3A_419 = arith.constant 4 : i32
      %mul3A_420 = arith.muli %mul3A_419, %scan3A_45 : i32
      %add3A_421 = arith.constant 2 : i32
      %add3A_422 = arith.addi %mul3A_420, %add3A_421 : i32
      %dma_wait3A_423 = arith.constant 0 : i32
      %dma_wait3A_424 = tpu.memref_slice %arg2[%mul3A_4, %dma_wait3A_423] : memref<640x512xi32, #tpu.memory_space<hbm>> -> memref<1x512xi32, #tpu.memory_space<hbm>>
      %dma_wait3A_425 = tpu.memref_squeeze %dma_wait3A_424 : memref<1x512xi32, #tpu.memory_space<hbm>> -> memref<512xi32, #tpu.memory_space<hbm>>
      %dma_wait3A_426 = arith.constant 0 : i32
      %dma_wait3A_427 = tpu.memref_slice %arg2[%mul3A_4, %dma_wait3A_426] : memref<640x512xi32, #tpu.memory_space<hbm>> -> memref<1x512xi32, #tpu.memory_space<hbm>>
      %dma_wait3A_428 = tpu.memref_squeeze %dma_wait3A_427 : memref<1x512xi32, #tpu.memory_space<hbm>> -> memref<512xi32, #tpu.memory_space<hbm>>
      tpu.wait_dma2 semaphore(%arg17 : memref<!tpu.dma_semaphore, #tpu.memory_space<semaphore_mem>>) src(%dma_wait3A_428 : memref<512xi32, #tpu.memory_space<hbm>>) dst(%arg11 : memref<512xi32, #tpu.memory_space<vmem>>)
      %dma_wait3A_429 = arith.constant 0 : i32
      %dma_wait3A_430 = tpu.memref_slice %arg3[%mul3A_4, %dma_wait3A_429] : memref<640x512xi32, #tpu.memory_space<hbm>> -> memref<1x512xi32, #tpu.memory_space<hbm>>
      %dma_wait3A_431 = tpu.memref_squeeze %dma_wait3A_430 : memref<1x512xi32, #tpu.memory_space<hbm>> -> memref<512xi32, #tpu.memory_space<hbm>>
      %dma_wait3A_432 = arith.constant 0 : i32
      %dma_wait3A_433 = tpu.memref_slice %arg3[%mul3A_4, %dma_wait3A_432] : memref<640x512xi32, #tpu.memory_space<hbm>> -> memref<1x512xi32, #tpu.memory_space<hbm>>
      %dma_wait3A_434 = tpu.memref_squeeze %dma_wait3A_433 : memref<1x512xi32, #tpu.memory_space<hbm>> -> memref<512xi32, #tpu.memory_space<hbm>>
      tpu.wait_dma2 semaphore(%arg21 : memref<!tpu.dma_semaphore, #tpu.memory_space<semaphore_mem>>) src(%dma_wait3A_434 : memref<512xi32, #tpu.memory_space<hbm>>) dst(%arg15 : memref<512xi32, #tpu.memory_space<vmem>>)
      %ge3A_435 = arith.constant 2 : i32
      %ge3A_436 = arith.cmpi sge, %add3A_422, %ge3A_435 : i32
      %convert_element_type3A_437 = arith.extui %ge3A_436 : i1 to i32
      %cond3A_438 = arith.constant 0 : i32
      %cond3A_439 = arith.cmpi ne, %convert_element_type3A_437, %cond3A_438 : i32
      scf.if %cond3A_439 {
        %dma_wait3A_799 = arith.constant 0 : i32
        %dma_wait3A_800 = tpu.memref_slice %arg7[%dma_wait3A_799] : memref<10240xf32, #tpu.memory_space<vmem_shared>> -> memref<10240xf32, #tpu.memory_space<vmem_shared>>
        tpu.wait_indirect_dma semaphore(%arg23 : memref<!tpu.dma_semaphore, #tpu.memory_space<semaphore_mem>>) src(%arg9 : memref<512xf32, #tpu.memory_space<vmem>>) dst(%dma_wait3A_800 : memref<10240xf32, #tpu.memory_space<vmem_shared>>)
      } else {
      }
      %get3A_440 = arith.constant 0 : index
      %get3A_441 = tpu.vector_load %arg11[%get3A_440] {strides = array<i32>} : memref<512xi32, #tpu.memory_space<vmem>>, vector<16xi32>,
      %gather3A_442 = tpu.vector_load_idx %arg8[%get3A_441] : memref<10240xf32, #tpu.memory_space<vmem>>[vector<16xi32>], vector<16xf32>,
      %swap3A_443 = arith.constant 0 : index
      %swap3A_444 = tpu.vector_load %arg9[%swap3A_443] {strides = array<i32>} : memref<512xf32, #tpu.memory_space<vmem>>, vector<16xf32>,
      tpu.vector_store %arg9[%swap3A_443], %gather3A_442 {strides = array<i32>} : memref<512xf32, #tpu.memory_space<vmem>>, vector<16xf32>,
      %get3A_445 = arith.constant 16 : index
      %get3A_446 = tpu.vector_load %arg11[%get3A_445] {strides = array<i32>} : memref<512xi32, #tpu.memory_space<vmem>>, vector<16xi32>,
      %gather3A_447 = tpu.vector_load_idx %arg8[%get3A_446] : memref<10240xf32, #tpu.memory_space<vmem>>[vector<16xi32>], vector<16xf32>,
      %swap3A_448 = arith.constant 16 : index
      %swap3A_449 = tpu.vector_load %arg9[%swap3A_448] {strides = array<i32>} : memref<512xf32, #tpu.memory_space<vmem>>, vector<16xf32>,
      tpu.vector_store %arg9[%swap3A_448], %gather3A_447 {strides = array<i32>} : memref<512xf32, #tpu.memory_space<vmem>>, vector<16xf32>,
      %get3A_450 = arith.constant 32 : index
      %get3A_451 = tpu.vector_load %arg11[%get3A_450] {strides = array<i32>} : memref<512xi32, #tpu.memory_space<vmem>>, vector<16xi32>,
      %gather3A_452 = tpu.vector_load_idx %arg8[%get3A_451] : memref<10240xf32, #tpu.memory_space<vmem>>[vector<16xi32>], vector<16xf32>,
      %swap3A_453 = arith.constant 32 : index
      %swap3A_454 = tpu.vector_load %arg9[%swap3A_453] {strides = array<i32>} : memref<512xf32, #tpu.memory_space<vmem>>, vector<16xf32>,
      tpu.vector_store %arg9[%swap3A_453], %gather3A_452 {strides = array<i32>} : memref<512xf32, #tpu.memory_space<vmem>>, vector<16xf32>,
      %get3A_455 = arith.constant 48 : index
      %get3A_456 = tpu.vector_load %arg11[%get3A_455] {strides = array<i32>} : memref<512xi32, #tpu.memory_space<vmem>>, vector<16xi32>,
      %gather3A_457 = tpu.vector_load_idx %arg8[%get3A_456] : memref<10240xf32, #tpu.memory_space<vmem>>[vector<16xi32>], vector<16xf32>,
      %swap3A_458 = arith.constant 48 : index
      %swap3A_459 = tpu.vector_load %arg9[%swap3A_458] {strides = array<i32>} : memref<512xf32, #tpu.memory_space<vmem>>, vector<16xf32>,
      tpu.vector_store %arg9[%swap3A_458], %gather3A_457 {strides = array<i32>} : memref<512xf32, #tpu.memory_space<vmem>>, vector<16xf32>,
      %get3A_460 = arith.constant 64 : index
      %get3A_461 = tpu.vector_load %arg11[%get3A_460] {strides = array<i32>} : memref<512xi32, #tpu.memory_space<vmem>>, vector<16xi32>,
      %gather3A_462 = tpu.vector_load_idx %arg8[%get3A_461] : memref<10240xf32, #tpu.memory_space<vmem>>[vector<16xi32>], vector<16xf32>,
      %swap3A_463 = arith.constant 64 : index
      %swap3A_464 = tpu.vector_load %arg9[%swap3A_463] {strides = array<i32>} : memref<512xf32, #tpu.memory_space<vmem>>, vector<16xf32>,
      tpu.vector_store %arg9[%swap3A_463], %gather3A_462 {strides = array<i32>} : memref<512xf32, #tpu.memory_space<vmem>>, vector<16xf32>,
      %get3A_465 = arith.constant 80 : index
      %get3A_466 = tpu.vector_load %arg11[%get3A_465] {strides = array<i32>} : memref<512xi32, #tpu.memory_space<vmem>>, vector<16xi32>,
      %gather3A_467 = tpu.vector_load_idx %arg8[%get3A_466] : memref<10240xf32, #tpu.memory_space<vmem>>[vector<16xi32>], vector<16xf32>,
      %swap3A_468 = arith.constant 80 : index
      %swap3A_469 = tpu.vector_load %arg9[%swap3A_468] {strides = array<i32>} : memref<512xf32, #tpu.memory_space<vmem>>, vector<16xf32>,
      tpu.vector_store %arg9[%swap3A_468], %gather3A_467 {strides = array<i32>} : memref<512xf32, #tpu.memory_space<vmem>>, vector<16xf32>,
      %get3A_470 = arith.constant 96 : index
      %get3A_471 = tpu.vector_load %arg11[%get3A_470] {strides = array<i32>} : memref<512xi32, #tpu.memory_space<vmem>>, vector<16xi32>,
      %gather3A_472 = tpu.vector_load_idx %arg8[%get3A_471] : memref<10240xf32, #tpu.memory_space<vmem>>[vector<16xi32>], vector<16xf32>,
      %swap3A_473 = arith.constant 96 : index
      %swap3A_474 = tpu.vector_load %arg9[%swap3A_473] {strides = array<i32>} : memref<512xf32, #tpu.memory_space<vmem>>, vector<16xf32>,
      tpu.vector_store %arg9[%swap3A_473], %gather3A_472 {strides = array<i32>} : memref<512xf32, #tpu.memory_space<vmem>>, vector<16xf32>,
      %get3A_475 = arith.constant 112 : index
      %get3A_476 = tpu.vector_load %arg11[%get3A_475] {strides = array<i32>} : memref<512xi32, #tpu.memory_space<vmem>>, vector<16xi32>,
      %gather3A_477 = tpu.vector_load_idx %arg8[%get3A_476] : memref<10240xf32, #tpu.memory_space<vmem>>[vector<16xi32>], vector<16xf32>,
      %swap3A_478 = arith.constant 112 : index
      %swap3A_479 = tpu.vector_load %arg9[%swap3A_478] {strides = array<i32>} : memref<512xf32, #tpu.memory_space<vmem>>, vector<16xf32>,
      tpu.vector_store %arg9[%swap3A_478], %gather3A_477 {strides = array<i32>} : memref<512xf32, #tpu.memory_space<vmem>>, vector<16xf32>,
      %get3A_480 = arith.constant 128 : index
      %get3A_481 = tpu.vector_load %arg11[%get3A_480] {strides = array<i32>} : memref<512xi32, #tpu.memory_space<vmem>>, vector<16xi32>,
      %gather3A_482 = tpu.vector_load_idx %arg8[%get3A_481] : memref<10240xf32, #tpu.memory_space<vmem>>[vector<16xi32>], vector<16xf32>,
      %swap3A_483 = arith.constant 128 : index
      %swap3A_484 = tpu.vector_load %arg9[%swap3A_483] {strides = array<i32>} : memref<512xf32, #tpu.memory_space<vmem>>, vector<16xf32>,
      tpu.vector_store %arg9[%swap3A_483], %gather3A_482 {strides = array<i32>} : memref<512xf32, #tpu.memory_space<vmem>>, vector<16xf32>,
      %get3A_485 = arith.constant 144 : index
      %get3A_486 = tpu.vector_load %arg11[%get3A_485] {strides = array<i32>} : memref<512xi32, #tpu.memory_space<vmem>>, vector<16xi32>,
      %gather3A_487 = tpu.vector_load_idx %arg8[%get3A_486] : memref<10240xf32, #tpu.memory_space<vmem>>[vector<16xi32>], vector<16xf32>,
      %swap3A_488 = arith.constant 144 : index
      %swap3A_489 = tpu.vector_load %arg9[%swap3A_488] {strides = array<i32>} : memref<512xf32, #tpu.memory_space<vmem>>, vector<16xf32>,
      tpu.vector_store %arg9[%swap3A_488], %gather3A_487 {strides = array<i32>} : memref<512xf32, #tpu.memory_space<vmem>>, vector<16xf32>,
      %get3A_490 = arith.constant 160 : index
      %get3A_491 = tpu.vector_load %arg11[%get3A_490] {strides = array<i32>} : memref<512xi32, #tpu.memory_space<vmem>>, vector<16xi32>,
      %gather3A_492 = tpu.vector_load_idx %arg8[%get3A_491] : memref<10240xf32, #tpu.memory_space<vmem>>[vector<16xi32>], vector<16xf32>,
      %swap3A_493 = arith.constant 160 : index
      %swap3A_494 = tpu.vector_load %arg9[%swap3A_493] {strides = array<i32>} : memref<512xf32, #tpu.memory_space<vmem>>, vector<16xf32>,
      tpu.vector_store %arg9[%swap3A_493], %gather3A_492 {strides = array<i32>} : memref<512xf32, #tpu.memory_space<vmem>>, vector<16xf32>,
      %get3A_495 = arith.constant 176 : index
      %get3A_496 = tpu.vector_load %arg11[%get3A_495] {strides = array<i32>} : memref<512xi32, #tpu.memory_space<vmem>>, vector<16xi32>,
      %gather3A_497 = tpu.vector_load_idx %arg8[%get3A_496] : memref<10240xf32, #tpu.memory_space<vmem>>[vector<16xi32>], vector<16xf32>,
      %swap3A_498 = arith.constant 176 : index
      %swap3A_499 = tpu.vector_load %arg9[%swap3A_498] {strides = array<i32>} : memref<512xf32, #tpu.memory_space<vmem>>, vector<16xf32>,
      tpu.vector_store %arg9[%swap3A_498], %gather3A_497 {strides = array<i32>} : memref<512xf32, #tpu.memory_space<vmem>>, vector<16xf32>,
      %get3A_500 = arith.constant 192 : index
      %get3A_501 = tpu.vector_load %arg11[%get3A_500] {strides = array<i32>} : memref<512xi32, #tpu.memory_space<vmem>>, vector<16xi32>,
      %gather3A_502 = tpu.vector_load_idx %arg8[%get3A_501] : memref<10240xf32, #tpu.memory_space<vmem>>[vector<16xi32>], vector<16xf32>,
      %swap3A_503 = arith.constant 192 : index
      %swap3A_504 = tpu.vector_load %arg9[%swap3A_503] {strides = array<i32>} : memref<512xf32, #tpu.memory_space<vmem>>, vector<16xf32>,
      tpu.vector_store %arg9[%swap3A_503], %gather3A_502 {strides = array<i32>} : memref<512xf32, #tpu.memory_space<vmem>>, vector<16xf32>,
      %get3A_505 = arith.constant 208 : index
      %get3A_506 = tpu.vector_load %arg11[%get3A_505] {strides = array<i32>} : memref<512xi32, #tpu.memory_space<vmem>>, vector<16xi32>,
      %gather3A_507 = tpu.vector_load_idx %arg8[%get3A_506] : memref<10240xf32, #tpu.memory_space<vmem>>[vector<16xi32>], vector<16xf32>,
      %swap3A_508 = arith.constant 208 : index
      %swap3A_509 = tpu.vector_load %arg9[%swap3A_508] {strides = array<i32>} : memref<512xf32, #tpu.memory_space<vmem>>, vector<16xf32>,
      tpu.vector_store %arg9[%swap3A_508], %gather3A_507 {strides = array<i32>} : memref<512xf32, #tpu.memory_space<vmem>>, vector<16xf32>,
      %get3A_510 = arith.constant 224 : index
      %get3A_511 = tpu.vector_load %arg11[%get3A_510] {strides = array<i32>} : memref<512xi32, #tpu.memory_space<vmem>>, vector<16xi32>,
      %gather3A_512 = tpu.vector_load_idx %arg8[%get3A_511] : memref<10240xf32, #tpu.memory_space<vmem>>[vector<16xi32>], vector<16xf32>,
      %swap3A_513 = arith.constant 224 : index
      %swap3A_514 = tpu.vector_load %arg9[%swap3A_513] {strides = array<i32>} : memref<512xf32, #tpu.memory_space<vmem>>, vector<16xf32>,
      tpu.vector_store %arg9[%swap3A_513], %gather3A_512 {strides = array<i32>} : memref<512xf32, #tpu.memory_space<vmem>>, vector<16xf32>,
      %get3A_515 = arith.constant 240 : index
      %get3A_516 = tpu.vector_load %arg11[%get3A_515] {strides = array<i32>} : memref<512xi32, #tpu.memory_space<vmem>>, vector<16xi32>,
      %gather3A_517 = tpu.vector_load_idx %arg8[%get3A_516] : memref<10240xf32, #tpu.memory_space<vmem>>[vector<16xi32>], vector<16xf32>,
      %swap3A_518 = arith.constant 240 : index
      %swap3A_519 = tpu.vector_load %arg9[%swap3A_518] {strides = array<i32>} : memref<512xf32, #tpu.memory_space<vmem>>, vector<16xf32>,
      tpu.vector_store %arg9[%swap3A_518], %gather3A_517 {strides = array<i32>} : memref<512xf32, #tpu.memory_space<vmem>>, vector<16xf32>,
      %get3A_520 = arith.constant 256 : index
      %get3A_521 = tpu.vector_load %arg11[%get3A_520] {strides = array<i32>} : memref<512xi32, #tpu.memory_space<vmem>>, vector<16xi32>,
      %gather3A_522 = tpu.vector_load_idx %arg8[%get3A_521] : memref<10240xf32, #tpu.memory_space<vmem>>[vector<16xi32>], vector<16xf32>,
      %swap3A_523 = arith.constant 256 : index
      %swap3A_524 = tpu.vector_load %arg9[%swap3A_523] {strides = array<i32>} : memref<512xf32, #tpu.memory_space<vmem>>, vector<16xf32>,
      tpu.vector_store %arg9[%swap3A_523], %gather3A_522 {strides = array<i32>} : memref<512xf32, #tpu.memory_space<vmem>>, vector<16xf32>,
      %get3A_525 = arith.constant 272 : index
      %get3A_526 = tpu.vector_load %arg11[%get3A_525] {strides = array<i32>} : memref<512xi32, #tpu.memory_space<vmem>>, vector<16xi32>,
      %gather3A_527 = tpu.vector_load_idx %arg8[%get3A_526] : memref<10240xf32, #tpu.memory_space<vmem>>[vector<16xi32>], vector<16xf32>,
      %swap3A_528 = arith.constant 272 : index
      %swap3A_529 = tpu.vector_load %arg9[%swap3A_528] {strides = array<i32>} : memref<512xf32, #tpu.memory_space<vmem>>, vector<16xf32>,
      tpu.vector_store %arg9[%swap3A_528], %gather3A_527 {strides = array<i32>} : memref<512xf32, #tpu.memory_space<vmem>>, vector<16xf32>,
      %get3A_530 = arith.constant 288 : index
      %get3A_531 = tpu.vector_load %arg11[%get3A_530] {strides = array<i32>} : memref<512xi32, #tpu.memory_space<vmem>>, vector<16xi32>,
      %gather3A_532 = tpu.vector_load_idx %arg8[%get3A_531] : memref<10240xf32, #tpu.memory_space<vmem>>[vector<16xi32>], vector<16xf32>,
      %swap3A_533 = arith.constant 288 : index
      %swap3A_534 = tpu.vector_load %arg9[%swap3A_533] {strides = array<i32>} : memref<512xf32, #tpu.memory_space<vmem>>, vector<16xf32>,
      tpu.vector_store %arg9[%swap3A_533], %gather3A_532 {strides = array<i32>} : memref<512xf32, #tpu.memory_space<vmem>>, vector<16xf32>,
      %get3A_535 = arith.constant 304 : index
      %get3A_536 = tpu.vector_load %arg11[%get3A_535] {strides = array<i32>} : memref<512xi32, #tpu.memory_space<vmem>>, vector<16xi32>,
      %gather3A_537 = tpu.vector_load_idx %arg8[%get3A_536] : memref<10240xf32, #tpu.memory_space<vmem>>[vector<16xi32>], vector<16xf32>,
      %swap3A_538 = arith.constant 304 : index
      %swap3A_539 = tpu.vector_load %arg9[%swap3A_538] {strides = array<i32>} : memref<512xf32, #tpu.memory_space<vmem>>, vector<16xf32>,
      tpu.vector_store %arg9[%swap3A_538], %gather3A_537 {strides = array<i32>} : memref<512xf32, #tpu.memory_space<vmem>>, vector<16xf32>,
      %get3A_540 = arith.constant 320 : index
      %get3A_541 = tpu.vector_load %arg11[%get3A_540] {strides = array<i32>} : memref<512xi32, #tpu.memory_space<vmem>>, vector<16xi32>,
      %gather3A_542 = tpu.vector_load_idx %arg8[%get3A_541] : memref<10240xf32, #tpu.memory_space<vmem>>[vector<16xi32>], vector<16xf32>,
      %swap3A_543 = arith.constant 320 : index
      %swap3A_544 = tpu.vector_load %arg9[%swap3A_543] {strides = array<i32>} : memref<512xf32, #tpu.memory_space<vmem>>, vector<16xf32>,
      tpu.vector_store %arg9[%swap3A_543], %gather3A_542 {strides = array<i32>} : memref<512xf32, #tpu.memory_space<vmem>>, vector<16xf32>,
      %get3A_545 = arith.constant 336 : index
      %get3A_546 = tpu.vector_load %arg11[%get3A_545] {strides = array<i32>} : memref<512xi32, #tpu.memory_space<vmem>>, vector<16xi32>,
      %gather3A_547 = tpu.vector_load_idx %arg8[%get3A_546] : memref<10240xf32, #tpu.memory_space<vmem>>[vector<16xi32>], vector<16xf32>,
      %swap3A_548 = arith.constant 336 : index
      %swap3A_549 = tpu.vector_load %arg9[%swap3A_548] {strides = array<i32>} : memref<512xf32, #tpu.memory_space<vmem>>, vector<16xf32>,
      tpu.vector_store %arg9[%swap3A_548], %gather3A_547 {strides = array<i32>} : memref<512xf32, #tpu.memory_space<vmem>>, vector<16xf32>,
      %get3A_550 = arith.constant 352 : index
      %get3A_551 = tpu.vector_load %arg11[%get3A_550] {strides = array<i32>} : memref<512xi32, #tpu.memory_space<vmem>>, vector<16xi32>,
      %gather3A_552 = tpu.vector_load_idx %arg8[%get3A_551] : memref<10240xf32, #tpu.memory_space<vmem>>[vector<16xi32>], vector<16xf32>,
      %swap3A_553 = arith.constant 352 : index
      %swap3A_554 = tpu.vector_load %arg9[%swap3A_553] {strides = array<i32>} : memref<512xf32, #tpu.memory_space<vmem>>, vector<16xf32>,
      tpu.vector_store %arg9[%swap3A_553], %gather3A_552 {strides = array<i32>} : memref<512xf32, #tpu.memory_space<vmem>>, vector<16xf32>,
      %get3A_555 = arith.constant 368 : index
      %get3A_556 = tpu.vector_load %arg11[%get3A_555] {strides = array<i32>} : memref<512xi32, #tpu.memory_space<vmem>>, vector<16xi32>,
      %gather3A_557 = tpu.vector_load_idx %arg8[%get3A_556] : memref<10240xf32, #tpu.memory_space<vmem>>[vector<16xi32>], vector<16xf32>,
      %swap3A_558 = arith.constant 368 : index
      %swap3A_559 = tpu.vector_load %arg9[%swap3A_558] {strides = array<i32>} : memref<512xf32, #tpu.memory_space<vmem>>, vector<16xf32>,
      tpu.vector_store %arg9[%swap3A_558], %gather3A_557 {strides = array<i32>} : memref<512xf32, #tpu.memory_space<vmem>>, vector<16xf32>,
      %get3A_560 = arith.constant 384 : index
      %get3A_561 = tpu.vector_load %arg11[%get3A_560] {strides = array<i32>} : memref<512xi32, #tpu.memory_space<vmem>>, vector<16xi32>,
      %gather3A_562 = tpu.vector_load_idx %arg8[%get3A_561] : memref<10240xf32, #tpu.memory_space<vmem>>[vector<16xi32>], vector<16xf32>,
      %swap3A_563 = arith.constant 384 : index
      %swap3A_564 = tpu.vector_load %arg9[%swap3A_563] {strides = array<i32>} : memref<512xf32, #tpu.memory_space<vmem>>, vector<16xf32>,
      tpu.vector_store %arg9[%swap3A_563], %gather3A_562 {strides = array<i32>} : memref<512xf32, #tpu.memory_space<vmem>>, vector<16xf32>,
      %get3A_565 = arith.constant 400 : index
      %get3A_566 = tpu.vector_load %arg11[%get3A_565] {strides = array<i32>} : memref<512xi32, #tpu.memory_space<vmem>>, vector<16xi32>,
      %gather3A_567 = tpu.vector_load_idx %arg8[%get3A_566] : memref<10240xf32, #tpu.memory_space<vmem>>[vector<16xi32>], vector<16xf32>,
      %swap3A_568 = arith.constant 400 : index
      %swap3A_569 = tpu.vector_load %arg9[%swap3A_568] {strides = array<i32>} : memref<512xf32, #tpu.memory_space<vmem>>, vector<16xf32>,
      tpu.vector_store %arg9[%swap3A_568], %gather3A_567 {strides = array<i32>} : memref<512xf32, #tpu.memory_space<vmem>>, vector<16xf32>,
      %get3A_570 = arith.constant 416 : index
      %get3A_571 = tpu.vector_load %arg11[%get3A_570] {strides = array<i32>} : memref<512xi32, #tpu.memory_space<vmem>>, vector<16xi32>,
      %gather3A_572 = tpu.vector_load_idx %arg8[%get3A_571] : memref<10240xf32, #tpu.memory_space<vmem>>[vector<16xi32>], vector<16xf32>,
      %swap3A_573 = arith.constant 416 : index
      %swap3A_574 = tpu.vector_load %arg9[%swap3A_573] {strides = array<i32>} : memref<512xf32, #tpu.memory_space<vmem>>, vector<16xf32>,
      tpu.vector_store %arg9[%swap3A_573], %gather3A_572 {strides = array<i32>} : memref<512xf32, #tpu.memory_space<vmem>>, vector<16xf32>,
      %get3A_575 = arith.constant 432 : index
      %get3A_576 = tpu.vector_load %arg11[%get3A_575] {strides = array<i32>} : memref<512xi32, #tpu.memory_space<vmem>>, vector<16xi32>,
      %gather3A_577 = tpu.vector_load_idx %arg8[%get3A_576] : memref<10240xf32, #tpu.memory_space<vmem>>[vector<16xi32>], vector<16xf32>,
      %swap3A_578 = arith.constant 432 : index
      %swap3A_579 = tpu.vector_load %arg9[%swap3A_578] {strides = array<i32>} : memref<512xf32, #tpu.memory_space<vmem>>, vector<16xf32>,
      tpu.vector_store %arg9[%swap3A_578], %gather3A_577 {strides = array<i32>} : memref<512xf32, #tpu.memory_space<vmem>>, vector<16xf32>,
      %get3A_580 = arith.constant 448 : index
      %get3A_581 = tpu.vector_load %arg11[%get3A_580] {strides = array<i32>} : memref<512xi32, #tpu.memory_space<vmem>>, vector<16xi32>,
      %gather3A_582 = tpu.vector_load_idx %arg8[%get3A_581] : memref<10240xf32, #tpu.memory_space<vmem>>[vector<16xi32>], vector<16xf32>,
      %swap3A_583 = arith.constant 448 : index
      %swap3A_584 = tpu.vector_load %arg9[%swap3A_583] {strides = array<i32>} : memref<512xf32, #tpu.memory_space<vmem>>, vector<16xf32>,
      tpu.vector_store %arg9[%swap3A_583], %gather3A_582 {strides = array<i32>} : memref<512xf32, #tpu.memory_space<vmem>>, vector<16xf32>,
      %get3A_585 = arith.constant 464 : index
      %get3A_586 = tpu.vector_load %arg11[%get3A_585] {strides = array<i32>} : memref<512xi32, #tpu.memory_space<vmem>>, vector<16xi32>,
      %gather3A_587 = tpu.vector_load_idx %arg8[%get3A_586] : memref<10240xf32, #tpu.memory_space<vmem>>[vector<16xi32>], vector<16xf32>,
      %swap3A_588 = arith.constant 464 : index
      %swap3A_589 = tpu.vector_load %arg9[%swap3A_588] {strides = array<i32>} : memref<512xf32, #tpu.memory_space<vmem>>, vector<16xf32>,
      tpu.vector_store %arg9[%swap3A_588], %gather3A_587 {strides = array<i32>} : memref<512xf32, #tpu.memory_space<vmem>>, vector<16xf32>,
      %get3A_590 = arith.constant 480 : index
      %get3A_591 = tpu.vector_load %arg11[%get3A_590] {strides = array<i32>} : memref<512xi32, #tpu.memory_space<vmem>>, vector<16xi32>,
      %gather3A_592 = tpu.vector_load_idx %arg8[%get3A_591] : memref<10240xf32, #tpu.memory_space<vmem>>[vector<16xi32>], vector<16xf32>,
      %swap3A_593 = arith.constant 480 : index
      %swap3A_594 = tpu.vector_load %arg9[%swap3A_593] {strides = array<i32>} : memref<512xf32, #tpu.memory_space<vmem>>, vector<16xf32>,
      tpu.vector_store %arg9[%swap3A_593], %gather3A_592 {strides = array<i32>} : memref<512xf32, #tpu.memory_space<vmem>>, vector<16xf32>,
      %get3A_595 = arith.constant 496 : index
      %get3A_596 = tpu.vector_load %arg11[%get3A_595] {strides = array<i32>} : memref<512xi32, #tpu.memory_space<vmem>>, vector<16xi32>,
      %gather3A_597 = tpu.vector_load_idx %arg8[%get3A_596] : memref<10240xf32, #tpu.memory_space<vmem>>[vector<16xi32>], vector<16xf32>,
      %swap3A_598 = arith.constant 496 : index
      %swap3A_599 = tpu.vector_load %arg9[%swap3A_598] {strides = array<i32>} : memref<512xf32, #tpu.memory_space<vmem>>, vector<16xf32>,
      tpu.vector_store %arg9[%swap3A_598], %gather3A_597 {strides = array<i32>} : memref<512xf32, #tpu.memory_space<vmem>>, vector<16xf32>,
      %add3A_600 = arith.constant 2 : i32
      %add3A_601 = arith.addi %add3A_422, %add3A_600 : i32
      %lt3A_602 = arith.constant 20 : i32
      %lt3A_603 = arith.cmpi slt, %add3A_601, %lt3A_602 : i32
      %convert_element_type3A_604 = arith.extui %lt3A_603 : i1 to i32
      %cond3A_605 = arith.constant 0 : i32
      %cond3A_606 = arith.cmpi ne, %convert_element_type3A_604, %cond3A_605 : i32
      scf.if %cond3A_606 {
        %add3A_799 = arith.constant 2 : i32
        %add3A_800 = arith.addi %add3A_422, %add3A_799 : i32
        %add3A_801 = arith.addi %mul3A_4, %add3A_800 : i32
        %dma_start3A_802 = arith.constant 0 : i32
        %dma_start3A_803 = tpu.memref_slice %arg2[%add3A_801, %dma_start3A_802] : memref<640x512xi32, #tpu.memory_space<hbm>> -> memref<1x512xi32, #tpu.memory_space<hbm>>
        %dma_start3A_804 = tpu.memref_squeeze %dma_start3A_803 : memref<1x512xi32, #tpu.memory_space<hbm>> -> memref<512xi32, #tpu.memory_space<hbm>>
        %dma_start3A_805 = arith.constant 0 : i32
        %dma_start3A_806 = tpu.memref_slice %arg2[%add3A_801, %dma_start3A_805] : memref<640x512xi32, #tpu.memory_space<hbm>> -> memref<1x512xi32, #tpu.memory_space<hbm>>
        %dma_start3A_807 = tpu.memref_squeeze %dma_start3A_806 : memref<1x512xi32, #tpu.memory_space<hbm>> -> memref<512xi32, #tpu.memory_space<hbm>>
        tpu.enqueue_dma source(%dma_start3A_807 : memref<512xi32, #tpu.memory_space<hbm>>) target(%arg11 : memref<512xi32, #tpu.memory_space<vmem>>) target_semaphore(%arg17 : memref<!tpu.dma_semaphore, #tpu.memory_space<semaphore_mem>>)
        %add3A_808 = arith.constant 2 : i32
        %add3A_809 = arith.addi %add3A_422, %add3A_808 : i32
        %add3A_810 = arith.addi %mul3A_4, %add3A_809 : i32
        %dma_start3A_811 = arith.constant 0 : i32
        %dma_start3A_812 = tpu.memref_slice %arg3[%add3A_810, %dma_start3A_811] : memref<640x512xi32, #tpu.memory_space<hbm>> -> memref<1x512xi32, #tpu.memory_space<hbm>>
        %dma_start3A_813 = tpu.memref_squeeze %dma_start3A_812 : memref<1x512xi32, #tpu.memory_space<hbm>> -> memref<512xi32, #tpu.memory_space<hbm>>
        %dma_start3A_814 = arith.constant 0 : i32
        %dma_start3A_815 = tpu.memref_slice %arg3[%add3A_810, %dma_start3A_814] : memref<640x512xi32, #tpu.memory_space<hbm>> -> memref<1x512xi32, #tpu.memory_space<hbm>>
        %dma_start3A_816 = tpu.memref_squeeze %dma_start3A_815 : memref<1x512xi32, #tpu.memory_space<hbm>> -> memref<512xi32, #tpu.memory_space<hbm>>
        tpu.enqueue_dma source(%dma_start3A_816 : memref<512xi32, #tpu.memory_space<hbm>>) target(%arg13 : memref<512xi32, #tpu.memory_space<vmem>>) target_semaphore(%arg19 : memref<!tpu.dma_semaphore, #tpu.memory_space<semaphore_mem>>)
      } else {
      }
      %dma_start3A_607 = arith.constant 0 : i32
      %dma_start3A_608 = tpu.memref_slice %arg7[%dma_start3A_607] : memref<10240xf32, #tpu.memory_space<vmem_shared>> -> memref<10240xf32, #tpu.memory_space<vmem_shared>>
      tpu.enqueue_indirect_dma source(%arg9 : memref<512xf32, #tpu.memory_space<vmem>>) target(%dma_start3A_608 : memref<10240xf32, #tpu.memory_space<vmem_shared>>) offsets(%arg15 : memref<512xi32, #tpu.memory_space<vmem>>) semaphore(%arg25 : memref<!tpu.dma_semaphore, #tpu.memory_space<semaphore_mem>>) {add = true}
      %mul3A_609 = arith.constant 4 : i32
      %mul3A_610 = arith.muli %mul3A_609, %scan3A_45 : i32
      %add3A_611 = arith.constant 3 : i32
      %add3A_612 = arith.addi %mul3A_610, %add3A_611 : i32
      %dma_wait3A_613 = arith.constant 0 : i32
      %dma_wait3A_614 = tpu.memref_slice %arg2[%mul3A_4, %dma_wait3A_613] : memref<640x512xi32, #tpu.memory_space<hbm>> -> memref<1x512xi32, #tpu.memory_space<hbm>>
      %dma_wait3A_615 = tpu.memref_squeeze %dma_wait3A_614 : memref<1x512xi32, #tpu.memory_space<hbm>> -> memref<512xi32, #tpu.memory_space<hbm>>
      %dma_wait3A_616 = arith.constant 0 : i32
      %dma_wait3A_617 = tpu.memref_slice %arg2[%mul3A_4, %dma_wait3A_616] : memref<640x512xi32, #tpu.memory_space<hbm>> -> memref<1x512xi32, #tpu.memory_space<hbm>>
      %dma_wait3A_618 = tpu.memref_squeeze %dma_wait3A_617 : memref<1x512xi32, #tpu.memory_space<hbm>> -> memref<512xi32, #tpu.memory_space<hbm>>
      tpu.wait_dma2 semaphore(%arg18 : memref<!tpu.dma_semaphore, #tpu.memory_space<semaphore_mem>>) src(%dma_wait3A_618 : memref<512xi32, #tpu.memory_space<hbm>>) dst(%arg12 : memref<512xi32, #tpu.memory_space<vmem>>)
      %dma_wait3A_619 = arith.constant 0 : i32
      %dma_wait3A_620 = tpu.memref_slice %arg3[%mul3A_4, %dma_wait3A_619] : memref<640x512xi32, #tpu.memory_space<hbm>> -> memref<1x512xi32, #tpu.memory_space<hbm>>
      %dma_wait3A_621 = tpu.memref_squeeze %dma_wait3A_620 : memref<1x512xi32, #tpu.memory_space<hbm>> -> memref<512xi32, #tpu.memory_space<hbm>>
      %dma_wait3A_622 = arith.constant 0 : i32
      %dma_wait3A_623 = tpu.memref_slice %arg3[%mul3A_4, %dma_wait3A_622] : memref<640x512xi32, #tpu.memory_space<hbm>> -> memref<1x512xi32, #tpu.memory_space<hbm>>
      %dma_wait3A_624 = tpu.memref_squeeze %dma_wait3A_623 : memref<1x512xi32, #tpu.memory_space<hbm>> -> memref<512xi32, #tpu.memory_space<hbm>>
      tpu.wait_dma2 semaphore(%arg22 : memref<!tpu.dma_semaphore, #tpu.memory_space<semaphore_mem>>) src(%dma_wait3A_624 : memref<512xi32, #tpu.memory_space<hbm>>) dst(%arg16 : memref<512xi32, #tpu.memory_space<vmem>>)
      %ge3A_625 = arith.constant 2 : i32
      %ge3A_626 = arith.cmpi sge, %add3A_612, %ge3A_625 : i32
      %convert_element_type3A_627 = arith.extui %ge3A_626 : i1 to i32
      %cond3A_628 = arith.constant 0 : i32
      %cond3A_629 = arith.cmpi ne, %convert_element_type3A_627, %cond3A_628 : i32
      scf.if %cond3A_629 {
        %dma_wait3A_799 = arith.constant 0 : i32
        %dma_wait3A_800 = tpu.memref_slice %arg7[%dma_wait3A_799] : memref<10240xf32, #tpu.memory_space<vmem_shared>> -> memref<10240xf32, #tpu.memory_space<vmem_shared>>
        tpu.wait_indirect_dma semaphore(%arg24 : memref<!tpu.dma_semaphore, #tpu.memory_space<semaphore_mem>>) src(%arg10 : memref<512xf32, #tpu.memory_space<vmem>>) dst(%dma_wait3A_800 : memref<10240xf32, #tpu.memory_space<vmem_shared>>)
      } else {
      }
      %get3A_630 = arith.constant 0 : index
      %get3A_631 = tpu.vector_load %arg12[%get3A_630] {strides = array<i32>} : memref<512xi32, #tpu.memory_space<vmem>>, vector<16xi32>,
      %gather3A_632 = tpu.vector_load_idx %arg8[%get3A_631] : memref<10240xf32, #tpu.memory_space<vmem>>[vector<16xi32>], vector<16xf32>,
      %swap3A_633 = arith.constant 0 : index
      %swap3A_634 = tpu.vector_load %arg10[%swap3A_633] {strides = array<i32>} : memref<512xf32, #tpu.memory_space<vmem>>, vector<16xf32>,
      tpu.vector_store %arg10[%swap3A_633], %gather3A_632 {strides = array<i32>} : memref<512xf32, #tpu.memory_space<vmem>>, vector<16xf32>,
      %get3A_635 = arith.constant 16 : index
      %get3A_636 = tpu.vector_load %arg12[%get3A_635] {strides = array<i32>} : memref<512xi32, #tpu.memory_space<vmem>>, vector<16xi32>,
      %gather3A_637 = tpu.vector_load_idx %arg8[%get3A_636] : memref<10240xf32, #tpu.memory_space<vmem>>[vector<16xi32>], vector<16xf32>,
      %swap3A_638 = arith.constant 16 : index
      %swap3A_639 = tpu.vector_load %arg10[%swap3A_638] {strides = array<i32>} : memref<512xf32, #tpu.memory_space<vmem>>, vector<16xf32>,
      tpu.vector_store %arg10[%swap3A_638], %gather3A_637 {strides = array<i32>} : memref<512xf32, #tpu.memory_space<vmem>>, vector<16xf32>,
      %get3A_640 = arith.constant 32 : index
      %get3A_641 = tpu.vector_load %arg12[%get3A_640] {strides = array<i32>} : memref<512xi32, #tpu.memory_space<vmem>>, vector<16xi32>,
      %gather3A_642 = tpu.vector_load_idx %arg8[%get3A_641] : memref<10240xf32, #tpu.memory_space<vmem>>[vector<16xi32>], vector<16xf32>,
      %swap3A_643 = arith.constant 32 : index
      %swap3A_644 = tpu.vector_load %arg10[%swap3A_643] {strides = array<i32>} : memref<512xf32, #tpu.memory_space<vmem>>, vector<16xf32>,
      tpu.vector_store %arg10[%swap3A_643], %gather3A_642 {strides = array<i32>} : memref<512xf32, #tpu.memory_space<vmem>>, vector<16xf32>,
      %get3A_645 = arith.constant 48 : index
      %get3A_646 = tpu.vector_load %arg12[%get3A_645] {strides = array<i32>} : memref<512xi32, #tpu.memory_space<vmem>>, vector<16xi32>,
      %gather3A_647 = tpu.vector_load_idx %arg8[%get3A_646] : memref<10240xf32, #tpu.memory_space<vmem>>[vector<16xi32>], vector<16xf32>,
      %swap3A_648 = arith.constant 48 : index
      %swap3A_649 = tpu.vector_load %arg10[%swap3A_648] {strides = array<i32>} : memref<512xf32, #tpu.memory_space<vmem>>, vector<16xf32>,
      tpu.vector_store %arg10[%swap3A_648], %gather3A_647 {strides = array<i32>} : memref<512xf32, #tpu.memory_space<vmem>>, vector<16xf32>,
      %get3A_650 = arith.constant 64 : index
      %get3A_651 = tpu.vector_load %arg12[%get3A_650] {strides = array<i32>} : memref<512xi32, #tpu.memory_space<vmem>>, vector<16xi32>,
      %gather3A_652 = tpu.vector_load_idx %arg8[%get3A_651] : memref<10240xf32, #tpu.memory_space<vmem>>[vector<16xi32>], vector<16xf32>,
      %swap3A_653 = arith.constant 64 : index
      %swap3A_654 = tpu.vector_load %arg10[%swap3A_653] {strides = array<i32>} : memref<512xf32, #tpu.memory_space<vmem>>, vector<16xf32>,
      tpu.vector_store %arg10[%swap3A_653], %gather3A_652 {strides = array<i32>} : memref<512xf32, #tpu.memory_space<vmem>>, vector<16xf32>,
      %get3A_655 = arith.constant 80 : index
      %get3A_656 = tpu.vector_load %arg12[%get3A_655] {strides = array<i32>} : memref<512xi32, #tpu.memory_space<vmem>>, vector<16xi32>,
      %gather3A_657 = tpu.vector_load_idx %arg8[%get3A_656] : memref<10240xf32, #tpu.memory_space<vmem>>[vector<16xi32>], vector<16xf32>,
      %swap3A_658 = arith.constant 80 : index
      %swap3A_659 = tpu.vector_load %arg10[%swap3A_658] {strides = array<i32>} : memref<512xf32, #tpu.memory_space<vmem>>, vector<16xf32>,
      tpu.vector_store %arg10[%swap3A_658], %gather3A_657 {strides = array<i32>} : memref<512xf32, #tpu.memory_space<vmem>>, vector<16xf32>,
      %get3A_660 = arith.constant 96 : index
      %get3A_661 = tpu.vector_load %arg12[%get3A_660] {strides = array<i32>} : memref<512xi32, #tpu.memory_space<vmem>>, vector<16xi32>,
      %gather3A_662 = tpu.vector_load_idx %arg8[%get3A_661] : memref<10240xf32, #tpu.memory_space<vmem>>[vector<16xi32>], vector<16xf32>,
      %swap3A_663 = arith.constant 96 : index
      %swap3A_664 = tpu.vector_load %arg10[%swap3A_663] {strides = array<i32>} : memref<512xf32, #tpu.memory_space<vmem>>, vector<16xf32>,
      tpu.vector_store %arg10[%swap3A_663], %gather3A_662 {strides = array<i32>} : memref<512xf32, #tpu.memory_space<vmem>>, vector<16xf32>,
      %get3A_665 = arith.constant 112 : index
      %get3A_666 = tpu.vector_load %arg12[%get3A_665] {strides = array<i32>} : memref<512xi32, #tpu.memory_space<vmem>>, vector<16xi32>,
      %gather3A_667 = tpu.vector_load_idx %arg8[%get3A_666] : memref<10240xf32, #tpu.memory_space<vmem>>[vector<16xi32>], vector<16xf32>,
      %swap3A_668 = arith.constant 112 : index
      %swap3A_669 = tpu.vector_load %arg10[%swap3A_668] {strides = array<i32>} : memref<512xf32, #tpu.memory_space<vmem>>, vector<16xf32>,
      tpu.vector_store %arg10[%swap3A_668], %gather3A_667 {strides = array<i32>} : memref<512xf32, #tpu.memory_space<vmem>>, vector<16xf32>,
      %get3A_670 = arith.constant 128 : index
      %get3A_671 = tpu.vector_load %arg12[%get3A_670] {strides = array<i32>} : memref<512xi32, #tpu.memory_space<vmem>>, vector<16xi32>,
      %gather3A_672 = tpu.vector_load_idx %arg8[%get3A_671] : memref<10240xf32, #tpu.memory_space<vmem>>[vector<16xi32>], vector<16xf32>,
      %swap3A_673 = arith.constant 128 : index
      %swap3A_674 = tpu.vector_load %arg10[%swap3A_673] {strides = array<i32>} : memref<512xf32, #tpu.memory_space<vmem>>, vector<16xf32>,
      tpu.vector_store %arg10[%swap3A_673], %gather3A_672 {strides = array<i32>} : memref<512xf32, #tpu.memory_space<vmem>>, vector<16xf32>,
      %get3A_675 = arith.constant 144 : index
      %get3A_676 = tpu.vector_load %arg12[%get3A_675] {strides = array<i32>} : memref<512xi32, #tpu.memory_space<vmem>>, vector<16xi32>,
      %gather3A_677 = tpu.vector_load_idx %arg8[%get3A_676] : memref<10240xf32, #tpu.memory_space<vmem>>[vector<16xi32>], vector<16xf32>,
      %swap3A_678 = arith.constant 144 : index
      %swap3A_679 = tpu.vector_load %arg10[%swap3A_678] {strides = array<i32>} : memref<512xf32, #tpu.memory_space<vmem>>, vector<16xf32>,
      tpu.vector_store %arg10[%swap3A_678], %gather3A_677 {strides = array<i32>} : memref<512xf32, #tpu.memory_space<vmem>>, vector<16xf32>,
      %get3A_680 = arith.constant 160 : index
      %get3A_681 = tpu.vector_load %arg12[%get3A_680] {strides = array<i32>} : memref<512xi32, #tpu.memory_space<vmem>>, vector<16xi32>,
      %gather3A_682 = tpu.vector_load_idx %arg8[%get3A_681] : memref<10240xf32, #tpu.memory_space<vmem>>[vector<16xi32>], vector<16xf32>,
      %swap3A_683 = arith.constant 160 : index
      %swap3A_684 = tpu.vector_load %arg10[%swap3A_683] {strides = array<i32>} : memref<512xf32, #tpu.memory_space<vmem>>, vector<16xf32>,
      tpu.vector_store %arg10[%swap3A_683], %gather3A_682 {strides = array<i32>} : memref<512xf32, #tpu.memory_space<vmem>>, vector<16xf32>,
      %get3A_685 = arith.constant 176 : index
      %get3A_686 = tpu.vector_load %arg12[%get3A_685] {strides = array<i32>} : memref<512xi32, #tpu.memory_space<vmem>>, vector<16xi32>,
      %gather3A_687 = tpu.vector_load_idx %arg8[%get3A_686] : memref<10240xf32, #tpu.memory_space<vmem>>[vector<16xi32>], vector<16xf32>,
      %swap3A_688 = arith.constant 176 : index
      %swap3A_689 = tpu.vector_load %arg10[%swap3A_688] {strides = array<i32>} : memref<512xf32, #tpu.memory_space<vmem>>, vector<16xf32>,
      tpu.vector_store %arg10[%swap3A_688], %gather3A_687 {strides = array<i32>} : memref<512xf32, #tpu.memory_space<vmem>>, vector<16xf32>,
      %get3A_690 = arith.constant 192 : index
      %get3A_691 = tpu.vector_load %arg12[%get3A_690] {strides = array<i32>} : memref<512xi32, #tpu.memory_space<vmem>>, vector<16xi32>,
      %gather3A_692 = tpu.vector_load_idx %arg8[%get3A_691] : memref<10240xf32, #tpu.memory_space<vmem>>[vector<16xi32>], vector<16xf32>,
      %swap3A_693 = arith.constant 192 : index
      %swap3A_694 = tpu.vector_load %arg10[%swap3A_693] {strides = array<i32>} : memref<512xf32, #tpu.memory_space<vmem>>, vector<16xf32>,
      tpu.vector_store %arg10[%swap3A_693], %gather3A_692 {strides = array<i32>} : memref<512xf32, #tpu.memory_space<vmem>>, vector<16xf32>,
      %get3A_695 = arith.constant 208 : index
      %get3A_696 = tpu.vector_load %arg12[%get3A_695] {strides = array<i32>} : memref<512xi32, #tpu.memory_space<vmem>>, vector<16xi32>,
      %gather3A_697 = tpu.vector_load_idx %arg8[%get3A_696] : memref<10240xf32, #tpu.memory_space<vmem>>[vector<16xi32>], vector<16xf32>,
      %swap3A_698 = arith.constant 208 : index
      %swap3A_699 = tpu.vector_load %arg10[%swap3A_698] {strides = array<i32>} : memref<512xf32, #tpu.memory_space<vmem>>, vector<16xf32>,
      tpu.vector_store %arg10[%swap3A_698], %gather3A_697 {strides = array<i32>} : memref<512xf32, #tpu.memory_space<vmem>>, vector<16xf32>,
      %get3A_700 = arith.constant 224 : index
      %get3A_701 = tpu.vector_load %arg12[%get3A_700] {strides = array<i32>} : memref<512xi32, #tpu.memory_space<vmem>>, vector<16xi32>,
      %gather3A_702 = tpu.vector_load_idx %arg8[%get3A_701] : memref<10240xf32, #tpu.memory_space<vmem>>[vector<16xi32>], vector<16xf32>,
      %swap3A_703 = arith.constant 224 : index
      %swap3A_704 = tpu.vector_load %arg10[%swap3A_703] {strides = array<i32>} : memref<512xf32, #tpu.memory_space<vmem>>, vector<16xf32>,
      tpu.vector_store %arg10[%swap3A_703], %gather3A_702 {strides = array<i32>} : memref<512xf32, #tpu.memory_space<vmem>>, vector<16xf32>,
      %get3A_705 = arith.constant 240 : index
      %get3A_706 = tpu.vector_load %arg12[%get3A_705] {strides = array<i32>} : memref<512xi32, #tpu.memory_space<vmem>>, vector<16xi32>,
      %gather3A_707 = tpu.vector_load_idx %arg8[%get3A_706] : memref<10240xf32, #tpu.memory_space<vmem>>[vector<16xi32>], vector<16xf32>,
      %swap3A_708 = arith.constant 240 : index
      %swap3A_709 = tpu.vector_load %arg10[%swap3A_708] {strides = array<i32>} : memref<512xf32, #tpu.memory_space<vmem>>, vector<16xf32>,
      tpu.vector_store %arg10[%swap3A_708], %gather3A_707 {strides = array<i32>} : memref<512xf32, #tpu.memory_space<vmem>>, vector<16xf32>,
      %get3A_710 = arith.constant 256 : index
      %get3A_711 = tpu.vector_load %arg12[%get3A_710] {strides = array<i32>} : memref<512xi32, #tpu.memory_space<vmem>>, vector<16xi32>,
      %gather3A_712 = tpu.vector_load_idx %arg8[%get3A_711] : memref<10240xf32, #tpu.memory_space<vmem>>[vector<16xi32>], vector<16xf32>,
      %swap3A_713 = arith.constant 256 : index
      %swap3A_714 = tpu.vector_load %arg10[%swap3A_713] {strides = array<i32>} : memref<512xf32, #tpu.memory_space<vmem>>, vector<16xf32>,
      tpu.vector_store %arg10[%swap3A_713], %gather3A_712 {strides = array<i32>} : memref<512xf32, #tpu.memory_space<vmem>>, vector<16xf32>,
      %get3A_715 = arith.constant 272 : index
      %get3A_716 = tpu.vector_load %arg12[%get3A_715] {strides = array<i32>} : memref<512xi32, #tpu.memory_space<vmem>>, vector<16xi32>,
      %gather3A_717 = tpu.vector_load_idx %arg8[%get3A_716] : memref<10240xf32, #tpu.memory_space<vmem>>[vector<16xi32>], vector<16xf32>,
      %swap3A_718 = arith.constant 272 : index
      %swap3A_719 = tpu.vector_load %arg10[%swap3A_718] {strides = array<i32>} : memref<512xf32, #tpu.memory_space<vmem>>, vector<16xf32>,
      tpu.vector_store %arg10[%swap3A_718], %gather3A_717 {strides = array<i32>} : memref<512xf32, #tpu.memory_space<vmem>>, vector<16xf32>,
      %get3A_720 = arith.constant 288 : index
      %get3A_721 = tpu.vector_load %arg12[%get3A_720] {strides = array<i32>} : memref<512xi32, #tpu.memory_space<vmem>>, vector<16xi32>,
      %gather3A_722 = tpu.vector_load_idx %arg8[%get3A_721] : memref<10240xf32, #tpu.memory_space<vmem>>[vector<16xi32>], vector<16xf32>,
      %swap3A_723 = arith.constant 288 : index
      %swap3A_724 = tpu.vector_load %arg10[%swap3A_723] {strides = array<i32>} : memref<512xf32, #tpu.memory_space<vmem>>, vector<16xf32>,
      tpu.vector_store %arg10[%swap3A_723], %gather3A_722 {strides = array<i32>} : memref<512xf32, #tpu.memory_space<vmem>>, vector<16xf32>,
      %get3A_725 = arith.constant 304 : index
      %get3A_726 = tpu.vector_load %arg12[%get3A_725] {strides = array<i32>} : memref<512xi32, #tpu.memory_space<vmem>>, vector<16xi32>,
      %gather3A_727 = tpu.vector_load_idx %arg8[%get3A_726] : memref<10240xf32, #tpu.memory_space<vmem>>[vector<16xi32>], vector<16xf32>,
      %swap3A_728 = arith.constant 304 : index
      %swap3A_729 = tpu.vector_load %arg10[%swap3A_728] {strides = array<i32>} : memref<512xf32, #tpu.memory_space<vmem>>, vector<16xf32>,
      tpu.vector_store %arg10[%swap3A_728], %gather3A_727 {strides = array<i32>} : memref<512xf32, #tpu.memory_space<vmem>>, vector<16xf32>,
      %get3A_730 = arith.constant 320 : index
      %get3A_731 = tpu.vector_load %arg12[%get3A_730] {strides = array<i32>} : memref<512xi32, #tpu.memory_space<vmem>>, vector<16xi32>,
      %gather3A_732 = tpu.vector_load_idx %arg8[%get3A_731] : memref<10240xf32, #tpu.memory_space<vmem>>[vector<16xi32>], vector<16xf32>,
      %swap3A_733 = arith.constant 320 : index
      %swap3A_734 = tpu.vector_load %arg10[%swap3A_733] {strides = array<i32>} : memref<512xf32, #tpu.memory_space<vmem>>, vector<16xf32>,
      tpu.vector_store %arg10[%swap3A_733], %gather3A_732 {strides = array<i32>} : memref<512xf32, #tpu.memory_space<vmem>>, vector<16xf32>,
      %get3A_735 = arith.constant 336 : index
      %get3A_736 = tpu.vector_load %arg12[%get3A_735] {strides = array<i32>} : memref<512xi32, #tpu.memory_space<vmem>>, vector<16xi32>,
      %gather3A_737 = tpu.vector_load_idx %arg8[%get3A_736] : memref<10240xf32, #tpu.memory_space<vmem>>[vector<16xi32>], vector<16xf32>,
      %swap3A_738 = arith.constant 336 : index
      %swap3A_739 = tpu.vector_load %arg10[%swap3A_738] {strides = array<i32>} : memref<512xf32, #tpu.memory_space<vmem>>, vector<16xf32>,
      tpu.vector_store %arg10[%swap3A_738], %gather3A_737 {strides = array<i32>} : memref<512xf32, #tpu.memory_space<vmem>>, vector<16xf32>,
      %get3A_740 = arith.constant 352 : index
      %get3A_741 = tpu.vector_load %arg12[%get3A_740] {strides = array<i32>} : memref<512xi32, #tpu.memory_space<vmem>>, vector<16xi32>,
      %gather3A_742 = tpu.vector_load_idx %arg8[%get3A_741] : memref<10240xf32, #tpu.memory_space<vmem>>[vector<16xi32>], vector<16xf32>,
      %swap3A_743 = arith.constant 352 : index
      %swap3A_744 = tpu.vector_load %arg10[%swap3A_743] {strides = array<i32>} : memref<512xf32, #tpu.memory_space<vmem>>, vector<16xf32>,
      tpu.vector_store %arg10[%swap3A_743], %gather3A_742 {strides = array<i32>} : memref<512xf32, #tpu.memory_space<vmem>>, vector<16xf32>,
      %get3A_745 = arith.constant 368 : index
      %get3A_746 = tpu.vector_load %arg12[%get3A_745] {strides = array<i32>} : memref<512xi32, #tpu.memory_space<vmem>>, vector<16xi32>,
      %gather3A_747 = tpu.vector_load_idx %arg8[%get3A_746] : memref<10240xf32, #tpu.memory_space<vmem>>[vector<16xi32>], vector<16xf32>,
      %swap3A_748 = arith.constant 368 : index
      %swap3A_749 = tpu.vector_load %arg10[%swap3A_748] {strides = array<i32>} : memref<512xf32, #tpu.memory_space<vmem>>, vector<16xf32>,
      tpu.vector_store %arg10[%swap3A_748], %gather3A_747 {strides = array<i32>} : memref<512xf32, #tpu.memory_space<vmem>>, vector<16xf32>,
      %get3A_750 = arith.constant 384 : index
      %get3A_751 = tpu.vector_load %arg12[%get3A_750] {strides = array<i32>} : memref<512xi32, #tpu.memory_space<vmem>>, vector<16xi32>,
      %gather3A_752 = tpu.vector_load_idx %arg8[%get3A_751] : memref<10240xf32, #tpu.memory_space<vmem>>[vector<16xi32>], vector<16xf32>,
      %swap3A_753 = arith.constant 384 : index
      %swap3A_754 = tpu.vector_load %arg10[%swap3A_753] {strides = array<i32>} : memref<512xf32, #tpu.memory_space<vmem>>, vector<16xf32>,
      tpu.vector_store %arg10[%swap3A_753], %gather3A_752 {strides = array<i32>} : memref<512xf32, #tpu.memory_space<vmem>>, vector<16xf32>,
      %get3A_755 = arith.constant 400 : index
      %get3A_756 = tpu.vector_load %arg12[%get3A_755] {strides = array<i32>} : memref<512xi32, #tpu.memory_space<vmem>>, vector<16xi32>,
      %gather3A_757 = tpu.vector_load_idx %arg8[%get3A_756] : memref<10240xf32, #tpu.memory_space<vmem>>[vector<16xi32>], vector<16xf32>,
      %swap3A_758 = arith.constant 400 : index
      %swap3A_759 = tpu.vector_load %arg10[%swap3A_758] {strides = array<i32>} : memref<512xf32, #tpu.memory_space<vmem>>, vector<16xf32>,
      tpu.vector_store %arg10[%swap3A_758], %gather3A_757 {strides = array<i32>} : memref<512xf32, #tpu.memory_space<vmem>>, vector<16xf32>,
      %get3A_760 = arith.constant 416 : index
      %get3A_761 = tpu.vector_load %arg12[%get3A_760] {strides = array<i32>} : memref<512xi32, #tpu.memory_space<vmem>>, vector<16xi32>,
      %gather3A_762 = tpu.vector_load_idx %arg8[%get3A_761] : memref<10240xf32, #tpu.memory_space<vmem>>[vector<16xi32>], vector<16xf32>,
      %swap3A_763 = arith.constant 416 : index
      %swap3A_764 = tpu.vector_load %arg10[%swap3A_763] {strides = array<i32>} : memref<512xf32, #tpu.memory_space<vmem>>, vector<16xf32>,
      tpu.vector_store %arg10[%swap3A_763], %gather3A_762 {strides = array<i32>} : memref<512xf32, #tpu.memory_space<vmem>>, vector<16xf32>,
      %get3A_765 = arith.constant 432 : index
      %get3A_766 = tpu.vector_load %arg12[%get3A_765] {strides = array<i32>} : memref<512xi32, #tpu.memory_space<vmem>>, vector<16xi32>,
      %gather3A_767 = tpu.vector_load_idx %arg8[%get3A_766] : memref<10240xf32, #tpu.memory_space<vmem>>[vector<16xi32>], vector<16xf32>,
      %swap3A_768 = arith.constant 432 : index
      %swap3A_769 = tpu.vector_load %arg10[%swap3A_768] {strides = array<i32>} : memref<512xf32, #tpu.memory_space<vmem>>, vector<16xf32>,
      tpu.vector_store %arg10[%swap3A_768], %gather3A_767 {strides = array<i32>} : memref<512xf32, #tpu.memory_space<vmem>>, vector<16xf32>,
      %get3A_770 = arith.constant 448 : index
      %get3A_771 = tpu.vector_load %arg12[%get3A_770] {strides = array<i32>} : memref<512xi32, #tpu.memory_space<vmem>>, vector<16xi32>,
      %gather3A_772 = tpu.vector_load_idx %arg8[%get3A_771] : memref<10240xf32, #tpu.memory_space<vmem>>[vector<16xi32>], vector<16xf32>,
      %swap3A_773 = arith.constant 448 : index
      %swap3A_774 = tpu.vector_load %arg10[%swap3A_773] {strides = array<i32>} : memref<512xf32, #tpu.memory_space<vmem>>, vector<16xf32>,
      tpu.vector_store %arg10[%swap3A_773], %gather3A_772 {strides = array<i32>} : memref<512xf32, #tpu.memory_space<vmem>>, vector<16xf32>,
      %get3A_775 = arith.constant 464 : index
      %get3A_776 = tpu.vector_load %arg12[%get3A_775] {strides = array<i32>} : memref<512xi32, #tpu.memory_space<vmem>>, vector<16xi32>,
      %gather3A_777 = tpu.vector_load_idx %arg8[%get3A_776] : memref<10240xf32, #tpu.memory_space<vmem>>[vector<16xi32>], vector<16xf32>,
      %swap3A_778 = arith.constant 464 : index
      %swap3A_779 = tpu.vector_load %arg10[%swap3A_778] {strides = array<i32>} : memref<512xf32, #tpu.memory_space<vmem>>, vector<16xf32>,
      tpu.vector_store %arg10[%swap3A_778], %gather3A_777 {strides = array<i32>} : memref<512xf32, #tpu.memory_space<vmem>>, vector<16xf32>,
      %get3A_780 = arith.constant 480 : index
      %get3A_781 = tpu.vector_load %arg12[%get3A_780] {strides = array<i32>} : memref<512xi32, #tpu.memory_space<vmem>>, vector<16xi32>,
      %gather3A_782 = tpu.vector_load_idx %arg8[%get3A_781] : memref<10240xf32, #tpu.memory_space<vmem>>[vector<16xi32>], vector<16xf32>,
      %swap3A_783 = arith.constant 480 : index
      %swap3A_784 = tpu.vector_load %arg10[%swap3A_783] {strides = array<i32>} : memref<512xf32, #tpu.memory_space<vmem>>, vector<16xf32>,
      tpu.vector_store %arg10[%swap3A_783], %gather3A_782 {strides = array<i32>} : memref<512xf32, #tpu.memory_space<vmem>>, vector<16xf32>,
      %get3A_785 = arith.constant 496 : index
      %get3A_786 = tpu.vector_load %arg12[%get3A_785] {strides = array<i32>} : memref<512xi32, #tpu.memory_space<vmem>>, vector<16xi32>,
      %gather3A_787 = tpu.vector_load_idx %arg8[%get3A_786] : memref<10240xf32, #tpu.memory_space<vmem>>[vector<16xi32>], vector<16xf32>,
      %swap3A_788 = arith.constant 496 : index
      %swap3A_789 = tpu.vector_load %arg10[%swap3A_788] {strides = array<i32>} : memref<512xf32, #tpu.memory_space<vmem>>, vector<16xf32>,
      tpu.vector_store %arg10[%swap3A_788], %gather3A_787 {strides = array<i32>} : memref<512xf32, #tpu.memory_space<vmem>>, vector<16xf32>,
      %add3A_790 = arith.constant 2 : i32
      %add3A_791 = arith.addi %add3A_612, %add3A_790 : i32
      %lt3A_792 = arith.constant 20 : i32
      %lt3A_793 = arith.cmpi slt, %add3A_791, %lt3A_792 : i32
      %convert_element_type3A_794 = arith.extui %lt3A_793 : i1 to i32
      %cond3A_795 = arith.constant 0 : i32
      %cond3A_796 = arith.cmpi ne, %convert_element_type3A_794, %cond3A_795 : i32
      scf.if %cond3A_796 {
        %add3A_799 = arith.constant 2 : i32
        %add3A_800 = arith.addi %add3A_612, %add3A_799 : i32
        %add3A_801 = arith.addi %mul3A_4, %add3A_800 : i32
        %dma_start3A_802 = arith.constant 0 : i32
        %dma_start3A_803 = tpu.memref_slice %arg2[%add3A_801, %dma_start3A_802] : memref<640x512xi32, #tpu.memory_space<hbm>> -> memref<1x512xi32, #tpu.memory_space<hbm>>
        %dma_start3A_804 = tpu.memref_squeeze %dma_start3A_803 : memref<1x512xi32, #tpu.memory_space<hbm>> -> memref<512xi32, #tpu.memory_space<hbm>>
        %dma_start3A_805 = arith.constant 0 : i32
        %dma_start3A_806 = tpu.memref_slice %arg2[%add3A_801, %dma_start3A_805] : memref<640x512xi32, #tpu.memory_space<hbm>> -> memref<1x512xi32, #tpu.memory_space<hbm>>
        %dma_start3A_807 = tpu.memref_squeeze %dma_start3A_806 : memref<1x512xi32, #tpu.memory_space<hbm>> -> memref<512xi32, #tpu.memory_space<hbm>>
        tpu.enqueue_dma source(%dma_start3A_807 : memref<512xi32, #tpu.memory_space<hbm>>) target(%arg12 : memref<512xi32, #tpu.memory_space<vmem>>) target_semaphore(%arg18 : memref<!tpu.dma_semaphore, #tpu.memory_space<semaphore_mem>>)
        %add3A_808 = arith.constant 2 : i32
        %add3A_809 = arith.addi %add3A_612, %add3A_808 : i32
        %add3A_810 = arith.addi %mul3A_4, %add3A_809 : i32
        %dma_start3A_811 = arith.constant 0 : i32
        %dma_start3A_812 = tpu.memref_slice %arg3[%add3A_810, %dma_start3A_811] : memref<640x512xi32, #tpu.memory_space<hbm>> -> memref<1x512xi32, #tpu.memory_space<hbm>>
        %dma_start3A_813 = tpu.memref_squeeze %dma_start3A_812 : memref<1x512xi32, #tpu.memory_space<hbm>> -> memref<512xi32, #tpu.memory_space<hbm>>
        %dma_start3A_814 = arith.constant 0 : i32
        %dma_start3A_815 = tpu.memref_slice %arg3[%add3A_810, %dma_start3A_814] : memref<640x512xi32, #tpu.memory_space<hbm>> -> memref<1x512xi32, #tpu.memory_space<hbm>>
        %dma_start3A_816 = tpu.memref_squeeze %dma_start3A_815 : memref<1x512xi32, #tpu.memory_space<hbm>> -> memref<512xi32, #tpu.memory_space<hbm>>
        tpu.enqueue_dma source(%dma_start3A_816 : memref<512xi32, #tpu.memory_space<hbm>>) target(%arg14 : memref<512xi32, #tpu.memory_space<vmem>>) target_semaphore(%arg20 : memref<!tpu.dma_semaphore, #tpu.memory_space<semaphore_mem>>)
      } else {
      }
      %dma_start3A_797 = arith.constant 0 : i32
      %dma_start3A_798 = tpu.memref_slice %arg7[%dma_start3A_797] : memref<10240xf32, #tpu.memory_space<vmem_shared>> -> memref<10240xf32, #tpu.memory_space<vmem_shared>>
      tpu.enqueue_indirect_dma source(%arg10 : memref<512xf32, #tpu.memory_space<vmem>>) target(%dma_start3A_798 : memref<10240xf32, #tpu.memory_space<vmem_shared>>) offsets(%arg16 : memref<512xi32, #tpu.memory_space<vmem>>) semaphore(%arg26 : memref<!tpu.dma_semaphore, #tpu.memory_space<semaphore_mem>>) {add = true}
    }
    %scan3A_40 = arith.constant 5 : i32
    %dma_wait3A = arith.constant 0 : i32
    %dma_wait3A_41 = tpu.memref_slice %arg7[%dma_wait3A] : memref<10240xf32, #tpu.memory_space<vmem_shared>> -> memref<10240xf32, #tpu.memory_space<vmem_shared>>
    tpu.wait_indirect_dma semaphore(%arg25 : memref<!tpu.dma_semaphore, #tpu.memory_space<semaphore_mem>>) src(%arg9 : memref<512xf32, #tpu.memory_space<vmem>>) dst(%dma_wait3A_41 : memref<10240xf32, #tpu.memory_space<vmem_shared>>)
    %dma_wait3A_42 = arith.constant 0 : i32
    %dma_wait3A_43 = tpu.memref_slice %arg7[%dma_wait3A_42] : memref<10240xf32, #tpu.memory_space<vmem_shared>> -> memref<10240xf32, #tpu.memory_space<vmem_shared>>
    tpu.wait_indirect_dma semaphore(%arg26 : memref<!tpu.dma_semaphore, #tpu.memory_space<semaphore_mem>>) src(%arg10 : memref<512xf32, #tpu.memory_space<vmem>>) dst(%dma_wait3A_43 : memref<10240xf32, #tpu.memory_space<vmem_shared>>)
    %barrier3A_44 = arith.constant 0 : index
    tpu.barrier barrier_id(%barrier3A_44)
    "tpu.region"() ({
      %run_scoped3A = tpu.sem_alloc : memref<!tpu.dma_semaphore, #tpu.memory_space<semaphore_mem>>
      %dma_start3A_45 = tpu.memref_slice %arg6[%arg0, %mul3A_2] : memref<2x10240xf32, #tpu.memory_space<hbm>> -> memref<1x640xf32, #tpu.memory_space<hbm>>
      %dma_start3A_46 = tpu.memref_squeeze %dma_start3A_45 : memref<1x640xf32, #tpu.memory_space<hbm>> -> memref<640xf32, #tpu.memory_space<hbm>>
      %dma_start3A_47 = tpu.memref_slice %arg7[%mul3A_2] : memref<10240xf32, #tpu.memory_space<vmem_shared>> -> memref<640xf32, #tpu.memory_space<vmem_shared>>
      tpu.enqueue_dma source(%dma_start3A_47 : memref<640xf32, #tpu.memory_space<vmem_shared>>) target(%dma_start3A_46 : memref<640xf32, #tpu.memory_space<hbm>>) target_semaphore(%run_scoped3A : memref<!tpu.dma_semaphore, #tpu.memory_space<semaphore_mem>>)
      %dma_wait3A_48 = tpu.memref_slice %arg6[%arg0, %mul3A_2] : memref<2x10240xf32, #tpu.memory_space<hbm>> -> memref<1x640xf32, #tpu.memory_space<hbm>>
      %dma_wait3A_49 = tpu.memref_squeeze %dma_wait3A_48 : memref<1x640xf32, #tpu.memory_space<hbm>> -> memref<640xf32, #tpu.memory_space<hbm>>
      %dma_wait3A_50 = tpu.memref_slice %arg7[%mul3A_2] : memref<10240xf32, #tpu.memory_space<vmem_shared>> -> memref<640xf32, #tpu.memory_space<vmem_shared>>
      tpu.wait_dma2 semaphore(%run_scoped3A : memref<!tpu.dma_semaphore, #tpu.memory_space<semaphore_mem>>) src(%dma_wait3A_50 : memref<640xf32, #tpu.memory_space<vmem_shared>>) dst(%dma_wait3A_49 : memref<640xf32, #tpu.memory_space<hbm>>)
      tpu.yield
    }) : () -> ()
    return
  }
}

module attributes {stable_mosaic.version = 14 : i64} {
  func.func @_h_body(%arg0: i32, %arg1: memref<2x1024x128xf32, #tpu.memory_space<vmem>>, %arg2: memref<1024x1xf32, #tpu.memory_space<vmem>>, %arg3: memref<1024x128xf32, #tpu.memory_space<vmem>>, %arg4: memref<128x128xf32, #tpu.memory_space<vmem>>, %arg5: memref<1x128xf32, #tpu.memory_space<vmem>>, %arg6: memref<128x128xf32, #tpu.memory_space<vmem>>, %arg7: memref<128x128xf32, #tpu.memory_space<vmem>>, %arg8: memref<1024x128xf32, #tpu.memory_space<vmem>>, %arg9: memref<128x1024xf32, #tpu.memory_space<vmem>>) attributes {dimension_semantics = [#tpu.dimension_semantics<arbitrary>], iteration_bounds = array<i64: 10>, scalar_prefetch = 0 : i64, scratch_operands = 0 : i64, tpu.core_type = #tpu.core_type<tc>, window_params = [{transform_indices = @transform_0, window_bounds = array<i64: 2, 1024, 128>}, {transform_indices = @transform_1, window_bounds = array<i64: 1024, 1>}, {transform_indices = @transform_2, window_bounds = array<i64: 1024, 128>}, {pipeline_mode = #tpu.pipeline_mode<synchronous>, transform_indices = @transform_3, window_bounds = array<i64: 128, 128>}, {pipeline_mode = #tpu.pipeline_mode<synchronous>, transform_indices = @transform_4, window_bounds = array<i64: 1, 128>}, {pipeline_mode = #tpu.pipeline_mode<synchronous>, transform_indices = @transform_5, window_bounds = array<i64: 128, 128>}, {pipeline_mode = #tpu.pipeline_mode<synchronous>, transform_indices = @transform_6, window_bounds = array<i64: 128, 128>}, {transform_indices = @transform_7, window_bounds = array<i64: 1024, 128>}, {transform_indices = @transform_8, window_bounds = array<i64: 128, 1024>}]} {
    %get3A = arith.constant 0 : index
    %get3A_0 = arith.constant 0 : index
    %get3A_1 = arith.constant 0 : index
    %get3A_2 = vector.load %arg1[%get3A, %get3A_0, %get3A_1] : memref<2x1024x128xf32, #tpu.memory_space<vmem>>, vector<1x1024x128xf32>
    %get3A_3 = vector.shape_cast %get3A_2 : vector<1x1024x128xf32> to vector<1024x128xf32>
    %get3A_4 = arith.constant 1 : index
    %get3A_5 = arith.constant 0 : index
    %get3A_6 = arith.constant 0 : index
    %get3A_7 = vector.load %arg1[%get3A_4, %get3A_5, %get3A_6] : memref<2x1024x128xf32, #tpu.memory_space<vmem>>, vector<1x1024x128xf32>
    %get3A_8 = vector.shape_cast %get3A_7 : vector<1x1024x128xf32> to vector<1024x128xf32>
    %add3A = arith.addf %get3A_3, %get3A_8 : vector<1024x128xf32>
    %get3A_9 = arith.constant 0 : index
    %get3A_10 = arith.constant 0 : index
    %get3A_11 = vector.load %arg2[%get3A_9, %get3A_10] : memref<1024x1xf32, #tpu.memory_space<vmem>>, vector<1024x1xf32>
    %max3A = arith.constant 1.000000e+00 : f32
    %max3A_12 = vector.broadcast %max3A : f32 to vector<1024x1xf32>
    %max3A_13 = arith.maximumf %get3A_11, %max3A_12 : vector<1024x1xf32>
    %div3A = vector.broadcast %max3A_13 : vector<1024x1xf32> to vector<1024x128xf32>
    %div3A_14 = arith.divf %add3A, %div3A : vector<1024x128xf32>
    %get3A_15 = arith.constant 0 : index
    %get3A_16 = arith.constant 0 : index
    %get3A_17 = vector.load %arg4[%get3A_15, %get3A_16] : memref<128x128xf32, #tpu.memory_space<vmem>>, vector<128x128xf32>
    %dot_general3A = arith.constant dense<0.000000e+00> : vector<1024x128xf32>
    %dot_general3A_18 = tpu.matmul %div3A_14, %get3A_17, %dot_general3A {dimension_numbers = #tpu.dot_dimension_numbers<[1], [0], [0], [1], [0, 0, 1, 1], [], []>, transpose_lhs_hint = false} : vector<1024x128xf32>, vector<128x128xf32>, vector<1024x128xf32> -> vector<1024x128xf32>
    %get3A_19 = arith.constant 0 : index
    %get3A_20 = arith.constant 0 : index
    %get3A_21 = vector.load %arg3[%get3A_19, %get3A_20] : memref<1024x128xf32, #tpu.memory_space<vmem>>, vector<1024x128xf32>
    %get3A_22 = arith.constant 0 : index
    %get3A_23 = arith.constant 0 : index
    %get3A_24 = vector.load %arg6[%get3A_22, %get3A_23] : memref<128x128xf32, #tpu.memory_space<vmem>>, vector<128x128xf32>
    %dot_general3A_25 = arith.constant dense<0.000000e+00> : vector<1024x128xf32>
    %dot_general3A_26 = tpu.matmul %get3A_21, %get3A_24, %dot_general3A_25 {dimension_numbers = #tpu.dot_dimension_numbers<[1], [0], [0], [1], [0, 0, 1, 1], [], []>, transpose_lhs_hint = false} : vector<1024x128xf32>, vector<128x128xf32>, vector<1024x128xf32> -> vector<1024x128xf32>
    %add3A_27 = arith.addf %dot_general3A_18, %dot_general3A_26 : vector<1024x128xf32>
    %get3A_28 = arith.constant 0 : index
    %get3A_29 = arith.constant 0 : index
    %get3A_30 = vector.load %arg5[%get3A_28, %get3A_29] : memref<1x128xf32, #tpu.memory_space<vmem>>, vector<1x128xf32>
    %add3A_31 = vector.broadcast %get3A_30 : vector<1x128xf32> to vector<1024x128xf32>
    %add3A_32 = arith.addf %add3A_27, %add3A_31 : vector<1024x128xf32>
    %max3A_33 = arith.constant 0.000000e+00 : f32
    %max3A_34 = vector.broadcast %max3A_33 : f32 to vector<1024x128xf32>
    %max3A_35 = arith.maximumf %add3A_32, %max3A_34 : vector<1024x128xf32>
    %swap3A = arith.constant 0 : index
    %swap3A_36 = arith.constant 0 : index
    %swap3A_37 = vector.load %arg8[%swap3A, %swap3A_36] : memref<1024x128xf32, #tpu.memory_space<vmem>>, vector<1024x128xf32>
    tpu.vector_store %arg8[%swap3A, %swap3A_36], %max3A_35 {strides = array<i32>} : memref<1024x128xf32, #tpu.memory_space<vmem>>, vector<1024x128xf32>,
    %get3A_38 = arith.constant 0 : index
    %get3A_39 = arith.constant 0 : index
    %get3A_40 = vector.load %arg7[%get3A_38, %get3A_39] : memref<128x128xf32, #tpu.memory_space<vmem>>, vector<128x128xf32>
    %dot_general3A_41 = arith.constant dense<0.000000e+00> : vector<128x1024xf32>
    %dot_general3A_42 = tpu.matmul %get3A_40, %max3A_35, %dot_general3A_41 {dimension_numbers = #tpu.dot_dimension_numbers<[0], [1], [1], [0], [0, 1, 1, 0], [], []>, transpose_lhs_hint = false} : vector<128x128xf32>, vector<1024x128xf32>, vector<128x1024xf32> -> vector<128x1024xf32>
    %swap3A_43 = arith.constant 0 : index
    %swap3A_44 = arith.constant 0 : index
    %swap3A_45 = vector.load %arg9[%swap3A_43, %swap3A_44] : memref<128x1024xf32, #tpu.memory_space<vmem>>, vector<128x1024xf32>
    tpu.vector_store %arg9[%swap3A_43, %swap3A_44], %dot_general3A_42 {strides = array<i32>} : memref<128x1024xf32, #tpu.memory_space<vmem>>, vector<128x1024xf32>,
    return
  }
  func.func @transform_0(%arg0: i32) -> (i32, i32, i32) {
    %c0_i32 = arith.constant 0 : i32
    %c0_i32_0 = arith.constant 0 : i32
    %c0_i32_1 = arith.constant 0 : i32
    return %c0_i32, %arg0, %c0_i32_0 : i32, i32, i32
  }
  func.func @transform_1(%arg0: i32) -> (i32, i32) {
    %c0_i32 = arith.constant 0 : i32
    %c0_i32_0 = arith.constant 0 : i32
    return %arg0, %c0_i32 : i32, i32
  }
  func.func @transform_2(%arg0: i32) -> (i32, i32) {
    %c0_i32 = arith.constant 0 : i32
    %c0_i32_0 = arith.constant 0 : i32
    return %arg0, %c0_i32 : i32, i32
  }
  func.func @transform_3(%arg0: i32) -> (i32, i32) {
    %c0_i32 = arith.constant 0 : i32
    %c0_i32_0 = arith.constant 0 : i32
    %c0_i32_1 = arith.constant 0 : i32
    return %c0_i32, %c0_i32_0 : i32, i32
  }
  func.func @transform_4(%arg0: i32) -> (i32, i32) {
    %c0_i32 = arith.constant 0 : i32
    %c0_i32_0 = arith.constant 0 : i32
    %c0_i32_1 = arith.constant 0 : i32
    return %c0_i32, %c0_i32_0 : i32, i32
  }
  func.func @transform_5(%arg0: i32) -> (i32, i32) {
    %c0_i32 = arith.constant 0 : i32
    %c0_i32_0 = arith.constant 0 : i32
    %c0_i32_1 = arith.constant 0 : i32
    return %c0_i32, %c0_i32_0 : i32, i32
  }
  func.func @transform_6(%arg0: i32) -> (i32, i32) {
    %c0_i32 = arith.constant 0 : i32
    %c0_i32_0 = arith.constant 0 : i32
    %c0_i32_1 = arith.constant 0 : i32
    return %c0_i32, %c0_i32_0 : i32, i32
  }
  func.func @transform_7(%arg0: i32) -> (i32, i32) {
    %c0_i32 = arith.constant 0 : i32
    %c0_i32_0 = arith.constant 0 : i32
    return %arg0, %c0_i32 : i32, i32
  }
  func.func @transform_8(%arg0: i32) -> (i32, i32) {
    %c0_i32 = arith.constant 0 : i32
    %c0_i32_0 = arith.constant 0 : i32
    return %c0_i32, %arg0 : i32, i32
  }
}

module attributes {stable_mosaic.version = 14 : i64} {
  func.func @_readout_body(%arg0: memref<2x80x128xf32, #tpu.memory_space<vmem>>, %arg1: memref<80x128xf32, #tpu.memory_space<vmem>>, %arg2: memref<80x128xf32, #tpu.memory_space<vmem>>, %arg3: memref<10240x128xf32, #tpu.memory_space<vmem>>, %arg4: memref<1x128xf32, #tpu.memory_space<vmem>>, %arg5: memref<1x128xf32, #tpu.memory_space<vmem>>, %arg6: memref<1x128xf32, #tpu.memory_space<vmem>>, %arg7: memref<80x128xf32, #tpu.memory_space<vmem>>) attributes {dimension_semantics = [], scalar_prefetch = 0 : i64, scratch_operands = 1 : i64, tpu.core_type = #tpu.core_type<tc>} {
    %get3A = arith.constant 0 : index
    %get3A_0 = arith.constant 0 : index
    %get3A_1 = arith.constant 0 : index
    %get3A_2 = vector.load %arg0[%get3A, %get3A_0, %get3A_1] : memref<2x80x128xf32, #tpu.memory_space<vmem>>, vector<1x80x128xf32>
    %get3A_3 = vector.shape_cast %get3A_2 : vector<1x80x128xf32> to vector<80x128xf32>
    %get3A_4 = arith.constant 1 : index
    %get3A_5 = arith.constant 0 : index
    %get3A_6 = arith.constant 0 : index
    %get3A_7 = vector.load %arg0[%get3A_4, %get3A_5, %get3A_6] : memref<2x80x128xf32, #tpu.memory_space<vmem>>, vector<1x80x128xf32>
    %get3A_8 = vector.shape_cast %get3A_7 : vector<1x80x128xf32> to vector<80x128xf32>
    %add3A = arith.addf %get3A_3, %get3A_8 : vector<80x128xf32>
    %get3A_9 = arith.constant 0 : index
    %get3A_10 = arith.constant 0 : index
    %get3A_11 = vector.load %arg1[%get3A_9, %get3A_10] : memref<80x128xf32, #tpu.memory_space<vmem>>, vector<80x128xf32>
    %add3A_12 = arith.addf %add3A, %get3A_11 : vector<80x128xf32>
    %get3A_13 = arith.constant 0 : index
    %get3A_14 = arith.constant 0 : index
    %get3A_15 = vector.load %arg4[%get3A_13, %get3A_14] : memref<1x128xf32, #tpu.memory_space<vmem>>, vector<1x128xf32>
    %add3A_16 = vector.broadcast %get3A_15 : vector<1x128xf32> to vector<80x128xf32>
    %add3A_17 = arith.addf %add3A_12, %add3A_16 : vector<80x128xf32>
    %tanh3A = math.tanh %add3A_17 : vector<80x128xf32>
    %bitcast_convert_type3A = tpu.bitcast %tanh3A : vector<80x128xf32> -> vector<80x128xi32>
    %shift_right_logical3A = arith.constant 31 : i32
    %shift_right_logical3A_18 = vector.broadcast %shift_right_logical3A : i32 to vector<80x128xi32>
    %shift_right_logical3A_19 = arith.shrui %bitcast_convert_type3A, %shift_right_logical3A_18 : vector<80x128xi32>
    %eq3A = arith.constant 1 : i32
    %eq3A_20 = vector.broadcast %eq3A : i32 to vector<80x128xi32>
    %eq3A_21 = arith.cmpi eq, %shift_right_logical3A_19, %eq3A_20 : vector<80x128xi32>
    %jit3A = arith.constant -1 : i32
    %jit3A_22 = arith.constant -2147483648 : i32
    %broadcast_in_dim3A = vector.broadcast %jit3A : i32 to vector<80x128xi32>
    %broadcast_in_dim3A_23 = vector.broadcast %jit3A_22 : i32 to vector<80x128xi32>
    %select_n3A = arith.select %eq3A_21, %broadcast_in_dim3A, %broadcast_in_dim3A_23 : vector<80x128xi1>, vector<80x128xi32>
    %xor3A = arith.xori %bitcast_convert_type3A, %select_n3A : vector<80x128xi32>
    %iota3A = tpu.iota {dimensions = array<i32: 0>} : vector<80x128xi32>
    %iota3A_24 = tpu.iota {dimensions = array<i32: 1>} : vector<80x128xi32>
    %mul3A = arith.constant 128 : i32
    %mul3A_25 = vector.broadcast %mul3A : i32 to vector<80x128xi32>
    %mul3A_26 = arith.muli %iota3A, %mul3A_25 : vector<80x128xi32>
    %add3A_27 = arith.addi %mul3A_26, %iota3A_24 : vector<80x128xi32>
    %lt3A = arith.constant 10000 : i32
    %lt3A_28 = vector.broadcast %lt3A : i32 to vector<80x128xi32>
    %lt3A_29 = arith.cmpi slt, %add3A_27, %lt3A_28 : vector<80x128xi32>
    %jit3A_30 = arith.constant 0 : i32
    %broadcast_in_dim3A_31 = vector.broadcast %jit3A_30 : i32 to vector<80x128xi32>
    %select_n3A_32 = arith.select %lt3A_29, %xor3A, %broadcast_in_dim3A_31 : vector<80x128xi1>, vector<80x128xi32>
    %scan3A = arith.constant 0 : i32
    %scan3A_33 = arith.constant 0 : i32
    %scan3A_34 = arith.constant 32 : i32
    %scan3A_35 = arith.addi %scan3A_33, %scan3A_34 : i32
    %scan3A_36 = arith.constant 1 : i32
    %scan3A_37 = scf.for %scan3A_101 = %scan3A_33 to %scan3A_35 step %scan3A_36 iter_args(%scan3A_102 = %scan3A) -> (i32)  : i32 {
      %sub3A_103 = arith.constant 31 : i32
      %sub3A_104 = arith.subi %sub3A_103, %scan3A_101 : i32
      %shift_left3A = arith.constant 1 : i32
      %shift_left3A_105 = arith.shli %shift_left3A, %sub3A_104 : i32
      %or3A_106 = arith.ori %scan3A_102, %shift_left3A_105 : i32
      %ge3A_107 = vector.broadcast %or3A_106 : i32 to vector<80x128xi32>
      %ge3A_108 = arith.cmpi uge, %select_n3A_32, %ge3A_107 : vector<80x128xi32>
      %convert_element_type3A_109 = arith.extui %ge3A_108 : vector<80x128xi1> to vector<80x128xi32>
      %reduce_sum3A_110 = vector.shape_cast %convert_element_type3A_109 : vector<80x128xi32> to vector<1x80x128xi32>
      %reduce_sum3A_111 = arith.constant dense<0> : vector<1xi32>
      %reduce_sum3A_112 = vector.multi_reduction <add>, %reduce_sum3A_110, %reduce_sum3A_111 [1, 2] : vector<1x80x128xi32> to vector<1xi32>
      %reduce_sum3A_113 = vector.shape_cast %reduce_sum3A_112 : vector<1xi32> to vector<1x1x1xi32>
      %reduce_sum3A_114 = vector.extract %reduce_sum3A_113[0, 0, 0] : i32 from vector<1x1x1xi32>
      %ge3A_115 = arith.constant 8000 : i32
      %ge3A_116 = arith.cmpi sge, %reduce_sum3A_114, %ge3A_115 : i32
      %select_n3A_117 = arith.select %ge3A_116, %or3A_106, %scan3A_102 : i32
      scf.yield %select_n3A_117 : i32
    }
    %scan3A_38 = arith.constant 32 : i32
    %add3A_39 = arith.constant 1 : i32
    %add3A_40 = arith.addi %scan3A_37, %add3A_39 : i32
    %ge3A = vector.broadcast %add3A_40 : i32 to vector<80x128xi32>
    %ge3A_41 = arith.cmpi uge, %select_n3A_32, %ge3A : vector<80x128xi32>
    %convert_element_type3A = arith.extui %ge3A_41 : vector<80x128xi1> to vector<80x128xi32>
    %reduce_sum3A = vector.shape_cast %convert_element_type3A : vector<80x128xi32> to vector<1x80x128xi32>
    %reduce_sum3A_42 = arith.constant dense<0> : vector<1xi32>
    %reduce_sum3A_43 = vector.multi_reduction <add>, %reduce_sum3A, %reduce_sum3A_42 [1, 2] : vector<1x80x128xi32> to vector<1xi32>
    %reduce_sum3A_44 = vector.shape_cast %reduce_sum3A_43 : vector<1xi32> to vector<1x1x1xi32>
    %reduce_sum3A_45 = vector.extract %reduce_sum3A_44[0, 0, 0] : i32 from vector<1x1x1xi32>
    %sub3A = arith.constant 8000 : i32
    %sub3A_46 = arith.subi %sub3A, %reduce_sum3A_45 : i32
    %eq3A_47 = vector.broadcast %scan3A_37 : i32 to vector<80x128xi32>
    %eq3A_48 = arith.cmpi eq, %select_n3A_32, %eq3A_47 : vector<80x128xi32>
    %scan3A_49 = arith.constant 0 : i32
    %scan3A_50 = arith.constant 10239 : i32
    %scan3A_51 = arith.constant 0 : i32
    %scan3A_52 = arith.constant 14 : i32
    %scan3A_53 = arith.addi %scan3A_51, %scan3A_52 : i32
    %scan3A_54 = arith.constant 1 : i32
    %scan3A_55:2 = scf.for %scan3A_101 = %scan3A_51 to %scan3A_53 step %scan3A_54 iter_args(%scan3A_102 = %scan3A_49, %scan3A_103 = %scan3A_50) -> (i32, i32)  : i32 {
      %add3A_104 = arith.addi %scan3A_102, %scan3A_103 : i32
      %jit3A_105 = arith.constant 2 : i32
      %div3A_106 = arith.divsi %add3A_104, %jit3A_105 : i32
      %sign3A = arith.constant 0 : i32
      %sign3A_107 = arith.cmpi sgt, %add3A_104, %sign3A : i32
      %sign3A_108 = arith.extui %sign3A_107 : i1 to i32
      %sign3A_109 = arith.constant 0 : i32
      %sign3A_110 = arith.cmpi slt, %add3A_104, %sign3A_109 : i32
      %sign3A_111 = arith.extui %sign3A_110 : i1 to i32
      %sign3A_112 = arith.subi %sign3A_108, %sign3A_111 : i32
      %sign3A_113 = arith.constant 0 : i32
      %sign3A_114 = arith.cmpi sgt, %jit3A_105, %sign3A_113 : i32
      %sign3A_115 = arith.extui %sign3A_114 : i1 to i32
      %sign3A_116 = arith.constant 0 : i32
      %sign3A_117 = arith.cmpi slt, %jit3A_105, %sign3A_116 : i32
      %sign3A_118 = arith.extui %sign3A_117 : i1 to i32
      %sign3A_119 = arith.subi %sign3A_115, %sign3A_118 : i32
      %ne3A = arith.cmpi ne, %sign3A_112, %sign3A_119 : i32
      %rem3A = arith.remsi %add3A_104, %jit3A_105 : i32
      %ne3A_120 = arith.constant 0 : i32
      %ne3A_121 = arith.cmpi ne, %rem3A, %ne3A_120 : i32
      %and3A_122 = arith.andi %ne3A, %ne3A_121 : i1
      %sub3A_123 = arith.constant 1 : i32
      %sub3A_124 = arith.subi %div3A_106, %sub3A_123 : i32
      %select_n3A_125 = arith.select %and3A_122, %sub3A_124, %div3A_106 : i32
      %le3A_126 = vector.broadcast %select_n3A_125 : i32 to vector<80x128xi32>
      %le3A_127 = arith.cmpi sle, %add3A_27, %le3A_126 : vector<80x128xi32>
      %and3A_128 = arith.andi %eq3A_48, %le3A_127 : vector<80x128xi1>
      %convert_element_type3A_129 = arith.extui %and3A_128 : vector<80x128xi1> to vector<80x128xi32>
      %reduce_sum3A_130 = vector.shape_cast %convert_element_type3A_129 : vector<80x128xi32> to vector<1x80x128xi32>
      %reduce_sum3A_131 = arith.constant dense<0> : vector<1xi32>
      %reduce_sum3A_132 = vector.multi_reduction <add>, %reduce_sum3A_130, %reduce_sum3A_131 [1, 2] : vector<1x80x128xi32> to vector<1xi32>
      %reduce_sum3A_133 = vector.shape_cast %reduce_sum3A_132 : vector<1xi32> to vector<1x1x1xi32>
      %reduce_sum3A_134 = vector.extract %reduce_sum3A_133[0, 0, 0] : i32 from vector<1x1x1xi32>
      %ge3A_135 = arith.cmpi sge, %reduce_sum3A_134, %sub3A_46 : i32
      %add3A_136 = arith.constant 1 : i32
      %add3A_137 = arith.addi %select_n3A_125, %add3A_136 : i32
      %select_n3A_138 = arith.select %ge3A_135, %scan3A_102, %add3A_137 : i32
      %select_n3A_139 = arith.select %ge3A_135, %select_n3A_125, %scan3A_103 : i32
      scf.yield %select_n3A_138, %select_n3A_139 : i32, i32
    }
    %gt3A = vector.broadcast %scan3A_37 : i32 to vector<80x128xi32>
    %gt3A_56 = arith.cmpi ugt, %select_n3A_32, %gt3A : vector<80x128xi32>
    %le3A = vector.broadcast %scan3A_55#0 : i32 to vector<80x128xi32>
    %le3A_57 = arith.cmpi sle, %add3A_27, %le3A : vector<80x128xi32>
    %and3A = arith.andi %eq3A_48, %le3A_57 : vector<80x128xi1>
    %or3A = arith.ori %gt3A_56, %and3A : vector<80x128xi1>
    %get3A_58 = arith.constant 0 : index
    %get3A_59 = arith.constant 0 : index
    %get3A_60 = vector.load %arg2[%get3A_58, %get3A_59] : memref<80x128xf32, #tpu.memory_space<vmem>>, vector<80x128xf32>
    %mul3A_61 = arith.mulf %tanh3A, %get3A_60 : vector<80x128xf32>
    %get3A_62 = arith.constant 0 : index
    %get3A_63 = arith.constant 0 : index
    %get3A_64 = vector.load %arg5[%get3A_62, %get3A_63] : memref<1x128xf32, #tpu.memory_space<vmem>>, vector<1x128xf32>
    %add3A_65 = vector.broadcast %get3A_64 : vector<1x128xf32> to vector<80x128xf32>
    %add3A_66 = arith.addf %mul3A_61, %add3A_65 : vector<80x128xf32>
    %jit3A_67 = arith.constant -1.000000e+30 : f32
    %broadcast_in_dim3A_68 = vector.broadcast %jit3A_67 : f32 to vector<80x128xf32>
    %select_n3A_69 = arith.select %or3A, %add3A_66, %broadcast_in_dim3A_68 : vector<80x128xi1>, vector<80x128xf32>
    %reduce_max3A = vector.shape_cast %select_n3A_69 : vector<80x128xf32> to vector<1x80x128xf32>
    %reduce_max3A_70 = arith.constant dense<0xFF800000> : vector<1xf32>
    %reduce_max3A_71 = vector.multi_reduction <maximumf>, %reduce_max3A, %reduce_max3A_70 [1, 2] : vector<1x80x128xf32> to vector<1xf32>
    %reduce_max3A_72 = vector.shape_cast %reduce_max3A_71 : vector<1xf32> to vector<1x1x1xf32>
    %reduce_max3A_73 = vector.extract %reduce_max3A_72[0, 0, 0] : f32 from vector<1x1x1xf32>
    %sub3A_74 = vector.broadcast %reduce_max3A_73 : f32 to vector<80x128xf32>
    %sub3A_75 = arith.subf %add3A_66, %sub3A_74 : vector<80x128xf32>
    %exp3A = math.exp %sub3A_75 : vector<80x128xf32>
    %jit3A_76 = arith.constant 0.000000e+00 : f32
    %broadcast_in_dim3A_77 = vector.broadcast %jit3A_76 : f32 to vector<80x128xf32>
    %select_n3A_78 = arith.select %or3A, %exp3A, %broadcast_in_dim3A_77 : vector<80x128xi1>, vector<80x128xf32>
    %reduce_sum3A_79 = vector.shape_cast %select_n3A_78 : vector<80x128xf32> to vector<1x80x128xf32>
    %reduce_sum3A_80 = arith.constant dense<0.000000e+00> : vector<1xf32>
    %reduce_sum3A_81 = vector.multi_reduction <add>, %reduce_sum3A_79, %reduce_sum3A_80 [1, 2] : vector<1x80x128xf32> to vector<1xf32>
    %reduce_sum3A_82 = vector.shape_cast %reduce_sum3A_81 : vector<1xf32> to vector<1x1x1xf32>
    %reduce_sum3A_83 = vector.extract %reduce_sum3A_82[0, 0, 0] : f32 from vector<1x1x1xf32>
    %mul3A_84 = arith.mulf %select_n3A_78, %tanh3A : vector<80x128xf32>
    %div3A = vector.broadcast %reduce_sum3A_83 : f32 to vector<80x128xf32>
    %div3A_85 = arith.divf %mul3A_84, %div3A : vector<80x128xf32>
    %swap3A = arith.constant 0 : index
    %swap3A_86 = arith.constant 0 : index
    %swap3A_87 = vector.load %arg7[%swap3A, %swap3A_86] : memref<80x128xf32, #tpu.memory_space<vmem>>, vector<80x128xf32>
    tpu.vector_store %arg7[%swap3A, %swap3A_86], %div3A_85 {strides = array<i32>} : memref<80x128xf32, #tpu.memory_space<vmem>>, vector<80x128xf32>,
    %get3A_88 = arith.constant 0 : index
    %get3A_89 = arith.constant 0 : index
    %get3A_90 = vector.load %arg3[%get3A_88, %get3A_89] : memref<10240x128xf32, #tpu.memory_space<vmem>>, vector<10240x128xf32>
    %reshape3A = vector.shape_cast %get3A_90 : vector<10240x128xf32> to vector<80x128x128xf32>
    %get3A_91 = arith.constant 0 : index
    %get3A_92 = arith.constant 0 : index
    %get3A_93 = vector.load %arg7[%get3A_91, %get3A_92] : memref<80x128xf32, #tpu.memory_space<vmem>>, vector<80x128xf32>
    %reshape3A_94 = vector.shape_cast %get3A_93 : vector<80x128xf32> to vector<80x1x128xf32>
    %dot_general3A = arith.constant dense<0.000000e+00> : vector<80x1x128xf32>
    %dot_general3A_95 = tpu.matmul %reshape3A_94, %reshape3A, %dot_general3A {dimension_numbers = #tpu.dot_dimension_numbers<[2], [1], [1], [2], [0, 0, 0, 1, 1, 2], [0], [0]>, transpose_lhs_hint = false} : vector<80x1x128xf32>, vector<80x128x128xf32>, vector<80x1x128xf32> -> vector<80x1x128xf32>
    %reduce_sum3A_96 = arith.constant dense<0.000000e+00> : vector<1x128xf32>
    %reduce_sum3A_97 = vector.multi_reduction <add>, %dot_general3A_95, %reduce_sum3A_96 [0] : vector<80x1x128xf32> to vector<1x128xf32>
    %swap3A_98 = arith.constant 0 : index
    %swap3A_99 = arith.constant 0 : index
    %swap3A_100 = vector.load %arg6[%swap3A_98, %swap3A_99] : memref<1x128xf32, #tpu.memory_space<vmem>>, vector<1x128xf32>
    tpu.vector_store %arg6[%swap3A_98, %swap3A_99], %reduce_sum3A_97 {strides = array<i32>} : memref<1x128xf32, #tpu.memory_space<vmem>>, vector<1x128xf32>,
    return
  }
}

</mosaic_0001>

<sc_bundles>
// kernel: kernel.6.cloned.1.call-start
scs
__scs_entry_jumppad:
0x0: {  	(pc) =	sbr.rel $0x88, $3  }
0x1: {  	(tag) =	ssettag $0x0;
	lr =	simm.s32 $0x1  }
0x2: {  	[smem:$0x3F97] =	sst lr;
	_ =	strace $0xD0000000  }
0x3: {  	_ = 	snop  }
0x4: {  	_ = 	snop  }
0x5: {  	_ = 	snop  }
0x6: {  	_ = 	snop  }
0x7: {  	_ = 	snop  }
__scs_overlays_trampoline_lowered:
0x8: {  	[smem:$0x3FA6] =	sst s0  }
0x9: {  	[smem:$0x3FA7] =	sst s1  }
0xa: {  	[smem:$0x3FA8] =	sst s2  }
0xb: {  	[smem:$0x3FA9] =	sst s3  }
0xc: {  	[smem:$0x3FAA] =	sst s4  }
0xd: {  	[smem:$0x3FAB] =	sst s5  }
0xe: {  	[smem:$0x3FAC] =	sst s6  }
0xf: {  	[smem:$0x3FAD] =	sst s7  }
0x10: {  	[smem:$0x3FAE] =	sst s8  }
0x11: {  	[smem:$0x3FAF] =	sst s9;
	s0 =	simm.s32 @!p0 $0x0  }
0x12: {  	s1 =	sld [smem:$0x3F95];
	s0 =	simm.s32 @p0 $0x1  }
0x13: {  	[smem:$0x3FB0] =	sst s0;
	s0 =	simm.s32 @!p1 $0x0  }
0x14: {  	s2 =	sld [smem:$0x3F94];
	s0 =	simm.s32 @p1 $0x1  }
0x15: {  	[smem:$0x3FB1] =	sst s0;
	s0 =	simm.s32 @!p2 $0x0  }
0x16: {  	s3 =	sld [smem:$0x3FDB];
	s0 =	simm.s32 @p2 $0x1  }
0x17: {  	s4 =	simm.s32 $0x1BF5;
	[smem:$0x3FB3] =	sst s0  }
0x18: {  	s0 =	sld [smem:$0x3F96];
	_ =	swait.ge [sflag:s4], $0x0  }
0x19: {  	s7 =	sld [smem:$0x3F97]  }
0x1a: {  	s8 =	sadd.s32 $0xFFFFE003, lr  }
0x1b: {  	s9 =	sadd.s32 $0xFFFFFEF7, lr;
	s5 =	simm.s32 $0xFFFFFFFF;
	p2 =	slt.u32 s8, $0xFFFFF086  }
0x1c: {  	p1 =	slt.u32 s9, $0xF7A;
	s5 =	simm.s32 @!p2 $0x0  }
0x1d: {  	s5 =	simm.s32 @p1 $0x1;
	p0 =	seq.s32 s7, s2  }
0x1e: {  	s7 =	smul.u32 @!p0 $0xF7A, s2;
	p2 =	seq.s32 @!p0 s5, $0x0  }
0x1f: {  	s9 =	smul.u32 $0xF7A, s1;
	s8 =	simm.s32 @!p0 $0x1BF5;
	p2 =	por !p2, p0  }
0x20: {  	[sflag:s8] =	ssyncset.s32 @!p0 $0xFFFFF086;
	s6 =	sadd.s32 @!p0 s3, s7;
	s7 =	simm.s32 @!p0 $0x108  }
0x21: {  	s3 =	sadd.s32 s3, s9;
	s6 =	sadd.s32 @!p0 $0x88, s6;
	s7 =	simm.s32 @p2 $0x1082  }
0x22: {  	[simem:s7], [sflag:s8] =	dma.local @!p0 [hbm:s6], $0xF7A  }
0x23: {  	s9 =	sor.u32 $0xD0000000, s2;
	s6 =	simm.s32 $0x108;
	_ =	swait.ge @!p0 [sflag:s8], $0x0  }
0x24: {  	s3 =	sadd.s32 $0x88, s3;
	s6 =	simm.s32 @!p1 $0x1082;
	[sflag:s4] =	ssyncset.s32 $0xFFFFF086  }
0x25: {  	[simem:s6], [sflag:s4] =	dma.local [hbm:s3], $0xF7A  }
0x26: {  	[smem:$0x3F97] =	sst s1;
	(tag) =	ssettag s2;
	_ =	strace s9  }
0x27: {  	s1 =	sld [smem:$0x3FA7]  }
0x28: {  	s2 =	sld [smem:$0x3FA8]  }
0x29: {  	s4 =	sld [smem:$0x3FAA]  }
0x2a: {  	p0 =	seq.s32 s5, $0x0;
	s5 =	sld [smem:$0x3FAB]  }
0x2b: {  	s6 =	sld [smem:$0x3FAC]  }
0x2c: {  	s7 =	sld [smem:$0x3FAD]  }
0x2d: {  	s3 =	simm.s32 $0x108;
	s8 =	sld [smem:$0x3FAE]  }
0x2e: {  	s3 =	simm.s32 @!p0 $0x1082;
	s9 =	sld [smem:$0x3FAF]  }
0x2f: {  	lr =	sadd.s32 s0, s3;
	s0 =	sld [smem:$0x3FA6]  }
0x30: {  	s3 =	sld [smem:$0x3FA9]  }
0x31: {  	[smem:$0x3FB2] =	sst s10  }
0x32: {  	s10 =	sld [smem:$0x3FB0];
	_ =	sdelay $0x3  }
0x33: {  	p0 =	seq.s32 s10, $0x1;
	s10 =	sld [smem:$0x3FB2];
	_ =	sdelay $0x3  }
0x34: {  	[smem:$0x3FB2] =	sst s10  }
0x35: {  	s10 =	sld [smem:$0x3FB1];
	_ =	sdelay $0x3  }
0x36: {  	p1 =	seq.s32 s10, $0x1;
	s10 =	sld [smem:$0x3FB2];
	_ =	sdelay $0x3  }
0x37: {  	[smem:$0x3FB2] =	sst s10  }
0x38: {  	s10 =	sld [smem:$0x3FB3]  }
0x39: {  	_ = 	snop;
	(pc) =	sbr.ind lr, $3  }
0x3a: {  	_ = 	snop  }
0x3b: {  	_ = 	snop  }
0x3c: {  	p2 =	seq.s32 s10, $0x1;
	s10 =	sld [smem:$0x3FB2]  }
0x3d: {  	_ =	shalt  }
0x3e: {  	_ =	shalt  }
0x3f: {  	_ =	shalt  }
0x40: {  	_ =	shalt  }
0x41: {  	_ =	shalt  }
0x42: {  	_ =	shalt  }
0x43: {  	_ =	shalt  }
0x44: {  	_ =	shalt  }
0x45: {  	_ =	shalt  }
0x46: {  	_ =	shalt  }
0x47: {  	_ =	shalt  }
0x48: {  	_ =	shalt  }
0x49: {  	_ =	shalt  }
0x4a: {  	_ =	shalt  }
0x4b: {  	_ =	shalt  }
0x4c: {  	_ =	shalt  }
0x4d: {  	_ =	shalt  }
0x4e: {  	_ =	shalt  }
0x4f: {  	_ =	shalt  }
0x50: {  	_ =	shalt  }
0x51: {  	_ =	shalt  }
0x52: {  	_ =	shalt  }
0x53: {  	_ =	shalt  }
0x54: {  	_ =	shalt  }
0x55: {  	_ =	shalt  }
0x56: {  	_ =	shalt  }
0x57: {  	_ =	shalt  }
0x58: {  	_ =	shalt  }
0x59: {  	_ =	shalt  }
0x5a: {  	_ =	shalt  }
0x5b: {  	_ =	shalt  }
0x5c: {  	_ =	shalt  }
0x5d: {  	_ =	shalt  }
0x5e: {  	_ =	shalt  }
0x5f: {  	_ =	shalt  }
0x60: {  	_ =	shalt  }
0x61: {  	_ =	shalt  }
0x62: {  	_ =	shalt  }
0x63: {  	_ =	shalt  }
0x64: {  	_ =	shalt  }
0x65: {  	_ =	shalt  }
0x66: {  	_ =	shalt  }
0x67: {  	_ =	shalt  }
0x68: {  	_ =	shalt  }
0x69: {  	_ =	shalt  }
0x6a: {  	_ =	shalt  }
0x6b: {  	_ =	shalt  }
0x6c: {  	_ =	shalt  }
0x6d: {  	_ =	shalt  }
0x6e: {  	_ =	shalt  }
0x6f: {  	_ =	shalt  }
0x70: {  	_ =	shalt  }
0x71: {  	_ =	shalt  }
0x72: {  	_ =	shalt  }
0x73: {  	_ =	shalt  }
0x74: {  	_ =	shalt  }
0x75: {  	_ =	shalt  }
0x76: {  	_ =	shalt  }
0x77: {  	_ =	shalt  }
0x78: {  	_ =	shalt  }
0x79: {  	_ =	shalt  }
0x7a: {  	_ =	shalt  }
0x7b: {  	_ =	shalt  }
0x7c: {  	_ =	shalt  }
0x7d: {  	_ =	shalt  }
0x7e: {  	_ =	shalt  }
0x7f: {  	_ =	shalt  }
0x80: {  	_ =	shalt  }
0x81: {  	_ =	shalt  }
0x82: {  	_ =	shalt  }
0x83: {  	_ =	shalt  }
0x84: {  	_ =	shalt  }
0x85: {  	_ =	shalt  }
0x86: {  	_ =	shalt  }
0x87: {  	_ =	shalt  }
.Lfunc_end0:
.L_simem_size_0:
called_computation_lowered:
.L_overlay_start_0:
0x88: {  	s2 =	sld [smem:$0x3FD9]  }
0x89: {  	s3 =	sld [smem:$0x3FFE];
	_ =	sdelay $0x1  }
0x8a: {  	s1 =	srdreg.scid  }
0x8b: {  	s0 =	sand.u32 $0x1, s1  }
0x8c: {  	s17 =	sshll.u32 s0, $0xA;
	s2 =	sadd.s32 s3, s2  }
0x8d: {  	s2 =	sadd.s32 s2, s17  }
0x8e: {  	[smem:$0x3FBE] =	sst s2  }
0x8f: {  	_ = 	snop  }
0x90: {  	s2 =	sld [smem:$0x3FC9]  }
0x91: {  	s18 =	sld [smem:$0x3FD0];
	(tm) =	ssettm $0x1  }
0x92: {  	s4 =	sld [smem:$0x3FFB];
	_ =	sdelay $0x3  }
0x93: {  	_ =	strace s4  }
0x94: {  	s4 =	sld [smem:$0x3FFC];
	_ =	sdelay $0x3  }
0x95: {  	_ =	strace s4  }
0x96: {  	s4 =	sld [smem:$0x3FFD];
	_ =	sdelay $0x3  }
0x97: {  	_ =	strace s4  }
0x98: {  	_ =	strace $0x8FFFFFFF  }
0x99: {  	s19 =	sld [smem:$0x3FDB];
	_ =	sdelay $0x1  }
0x9a: {  	s5 =	simm.s32 $_scs_section_size  }
0x9b: {  	s6 =	simm.s32 $_size__tile_overlayer_lowered;
	s7 =	simm.s32 $_tile_overlayer_lowered  }
0x9c: {  	s22 =	simm.s32 $0x1BFF;
	s21 =	sshll.u32 s7, $0x1;
	s4 =	sadd.s32 s5, s19  }
0x9d: {  	s8 =	simm.s32 $0x0;
	s20 =	sshll.u32 s6, $0x1;
	s6 =	sadd.s32 s21, s4  }
0x9e: {  	[timem:s8], [sflag:s22] =	dma.local [hbm:s6], s20  }
0x9f: {  	_ =	swait.ge [sflag:s22], s20  }
0xa0: {  	s5 =	ssub.s32 $0x0, s20;
	[sflag:s22] =	ssyncset.done $0x0  }
0xa1: {  	[sflag:s22] =	ssyncadd.s32 s5;
	_ =	sdelay $0x1  }
0xa2: {  	s23 =	simm.s32 $0x1B8B  }
0xa3: {  	_ =	swait.ge [sflag:s23], $0x1  }
0xa4: {  	[sflag:s23] =	ssyncset.done $0x0  }
0xa5: {  	s25 =	simm.s32 $0x1B8E;
	s24 =	sld [smem:$0x3FFE];
	[sflag:s23] =	ssyncadd.s32 $0xFFFFFFFF  }
0xa6: {  	s26 =	simm.s32 $execute0_lowered;
	[smem:$0x3FD2] =	sst s25  }
0xa7: {  	s6 =	sshll.u32 s26, $0x1;
	_ =	strace $0x80000046;
	[dreg:$0x1] =	wrdreg $0xFFFFFFFF  }
0xa8: {  	s28 =	simm.s32 $_size_execute0_lowered;
	s4 =	sadd.s32 s4, s6;
	[dreg:$0x0] =	wrdreg $0x0  }
0xa9: {  	s6 =	sshll.u32 s28, $0x1;
	[dreg:$0x2] =	wrdreg s4  }
0xaa: {  	[dreg:$0x3] =	wrdreg s6  }
0xab: {  	[dreg:$0x4] =	wrdreg $0xC0  }
0xac: {  	_ =	task [dreg:s8], $0x5FFFF  }
0xad: {  	[dreg:$0x1] =	wrdreg $0xFFFFFFFF  }
0xae: {  	[dreg:$0x0] =	wrdreg $0x60  }
0xaf: {  	[dreg:$0x2] =	wrdreg s24  }
0xb0: {  	[dreg:$0x3] =	wrdreg s2  }
0xb1: {  	[dreg:$0x4] =	wrdreg s18  }
0xb2: {  	[dreg:$0x5] =	wrdreg $0x0  }
0xb3: {  	[dreg:$0x6] =	wrdreg $0x140000  }
0xb4: {  	[dreg:$0x7] =	wrdreg $0x9  }
0xb5: {  	_ =	task.clear_ibuf [dreg:s8], $0x8FFFF;
	_ =	strace $0x90000046  }
0xb6: {  	s29 =	simm.s32 $0x9;
	_ =	strace $0x80000048  }
0xb7: {  	_ =	swait.ge [sflag:s29], $0x1  }
0xb8: {  	[sflag:s29] =	ssyncadd.s32 $0xFFFFFFFF  }
0xb9: {  	_ =	strace $0x90000048  }
0xba: {  	_ =	sfence  }
0xbb: {  	s30 =	sld [smem:$0x0];
	_ =	sdelay $0x2  }
0xbc: {  	s31 =	sshll.u32 s1, $0xD;
	s1 =	sshrl.u32 s1, $0x2  }
0xbd: {  	s3 =	sand.u32 $0x4000, s31;
	s1 =	sadd.s32 s1, s30  }
0xbe: {  	s0 =	sor.u32 s3, s0;
	s1 =	sshll.u32 s1, $0x11  }
0xbf: {  	s0 =	sor.u32 s1, s0  }
0xc0: {  	s0 =	sadd.s32 $0x8F2B, s0  }
0xc1: {  	[sflag:s0] =	ssyncadd.remote.s32 $0x1  }
0xc2: {  	_ =	sfence.sel $0xFFFF  }
0xc3: {  	[dreg:$0x0] =	wrdreg $0xFFFFFFFF;
	(pc) =	sbr.abs _section_cstart, $3  }
0xc4: {  	[dreg:$0x1] =	wrdreg $0xFFFFFFFF  }
0xc5: {  	_ =	task.clear_ibuf [dreg:s8], $0x2FFFF;
	_ =	strace $0x9FFFFFFF  }
0xc6: {  	(tm) =	ssettm $0x7FFFFFFF  }
0xc7: {  	_ =	shalt  }
tec
execute0_lowered:
.L_overlay_start_1:
0x0: {  	(tag) =	ssettag $0x1  }
0x1: {  	s0 =	rddreg [dreg:$0x0]  }
0x2: {  	s1 =	rddreg [dreg:$0x1]  }
0x3: {  	s2 =	srdreg.scid;
	s4 =	rddreg [dreg:$0x3]  }
0x4: {  	s14 =	stileid.u32;
	s5 =	rddreg [dreg:$0x4]  }
0x5: {  	s6 =	simm.s32 $0x0;
	s28 =	simm.s32 $0x80;
	s29 =	simm.s32 $0x16A80  }
0x6: {  	s31 =	simm.s32 $0x1AA80;
	s30 =	simm.s32 $0x4;
	s8 =	smul.u32 $0x14000, s14  }
0x7: {  	s2 =	sand.u32 $0x1, s2;
	s3 =	sshll.u32 s14, $0x1;
	s26 =	smul.u32 $0x500, s14  }
0x8: {  	[smem:$0x7FF] =	sst s6;
	s11 =	sadd.s32 $0xC200, s0;
	s16 =	smul.u32 $0x50000, s14  }
0x9: {  	s9 =	sadd.s32 $0x16400, s0;
	s12 =	sadd.s32 $0x16200, s0;
	s19 =	smul.u32 $0x5000, s14  }
0xa: {  	s3 =	sor.u32 s2, s3;
	_ =	strace $0x80000047;
	[dreg:$0x6] =	wrdreg s9  }
0xb: {  	s7 =	smul.u32 $0x140000, s2;
	s13 =	sshll.u32 s2, $0x7;
	[dreg:$0x7] =	wrdreg s12  }
0xc: {  	s15 =	ssub.s32 $0x2, s2;
	s2 =	smul.u32 $0x2800, s2;
	s12 =	simm.s32 $0x6  }
0xd: {  	s3 =	smul.u32 $0x2800, s3;
	s17 =	sshrl.u32 s15, $0x1;
	s18 =	sshrl.u32 s16, $0x2  }
0xe: {  	s7 =	sadd.s32 s8, s7;
	s8 =	sor.u32 s13, s26;
	s13 =	smul.u32 $0xA00, s14  }
0xf: {  	s14 =	sshll.u32 s14, $0x6;
	s2 =	sadd.s32 s2, s19;
	s3 =	sshrl.u32 s3, $0x3  }
0x10: {  	s7 =	sshrl.u32 s7, $0x3;
	s8 =	sshrl.u32 s8, $0x3;
	s9 =	sor.u32 $0x1C0B, s14  }
0x11: {  	s21 =	sor.u32 $0x180, s2;
	s24 =	sor.u32 $0x100, s2;
	s25 =	sor.u32 $0x200, s2  }
0x12: {  	s2 =	sor.u32 $0x280, s2;
	s14 =	simm.s32 $0x8;
	s10 =	sadd.s32 s3, s0  }
0x13: {  	s7 =	sadd.s32 s7, s0;
	s0 =	sadd.s32 s8, s0;
	s8 =	ssub.s32 s15, s17  }
0x14: {  	s13 =	sshrl.u32 s13, $0x2;
	s15 =	sadd.s32 s18, s4;
	s3 =	sadd.s32 s11, s3  }
0x15: {  	s23 =	sshrl.u32 s21, $0x3;
	s26 =	sshrl.u32 s2, $0x3;
	s21 =	simm.s32 $0xB  }
0x16: {  	s2 =	simm.s32 $0x1EB80;
	s13 =	sadd.s32 s13, s5;
	s10 =	sadd.s32 $0x2200, s10  }
0x17: {  	[dreg:$0x9] =	wrdreg s3;
	s3 =	sadd.s32 $0x10, s3;
	s20 =	sadd.s32 $0x19600, s7  }
0x18: {  	s0 =	sadd.s32 $0x18C00, s0;
	s22 =	smax.u32 s8, $0x1;
	[dreg:$0x8] =	wrdreg s10  }
0x19: {  	s16 =	sadd.s32 s23, s11;
	s19 =	sadd.s32 s26, s11;
	[dreg:$0xa] =	wrdreg s3  }
0x1a: {  	s15 =	sshrl.u32 s15, $0x3;
	s23 =	simm.s32 $0x1EC80;
	[dreg:$0xb] =	wrdreg s20  }
0x1b: {  	s26 =	simm.s32 $0x1EB00;
	s7 =	simm.s32 $0x2;
	[dreg:$0xc] =	wrdreg s0  }
.Ltmp0:
0x1c: {  	s8 =	simm.s32 $0x1EC00;
	[dreg:$0xd] =	wrdreg s22;
	(pc) =	sbr.rel .LBB2_1-.Ltmp0, $4  }
0x1d: {  	s0 =	sshrl.u32 s24, $0x3;
	s3 =	sshrl.u32 s25, $0x3;
	s13 =	sshrl.u32 s13, $0x3  }
0x1e: {  	s25 =	simm.s32 $0x1EA80;
	s10 =	simm.s32 $0x5;
	s24 =	simm.s32 $0x0  }
0x1f: {  	[dreg:$0xe] =	wrdreg s15;
	s17 =	sadd.s32 s0, s11;
	s18 =	sadd.s32 s3, s11  }
0x20: {  	s3 =	simm.s32 $0x3;
	s0 =	simm.s32 $0x1;
	[dreg:$0xf] =	wrdreg s13  }
.LBB2_4:
0x21: {  	s11 =	simm.s32 $0x7  }
0x22: {  	_ =	swait.ge [sflag:s11], $0x80  }
0x23: {  	[sflag:s11] =	ssyncset.done $0x0  }
0x24: {  	[sflag:s11] =	ssyncadd.s32 $0xFFFFFF80  }
0x25: {  	_ =	swait.ge [sflag:s14], $0x80  }
0x26: {  	[sflag:s14] =	ssyncset.done $0x0  }
0x27: {  	s13 =	simm.s32 $0x9;
	[sflag:s14] =	ssyncadd.s32 $0xFFFFFF80  }
0x28: {  	_ =	swait.ge [sflag:s13], $0x80  }
0x29: {  	[sflag:s13] =	ssyncset.done $0x0  }
0x2a: {  	s15 =	simm.s32 $0xA;
	[sflag:s13] =	ssyncadd.s32 $0xFFFFFF80  }
0x2b: {  	_ =	swait.ge [sflag:s15], $0x80  }
0x2c: {  	[sflag:s15] =	ssyncset.done $0x0  }
0x2d: {  	[sflag:s15] =	ssyncadd.s32 $0xFFFFFF80  }
0x2e: {  	[bflag:$0x0] =	sbarrier.arrive $0xFFFF  }
0x2f: {  	s20 =	rddreg [dreg:$0xb]  }
0x30: {  	s15 =	rddreg [dreg:$0xe]  }
0x31: {  	[hbm:s20], [sflag:s9] =	dma.local [spmem:s15], $0x2800  }
0x32: {  	_ =	swait.ge [sflag:s21], $0x2800  }
0x33: {  	s22 =	simm.s32 $0x10;
	[sflag:s21] =	ssyncset.done $0x0;
	s11 =	rddreg [dreg:$0xc]  }
0x34: {  	s20 =	simm.s32 $0x20;
	s13 =	rddreg [dreg:$0xf];
	[sflag:s21] =	ssyncadd.s32 $0xFFFFD800  }
0x35: {  	[hbm:s11@s20], [sflag:s9] =	dma.strided [spmem:s13@s22], $0x50, s0, $0x10   }
0x36: {  	_ =	swait.ge [sflag:s21], $0x50  }
0x37: {  	s24 =	sadd.s32 $0x1, s24;
	s22 =	rddreg [dreg:$0xd]  }
0x38: {  	p0 =	sne.s32 s24, s22  }
.Ltmp1:
0x39: {  	_ = 	snop;
	(pc) =	sbr.rel @!p0 .LBB2_5-.Ltmp1, $3  }
0x3a: {  	_ =	sdelay $0x1  }
0x3b: {  	[sflag:s21] =	ssyncset.done $0x0  }
0x3c: {  	[sflag:s21] =	ssyncadd.s32 $0xFFFFFFB0  }
.LBB2_1:
0x3d: {  	s11 =	rddreg [dreg:$0x6]  }
0x3e: {  	[spmem:s15], [sflag:s9] =	dma.local [hbm:s11], $0x2800  }
0x3f: {  	_ =	swait.ge [sflag:s21], $0x2800  }
0x40: {  	[sflag:s21] =	ssyncset.done $0x0  }
0x41: {  	s22 =	rddreg [dreg:$0x7];
	[sflag:s21] =	ssyncadd.s32 $0xFFFFD800  }
0x42: {  	[spmem:s13], [sflag:s9] =	dma.local [hbm:s22], $0x50  }
0x43: {  	_ =	swait.ge [sflag:s21], $0x50  }
0x44: {  	[sflag:s21] =	ssyncset.done $0x0  }
0x45: {  	[sflag:s21] =	ssyncadd.s32 $0xFFFFFFB0  }
0x46: {  	s15 =	rddreg [dreg:$0x2]  }
0x47: {  	[tilespmem:s23], [sflag:$0xB] =	stream.linear.gather [hbm4b:s15+s6], $0x80, $0x38;
	[tilespmem:$0x1ED00] =	vst v63  }
0x48: {  	_ =	swait.ge [sflag:s21], $0x80  }
0x49: {  	[sflag:s21] =	ssyncset.done $0x0  }
0x4a: {  	s22 =	simm.s32 $0x14280;
	s20 =	rddreg [dreg:$0x8];
	[sflag:s21] =	ssyncadd.s32 $0xFFFFFF80  }
0x4b: {  	[tilespmem:s22], [sflag:$0xB] =	stream.linear.gather [hbm4b:s20+s6], $0x2800, $0x38;
	[tilespmem:$0x1ED00] =	vst v63  }
0x4c: {  	_ =	swait.ge [sflag:s21], $0x2800  }
0x4d: {  	[sflag:s21] =	ssyncset.done $0x0  }
0x4e: {  	[sflag:s21] =	ssyncadd.s32 $0xFFFFD800  }
0x4f: {  	[bflag:$0x0] =	sbarrier.arrive $0xFFFF  }
0x50: {  	s15 =	rddreg [dreg:$0x9]  }
0x51: {  	[tilespmem:s25], [sflag:$0x3] =	stream.linear.gather [hbm4b:s15+s6], $0x80, $0x38;
	[tilespmem:$0x1ED00] =	vst v63  }
0x52: {  	s20 =	rddreg [dreg:$0xa]  }
0x53: {  	[tilespmem:s26], [sflag:$0x4] =	stream.linear.gather [hbm4b:s20+s6], $0x80, $0x38;
	[tilespmem:$0x1ED00] =	vst v63  }
0x54: {  	_ = 	snop  }
0x55: {  	[tilespmem:s29], [sflag:$0x1] =	stream.indirect.gather [hbm4b:s1+s28], $0x80, s22, s28, $0xb8;
	[tilespmem:$0x1ED00] =	vst v63  }
0x56: {  	s13 =	simm.s32 $0x14400;
	s15 =	simm.s32 $0x0;
	s22 =	simm.s32 $0x14300  }
0x57: {  	[tilespmem:s31], [sflag:$0x2] =	stream.indirect.gather [hbm4b:s1+s28], $0x80, s22, s28, $0xb8;
	[tilespmem:$0x1ED00] =	vst v63  }
.LBB2_2:
0x58: {  	_ =	swait.ge [sflag:s3], $0x80  }
0x59: {  	[sflag:s3] =	ssyncset.done $0x0  }
0x5a: {  	[sflag:s3] =	ssyncadd.s32 $0xFFFFFF80  }
0x5b: {  	_ =	swait.ge [sflag:s0], $0x4000  }
0x5c: {  	[sflag:s0] =	ssyncset.done $0x0  }
0x5d: {  	[sflag:s0] =	ssyncadd.s32 $0xFFFFC000  }
0x5e: {  	[spmem:s4] =	stream.indirect.scatter.add.f32 [tilespmem:s29], [sflag:$0xB], $0x80, s25, s28, $0xb8;
	[tilespmem:$0x1ED00] =	vst v63  }
0x5f: {  	_ =	swait.ge [sflag:s21], $0x4000  }
0x60: {  	p0 =	seq.s32 s15, $0x0;
	[sflag:s21] =	ssyncset.done $0x0  }
0x61: {  	s11 =	simm.s32 @!p0 $0x9;
	[sflag:s21] =	ssyncadd.s32 $0xFFFFC000  }
0x62: {  	[spmem:s5] =	stream.indirect.scatter.add.f32 [tilespmem:s23], [sflag:$0x7], $0x1, s25, s28, $0xb8;
	[tilespmem:$0x1ED00] =	vst v63  }
0x63: {  	_ =	swait.ge @!p0 [sflag:s11], $0x80  }
0x64: {  	[sflag:s11] =	ssyncset.done @!p0 $0x0  }
0x65: {  	s22 =	sadd.s32 s15, s17;
	[sflag:s11] =	ssyncadd.s32 @!p0 $0xFFFFFF80  }
0x66: {  	[tilespmem:s2], [sflag:$0x5] =	stream.linear.gather [hbm4b:s22+s6], $0x80, $0x38;
	[tilespmem:$0x1ED00] =	vst v63  }
0x67: {  	s20 =	sadd.s32 $0xFFFFFF80, s13  }
0x68: {  	[tilespmem:s29], [sflag:$0x1] =	stream.indirect.gather [hbm4b:s1+s28], $0x80, s20, s28, $0xb8;
	[tilespmem:$0x1ED00] =	vst v63  }
0x69: {  	_ =	swait.ge [sflag:s30], $0x80  }
0x6a: {  	[sflag:s30] =	ssyncset.done $0x0  }
0x6b: {  	[sflag:s30] =	ssyncadd.s32 $0xFFFFFF80  }
0x6c: {  	_ =	swait.ge [sflag:s7], $0x4000  }
0x6d: {  	[sflag:s7] =	ssyncset.done $0x0  }
0x6e: {  	[sflag:s7] =	ssyncadd.s32 $0xFFFFC000  }
0x6f: {  	[spmem:s4] =	stream.indirect.scatter.add.f32 [tilespmem:s31], [sflag:$0xB], $0x80, s26, s28, $0xb8;
	[tilespmem:$0x1ED00] =	vst v63  }
0x70: {  	_ =	swait.ge [sflag:s21], $0x4000  }
0x71: {  	[sflag:s21] =	ssyncset.done $0x0  }
0x72: {  	s11 =	simm.s32 @!p0 $0xA;
	[sflag:s21] =	ssyncadd.s32 $0xFFFFC000  }
0x73: {  	[spmem:s5] =	stream.indirect.scatter.add.f32 [tilespmem:s23], [sflag:$0x8], $0x1, s26, s28, $0xb8;
	[tilespmem:$0x1ED00] =	vst v63  }
0x74: {  	_ =	swait.ge @!p0 [sflag:s11], $0x80  }
0x75: {  	[sflag:s11] =	ssyncset.done @!p0 $0x0  }
0x76: {  	s22 =	sadd.s32 s15, s16;
	[sflag:s11] =	ssyncadd.s32 @!p0 $0xFFFFFF80  }
0x77: {  	[tilespmem:s8], [sflag:$0x6] =	stream.linear.gather [hbm4b:s22+s6], $0x80, $0x38;
	[tilespmem:$0x1ED00] =	vst v63  }
0x78: {  	_ = 	snop  }
0x79: {  	[tilespmem:s31], [sflag:$0x2] =	stream.indirect.gather [hbm4b:s1+s28], $0x80, s13, s28, $0xb8;
	[tilespmem:$0x1ED00] =	vst v63  }
0x7a: {  	_ =	swait.ge [sflag:s10], $0x80  }
0x7b: {  	[sflag:s10] =	ssyncset.done $0x0  }
0x7c: {  	[sflag:s10] =	ssyncadd.s32 $0xFFFFFF80  }
0x7d: {  	_ =	swait.ge [sflag:s0], $0x4000  }
0x7e: {  	[sflag:s0] =	ssyncset.done $0x0  }
0x7f: {  	[sflag:s0] =	ssyncadd.s32 $0xFFFFC000  }
0x80: {  	[spmem:s4] =	stream.indirect.scatter.add.f32 [tilespmem:s29], [sflag:$0xB], $0x80, s2, s28, $0xb8;
	[tilespmem:$0x1ED00] =	vst v63  }
0x81: {  	_ =	swait.ge [sflag:s21], $0x4000  }
0x82: {  	p0 =	seq.s32 s15, $0x4C0;
	[sflag:s21] =	ssyncset.done $0x0  }
0x83: {  	s11 =	simm.s32 @!p0 $0x7;
	[sflag:s21] =	ssyncadd.s32 $0xFFFFC000  }
0x84: {  	[spmem:s5] =	stream.indirect.scatter.add.f32 [tilespmem:s23], [sflag:$0x9], $0x1, s2, s28, $0xb8;
	[tilespmem:$0x1ED00] =	vst v63  }
0x85: {  	_ =	swait.ge @!p0 [sflag:s11], $0x80  }
0x86: {  	s20 =	simm.s32 @!p0 $0x0;
	[sflag:s11] =	ssyncset.done @!p0 $0x0  }
0x87: {  	s22 =	simm.s32 @!p0 $0x1EA80;
	[sflag:s11] =	ssyncadd.s32 @!p0 $0xFFFFFF80;
	s11 =	sadd.s32 @!p0 s15, s18  }
0x88: {  	[tilespmem:s22], [sflag:$0x3] =	stream.linear.gather @!p0 [hbm4b:s11+s20], $0x80, $0x38;
	[tilespmem:$0x1ED00] =	vst v63  }
0x89: {  	s11 =	sadd.s32 @!p0 $0x80, s13;
	s20 =	simm.s32 @!p0 $0x80;
	s22 =	simm.s32 @!p0 $0x16A80  }
0x8a: {  	[tilespmem:s22], [sflag:$0x1] =	stream.indirect.gather @!p0 [hbm4b:s1+s20], $0x80, s11, s20, $0xb8;
	[tilespmem:$0x1ED00] =	vst v63  }
0x8b: {  	_ =	swait.ge [sflag:s12], $0x80  }
0x8c: {  	[sflag:s12] =	ssyncset.done $0x0  }
0x8d: {  	[sflag:s12] =	ssyncadd.s32 $0xFFFFFF80  }
0x8e: {  	_ =	swait.ge [sflag:s7], $0x4000  }
0x8f: {  	[sflag:s7] =	ssyncset.done $0x0  }
0x90: {  	[sflag:s7] =	ssyncadd.s32 $0xFFFFC000  }
0x91: {  	[spmem:s4] =	stream.indirect.scatter.add.f32 [tilespmem:s31], [sflag:$0xB], $0x80, s8, s28, $0xb8;
	[tilespmem:$0x1ED00] =	vst v63  }
.Ltmp2:
0x92: {  	_ = 	snop;
	(pc) =	sbr.rel @p0 .LBB2_4-.Ltmp2, $4  }
0x93: {  	_ =	swait.ge [sflag:s21], $0x4000  }
0x94: {  	[sflag:s21] =	ssyncset.done $0x0  }
0x95: {  	[sflag:s21] =	ssyncadd.s32 $0xFFFFC000  }
0x96: {  	[spmem:s5] =	stream.indirect.scatter.add.f32 [tilespmem:s23], [sflag:$0xA], $0x1, s8, s28, $0xb8;
	[tilespmem:$0x1ED00] =	vst v63  }
0x97: {  	_ =	swait.ge [sflag:s14], $0x80  }
.Ltmp3:
0x98: {  	[sflag:s14] =	ssyncset.done $0x0;
	(pc) =	sbr.rel .LBB2_2-.Ltmp3, $4  }
0x99: {  	s11 =	sadd.s32 s15, s19;
	[sflag:s14] =	ssyncadd.s32 $0xFFFFFF80  }
0x9a: {  	[tilespmem:s26], [sflag:$0x4] =	stream.linear.gather [hbm4b:s11+s6], $0x80, $0x38;
	[tilespmem:$0x1ED00] =	vst v63  }
0x9b: {  	s22 =	sadd.s32 $0x100, s13;
	s15 =	sadd.s32 $0x40, s15;
	s13 =	sadd.s32 $0x200, s13  }
0x9c: {  	[tilespmem:s31], [sflag:$0x2] =	stream.indirect.gather [hbm4b:s1+s28], $0x80, s22, s28, $0xb8;
	[tilespmem:$0x1ED00] =	vst v63  }
.LBB2_5:
0x9d: {  	_ =	sfence.sel $0x180000  }
0x9e: {  	[bflag:$0x0] =	sbarrier.arrive $0xFFFF  }
0x9f: {  	_ =	strace $0x90000047  }
0xa0: {  	s0 =	stileid.u32;
	[bflag:$0x2] =	sbarrier.arrive $0xFFFF  }
0xa1: {  	p0 =	sne.s32 s0, $0x0;
	s0 =	rddreg [dreg:$0x5]  }
0xa2: {  	s0 =	sadd.s32 @!p0 $0x100000, s0  }
0xa3: {  	[sflag:s0] =	ssyncadd.tile.s32 @!p0 $0x1;
	_ =	shalt  }
.Lfunc_end2:
_tile_overlayer_lowered:
.L_overlay_start_2:
0xa4: {  	(tag) =	ssettag $0x2  }
0xa5: {  	s0 =	rddreg [dreg:$0x0];
	s2 =	stileid.u32  }
0xa6: {  	s1 =	rddreg [dreg:$0x1];
	p0 =	sne.s32 s2, $0x0  }
0xa7: {  	s3 =	rddreg [dreg:$0x2];
	[bflag:$0x3] =	sbarrier.arrive $0xFFFF;
	s2 =	simm.s32 @!p0 $0x1C0B  }
0xa8: {  	[timem:s3], [sflag:s2] =	dma.local @!p0 [hbm:s0], s1  }
0xa9: {  	s0 =	simm.s32 @!p0 $0xB  }
0xaa: {  	_ =	swait.ge @!p0 [sflag:s0], s1  }
0xab: {  	s1 =	ssub.s32 @!p0 $0x0, s1;
	[sflag:s0] =	ssyncset.done @!p0 $0x0  }
0xac: {  	[sflag:s0] =	ssyncadd.s32 @!p0 s1  }
0xad: {  	[bflag:$0x3] =	sbarrier.arrive $0xFFFF  }
0xae: {  	_ =	shalt  }

// kernel: kernel.9.cloned.1.call-start
scs
__scs_entry_jumppad:
0x0: {  	(pc) =	sbr.rel $0x88, $3  }
0x1: {  	(tag) =	ssettag $0x0;
	lr =	simm.s32 $0x1  }
0x2: {  	[smem:$0x3F97] =	sst lr;
	_ =	strace $0xD0000000  }
0x3: {  	_ = 	snop  }
0x4: {  	_ = 	snop  }
0x5: {  	_ = 	snop  }
0x6: {  	_ = 	snop  }
0x7: {  	_ = 	snop  }
__scs_overlays_trampoline_lowered:
0x8: {  	[smem:$0x3FA6] =	sst s0  }
0x9: {  	[smem:$0x3FA7] =	sst s1  }
0xa: {  	[smem:$0x3FA8] =	sst s2  }
0xb: {  	[smem:$0x3FA9] =	sst s3  }
0xc: {  	[smem:$0x3FAA] =	sst s4  }
0xd: {  	[smem:$0x3FAB] =	sst s5  }
0xe: {  	[smem:$0x3FAC] =	sst s6  }
0xf: {  	[smem:$0x3FAD] =	sst s7  }
0x10: {  	[smem:$0x3FAE] =	sst s8  }
0x11: {  	[smem:$0x3FAF] =	sst s9;
	s0 =	simm.s32 @!p0 $0x0  }
0x12: {  	s1 =	sld [smem:$0x3F95];
	s0 =	simm.s32 @p0 $0x1  }
0x13: {  	[smem:$0x3FB0] =	sst s0;
	s0 =	simm.s32 @!p1 $0x0  }
0x14: {  	s2 =	sld [smem:$0x3F94];
	s0 =	simm.s32 @p1 $0x1  }
0x15: {  	[smem:$0x3FB1] =	sst s0;
	s0 =	simm.s32 @!p2 $0x0  }
0x16: {  	s3 =	sld [smem:$0x3FDB];
	s0 =	simm.s32 @p2 $0x1  }
0x17: {  	s4 =	simm.s32 $0x1BF5;
	[smem:$0x3FB3] =	sst s0  }
0x18: {  	s0 =	sld [smem:$0x3F96];
	_ =	swait.ge [sflag:s4], $0x0  }
0x19: {  	s7 =	sld [smem:$0x3F97]  }
0x1a: {  	s8 =	sadd.s32 $0xFFFFE003, lr  }
0x1b: {  	s9 =	sadd.s32 $0xFFFFFEF7, lr;
	s5 =	simm.s32 $0xFFFFFFFF;
	p2 =	slt.u32 s8, $0xFFFFF086  }
0x1c: {  	p1 =	slt.u32 s9, $0xF7A;
	s5 =	simm.s32 @!p2 $0x0  }
0x1d: {  	s5 =	simm.s32 @p1 $0x1;
	p0 =	seq.s32 s7, s2  }
0x1e: {  	s7 =	smul.u32 @!p0 $0xF7A, s2;
	p2 =	seq.s32 @!p0 s5, $0x0  }
0x1f: {  	s9 =	smul.u32 $0xF7A, s1;
	s8 =	simm.s32 @!p0 $0x1BF5;
	p2 =	por !p2, p0  }
0x20: {  	[sflag:s8] =	ssyncset.s32 @!p0 $0xFFFFF086;
	s6 =	sadd.s32 @!p0 s3, s7;
	s7 =	simm.s32 @!p0 $0x108  }
0x21: {  	s3 =	sadd.s32 s3, s9;
	s6 =	sadd.s32 @!p0 $0x88, s6;
	s7 =	simm.s32 @p2 $0x1082  }
0x22: {  	[simem:s7], [sflag:s8] =	dma.local @!p0 [hbm:s6], $0xF7A  }
0x23: {  	s9 =	sor.u32 $0xD0000000, s2;
	s6 =	simm.s32 $0x108;
	_ =	swait.ge @!p0 [sflag:s8], $0x0  }
0x24: {  	s3 =	sadd.s32 $0x88, s3;
	s6 =	simm.s32 @!p1 $0x1082;
	[sflag:s4] =	ssyncset.s32 $0xFFFFF086  }
0x25: {  	[simem:s6], [sflag:s4] =	dma.local [hbm:s3], $0xF7A  }
0x26: {  	[smem:$0x3F97] =	sst s1;
	(tag) =	ssettag s2;
	_ =	strace s9  }
0x27: {  	s1 =	sld [smem:$0x3FA7]  }
0x28: {  	s2 =	sld [smem:$0x3FA8]  }
0x29: {  	s4 =	sld [smem:$0x3FAA]  }
0x2a: {  	p0 =	seq.s32 s5, $0x0;
	s5 =	sld [smem:$0x3FAB]  }
0x2b: {  	s6 =	sld [smem:$0x3FAC]  }
0x2c: {  	s7 =	sld [smem:$0x3FAD]  }
0x2d: {  	s3 =	simm.s32 $0x108;
	s8 =	sld [smem:$0x3FAE]  }
0x2e: {  	s3 =	simm.s32 @!p0 $0x1082;
	s9 =	sld [smem:$0x3FAF]  }
0x2f: {  	lr =	sadd.s32 s0, s3;
	s0 =	sld [smem:$0x3FA6]  }
0x30: {  	s3 =	sld [smem:$0x3FA9]  }
0x31: {  	[smem:$0x3FB2] =	sst s10  }
0x32: {  	s10 =	sld [smem:$0x3FB0];
	_ =	sdelay $0x3  }
0x33: {  	p0 =	seq.s32 s10, $0x1;
	s10 =	sld [smem:$0x3FB2];
	_ =	sdelay $0x3  }
0x34: {  	[smem:$0x3FB2] =	sst s10  }
0x35: {  	s10 =	sld [smem:$0x3FB1];
	_ =	sdelay $0x3  }
0x36: {  	p1 =	seq.s32 s10, $0x1;
	s10 =	sld [smem:$0x3FB2];
	_ =	sdelay $0x3  }
0x37: {  	[smem:$0x3FB2] =	sst s10  }
0x38: {  	s10 =	sld [smem:$0x3FB3]  }
0x39: {  	_ = 	snop;
	(pc) =	sbr.ind lr, $3  }
0x3a: {  	_ = 	snop  }
0x3b: {  	_ = 	snop  }
0x3c: {  	p2 =	seq.s32 s10, $0x1;
	s10 =	sld [smem:$0x3FB2]  }
0x3d: {  	_ =	shalt  }
0x3e: {  	_ =	shalt  }
0x3f: {  	_ =	shalt  }
0x40: {  	_ =	shalt  }
0x41: {  	_ =	shalt  }
0x42: {  	_ =	shalt  }
0x43: {  	_ =	shalt  }
0x44: {  	_ =	shalt  }
0x45: {  	_ =	shalt  }
0x46: {  	_ =	shalt  }
0x47: {  	_ =	shalt  }
0x48: {  	_ =	shalt  }
0x49: {  	_ =	shalt  }
0x4a: {  	_ =	shalt  }
0x4b: {  	_ =	shalt  }
0x4c: {  	_ =	shalt  }
0x4d: {  	_ =	shalt  }
0x4e: {  	_ =	shalt  }
0x4f: {  	_ =	shalt  }
0x50: {  	_ =	shalt  }
0x51: {  	_ =	shalt  }
0x52: {  	_ =	shalt  }
0x53: {  	_ =	shalt  }
0x54: {  	_ =	shalt  }
0x55: {  	_ =	shalt  }
0x56: {  	_ =	shalt  }
0x57: {  	_ =	shalt  }
0x58: {  	_ =	shalt  }
0x59: {  	_ =	shalt  }
0x5a: {  	_ =	shalt  }
0x5b: {  	_ =	shalt  }
0x5c: {  	_ =	shalt  }
0x5d: {  	_ =	shalt  }
0x5e: {  	_ =	shalt  }
0x5f: {  	_ =	shalt  }
0x60: {  	_ =	shalt  }
0x61: {  	_ =	shalt  }
0x62: {  	_ =	shalt  }
0x63: {  	_ =	shalt  }
0x64: {  	_ =	shalt  }
0x65: {  	_ =	shalt  }
0x66: {  	_ =	shalt  }
0x67: {  	_ =	shalt  }
0x68: {  	_ =	shalt  }
0x69: {  	_ =	shalt  }
0x6a: {  	_ =	shalt  }
0x6b: {  	_ =	shalt  }
0x6c: {  	_ =	shalt  }
0x6d: {  	_ =	shalt  }
0x6e: {  	_ =	shalt  }
0x6f: {  	_ =	shalt  }
0x70: {  	_ =	shalt  }
0x71: {  	_ =	shalt  }
0x72: {  	_ =	shalt  }
0x73: {  	_ =	shalt  }
0x74: {  	_ =	shalt  }
0x75: {  	_ =	shalt  }
0x76: {  	_ =	shalt  }
0x77: {  	_ =	shalt  }
0x78: {  	_ =	shalt  }
0x79: {  	_ =	shalt  }
0x7a: {  	_ =	shalt  }
0x7b: {  	_ =	shalt  }
0x7c: {  	_ =	shalt  }
0x7d: {  	_ =	shalt  }
0x7e: {  	_ =	shalt  }
0x7f: {  	_ =	shalt  }
0x80: {  	_ =	shalt  }
0x81: {  	_ =	shalt  }
0x82: {  	_ =	shalt  }
0x83: {  	_ =	shalt  }
0x84: {  	_ =	shalt  }
0x85: {  	_ =	shalt  }
0x86: {  	_ =	shalt  }
0x87: {  	_ =	shalt  }
.Lfunc_end0:
.L_simem_size_0:
called_computation.1_lowered:
.L_overlay_start_0:
0x88: {  	s2 =	sld [smem:$0x3FD9]  }
0x89: {  	s3 =	sld [smem:$0x3FFE];
	_ =	sdelay $0x1  }
0x8a: {  	s1 =	srdreg.scid  }
0x8b: {  	s0 =	sand.u32 $0x1, s1  }
0x8c: {  	s16 =	sshll.u32 s0, $0xA;
	s2 =	sadd.s32 s3, s2  }
0x8d: {  	s2 =	sadd.s32 s2, s16  }
0x8e: {  	[smem:$0x3FBE] =	sst s2  }
0x8f: {  	_ = 	snop  }
0x90: {  	(tm) =	ssettm $0x1  }
0x91: {  	s17 =	sld [smem:$0x3FFB];
	_ =	sdelay $0x3  }
0x92: {  	_ =	strace s17  }
0x93: {  	s2 =	sld [smem:$0x3FFC];
	_ =	sdelay $0x3  }
0x94: {  	_ =	strace s2  }
0x95: {  	s2 =	sld [smem:$0x3FFD];
	_ =	sdelay $0x3  }
0x96: {  	_ =	strace s2  }
0x97: {  	_ =	strace $0x8FFFFFFF  }
0x98: {  	s18 =	sld [smem:$0x3FDB];
	_ =	sdelay $0x1  }
0x99: {  	s19 =	simm.s32 $_scs_section_size  }
0x9a: {  	s4 =	simm.s32 $_size__tile_overlayer_lowered;
	s5 =	simm.s32 $_tile_overlayer_lowered  }
0x9b: {  	s22 =	simm.s32 $0x1BFF;
	s21 =	sshll.u32 s5, $0x1;
	s2 =	sadd.s32 s19, s18  }
0x9c: {  	s6 =	simm.s32 $0x0;
	s20 =	sshll.u32 s4, $0x1;
	s4 =	sadd.s32 s21, s2  }
0x9d: {  	[timem:s6], [sflag:s22] =	dma.local [hbm:s4], s20  }
0x9e: {  	_ =	swait.ge [sflag:s22], s20  }
0x9f: {  	s3 =	ssub.s32 $0x0, s20;
	[sflag:s22] =	ssyncset.done $0x0  }
0xa0: {  	[sflag:s22] =	ssyncadd.s32 s3;
	_ =	sdelay $0x1  }
0xa1: {  	s23 =	simm.s32 $0x1B8B  }
0xa2: {  	_ =	swait.ge [sflag:s23], $0x1  }
0xa3: {  	[sflag:s23] =	ssyncset.done $0x0  }
0xa4: {  	s25 =	simm.s32 $0x1B8E;
	s24 =	sld [smem:$0x3FFE];
	[sflag:s23] =	ssyncadd.s32 $0xFFFFFFFF  }
0xa5: {  	s26 =	simm.s32 $execute0_lowered;
	[smem:$0x3FD2] =	sst s25  }
0xa6: {  	s4 =	sshll.u32 s26, $0x1;
	_ =	strace $0x80000049;
	[dreg:$0x1] =	wrdreg $0xFFFFFFFF  }
0xa7: {  	s28 =	simm.s32 $_size_execute0_lowered;
	s2 =	sadd.s32 s2, s4;
	[dreg:$0x0] =	wrdreg $0x0  }
0xa8: {  	s4 =	sshll.u32 s28, $0x1;
	[dreg:$0x2] =	wrdreg s2  }
0xa9: {  	[dreg:$0x3] =	wrdreg s4  }
0xaa: {  	[dreg:$0x4] =	wrdreg $0xC0  }
0xab: {  	_ =	task [dreg:s6], $0x5FFFF  }
0xac: {  	[dreg:$0x1] =	wrdreg $0xFFFFFFFF  }
0xad: {  	[dreg:$0x0] =	wrdreg $0x60  }
0xae: {  	[dreg:$0x2] =	wrdreg s24  }
0xaf: {  	[dreg:$0x3] =	wrdreg $0x0  }
0xb0: {  	[dreg:$0x4] =	wrdreg $0x9  }
0xb1: {  	_ =	task.clear_ibuf [dreg:s6], $0x5FFFF;
	_ =	strace $0x90000049  }
0xb2: {  	s29 =	simm.s32 $0x9;
	_ =	strace $0x8000004B  }
0xb3: {  	_ =	swait.ge [sflag:s29], $0x1  }
0xb4: {  	[sflag:s29] =	ssyncadd.s32 $0xFFFFFFFF  }
0xb5: {  	_ =	strace $0x9000004B  }
0xb6: {  	_ =	sfence  }
0xb7: {  	s30 =	sld [smem:$0x0];
	_ =	sdelay $0x2  }
0xb8: {  	s31 =	sshll.u32 s1, $0xD;
	s1 =	sshrl.u32 s1, $0x2  }
0xb9: {  	s3 =	sand.u32 $0x4000, s31;
	s1 =	sadd.s32 s1, s30  }
0xba: {  	s0 =	sor.u32 s3, s0;
	s1 =	sshll.u32 s1, $0x11  }
0xbb: {  	s0 =	sor.u32 s1, s0  }
0xbc: {  	s0 =	sadd.s32 $0x8F2B, s0  }
0xbd: {  	[sflag:s0] =	ssyncadd.remote.s32 $0x1  }
0xbe: {  	_ =	sfence.sel $0xFFFF  }
0xbf: {  	[dreg:$0x0] =	wrdreg $0xFFFFFFFF;
	(pc) =	sbr.abs _section_cstart, $3  }
0xc0: {  	[dreg:$0x1] =	wrdreg $0xFFFFFFFF  }
0xc1: {  	_ =	task.clear_ibuf [dreg:s6], $0x2FFFF;
	_ =	strace $0x9FFFFFFF  }
0xc2: {  	(tm) =	ssettm $0x7FFFFFFF  }
0xc3: {  	_ =	shalt  }
tec
execute0_lowered:
.L_overlay_start_1:
0x0: {  	(tag) =	ssettag $0x1  }
0x1: {  	s0 =	rddreg [dreg:$0x0]  }
0x2: {  	s1 =	rddreg [dreg:$0x1];
	s2 =	simm.s32 $0x0  }
0x3: {  	s13 =	srdreg.scid;
	s11 =	stileid.u32;
	s28 =	simm.s32 $0x3  }
0x4: {  	s29 =	simm.s32 $0x3680;
	s30 =	simm.s32 $0x200;
	s31 =	simm.s32 $0x2A80  }
0x5: {  	[smem:$0x7FF] =	sst s2;
	s4 =	sadd.s32 $0x69600, s0;
	s5 =	sadd.s32 $0x73600, s0  }
0x6: {  	s2 =	sand.u32 $0x1, s13;
	s3 =	smul.u32 $0x500, s11;
	s6 =	sadd.s32 $0x2200, s0  }
0x7: {  	s7 =	sshll.u32 s11, $0x1;
	s16 =	smul.u32 $0xA00, s11;
	s9 =	sadd.s32 $0x16200, s0  }
0x8: {  	s19 =	sshll.u32 s11, $0x6;
	s20 =	smul.u32 $0x280, s11;
	s11 =	simm.s32 $0x8  }
0x9: {  	_ =	strace $0x8000004A;
	[dreg:$0x3] =	wrdreg s6;
	s14 =	sshll.u32 s2, $0x7  }
0xa: {  	s15 =	sor.u32 s2, s7;
	s8 =	ssub.s32 $0x2, s2;
	[dreg:$0x4] =	wrdreg s9  }
0xb: {  	s10 =	sshll.u32 s2, $0x9;
	s12 =	sor.u32 $0x1C0B, s19;
	s22 =	smul.u32 $0x140, s2  }
0xc: {  	s2 =	smul.u32 $0x500, s2;
	s19 =	simm.s32 $0x280;
	s7 =	simm.s32 $0x5  }
0xd: {  	s3 =	sor.u32 s14, s3;
	s6 =	smul.u32 $0x2800, s15;
	s17 =	sshrl.u32 s8, $0x1  }
0xe: {  	s18 =	sshrl.u32 s16, $0x2;
	s14 =	simm.s32 $0xB;
	[dreg:$0x5] =	wrdreg s12  }
0xf: {  	s3 =	sshrl.u32 s3, $0x3;
	s9 =	sadd.s32 s18, s1;
	s15 =	sadd.s32 s22, s20  }
0x10: {  	s26 =	sadd.s32 s2, s16;
	s20 =	simm.s32 $0x80;
	s2 =	simm.s32 $0x3880  }
0x11: {  	s16 =	simm.s32 $0x0;
	s0 =	sadd.s32 s3, s0;
	s6 =	sand.u32 $0x7F000, s6  }
0x12: {  	s3 =	ssub.s32 s8, s17;
	[dreg:$0xc] =	wrdreg s26;
	s13 =	sshrl.u32 s9, $0x3  }
0x13: {  	s26 =	simm.s32 $0x1;
	s9 =	simm.s32 $0x7;
	s6 =	sor.u32 s10, s6  }
0x14: {  	s0 =	sadd.s32 $0x2800, s0;
	s25 =	smax.u32 s3, $0x1;
	[dreg:$0xd] =	wrdreg s13  }
0x15: {  	s3 =	simm.s32 $0x4;
	s10 =	simm.s32 $0x6;
	[dreg:$0xa] =	wrdreg s0  }
0x16: {  	s6 =	sshrl.u32 s6, $0x3;
	[dreg:$0xb] =	wrdreg s25;
	s25 =	simm.s32 $0x3480  }
.Ltmp0:
0x17: {  	s0 =	simm.s32 $0x2;
	s21 =	sadd.s32 s4, s6;
	(pc) =	sbr.rel .LBB2_1-.Ltmp0, $4  }
0x18: {  	s23 =	sadd.s32 s5, s6;
	s6 =	sor.u32 $0x10, s6;
	[dreg:$0x6] =	wrdreg s21  }
0x19: {  	[dreg:$0x7] =	wrdreg s23;
	s24 =	sadd.s32 s4, s6;
	s6 =	sadd.s32 s5, s6  }
0x1a: {  	s21 =	simm.s32 $0x400;
	s23 =	simm.s32 $0x3280;
	[dreg:$0x8] =	wrdreg s24  }
0x1b: {  	[dreg:$0x9] =	wrdreg s6;
	s24 =	simm.s32 $0x3080;
	s6 =	simm.s32 $0x2C80  }
.LBB2_4:
0x1c: {  	[spmem:s1] =	stream.indirect.scatter.add.f32 [tilespmem:s6], [sflag:$0xA], $0x1, s2, s30, $0xb8;
	[tilespmem:$0x3A80] =	vst v63  }
0x1d: {  	s8 =	simm.s32 $0x9  }
0x1e: {  	_ =	swait.ge [sflag:s8], $0x200  }
0x1f: {  	[sflag:s8] =	ssyncset.done $0x0  }
0x20: {  	s16 =	simm.s32 $0xA;
	[sflag:s8] =	ssyncadd.s32 $0xFFFFFE00  }
0x21: {  	_ =	swait.ge [sflag:s16], $0x200  }
0x22: {  	[sflag:s16] =	ssyncset.done $0x0  }
0x23: {  	[sflag:s16] =	ssyncadd.s32 $0xFFFFFE00  }
0x24: {  	[bflag:$0x0] =	sbarrier.arrive $0xFFFF  }
0x25: {  	s12 =	rddreg [dreg:$0x5]  }
0x26: {  	s17 =	rddreg [dreg:$0xa]  }
0x27: {  	s14 =	simm.s32 $0x20;
	s16 =	simm.s32 $0x10;
	s13 =	rddreg [dreg:$0xd]  }
0x28: {  	[hbm:s17@s14], [sflag:s12] =	dma.strided [spmem:s13@s16], $0x50, s26, $0x10   }
0x29: {  	s14 =	simm.s32 $0xB  }
0x2a: {  	_ =	swait.ge [sflag:s14], $0x50  }
0x2b: {  	s18 =	rddreg [dreg:$0xe]  }
0x2c: {  	s22 =	rddreg [dreg:$0xb];
	s16 =	sadd.s32 $0x1, s18  }
0x2d: {  	p0 =	sne.s32 s16, s22  }
.Ltmp1:
0x2e: {  	_ = 	snop;
	(pc) =	sbr.rel @!p0 .LBB2_5-.Ltmp1, $3  }
0x2f: {  	_ =	sdelay $0x1  }
0x30: {  	[sflag:s14] =	ssyncset.done $0x0  }
0x31: {  	[sflag:s14] =	ssyncadd.s32 $0xFFFFFFB0  }
.LBB2_1:
0x32: {  	[dreg:$0xe] =	wrdreg s16  }
0x33: {  	s8 =	rddreg [dreg:$0x4]  }
0x34: {  	[spmem:s13], [sflag:s12] =	dma.local [hbm:s8], $0x50  }
0x35: {  	_ =	swait.ge [sflag:s14], $0x50  }
0x36: {  	[sflag:s14] =	ssyncset.done $0x0  }
0x37: {  	s12 =	simm.s32 $0x0;
	s13 =	rddreg [dreg:$0x3];
	[sflag:s14] =	ssyncadd.s32 $0xFFFFFFB0  }
0x38: {  	[tilespmem:s19], [sflag:$0xB] =	stream.linear.gather [hbm4b:s13+s12], $0x2800, $0x38;
	[tilespmem:$0x3A80] =	vst v63  }
0x39: {  	_ =	swait.ge [sflag:s14], $0x2800  }
0x3a: {  	[sflag:s14] =	ssyncset.done $0x0  }
0x3b: {  	s16 =	simm.s32 $0x2E80;
	[sflag:s14] =	ssyncadd.s32 $0xFFFFD800;
	s14 =	rddreg [dreg:$0x6]  }
0x3c: {  	[tilespmem:s16], [sflag:$0x1] =	stream.strided.gather [hbm4b:s14+s20], $0x200, s21, s20, $0x38;
	[tilespmem:$0x3A80] =	vst v63  }
0x3d: {  	s17 =	rddreg [dreg:$0x7]  }
0x3e: {  	[tilespmem:s23], [sflag:$0x3] =	stream.strided.gather [hbm4b:s17+s20], $0x200, s21, s20, $0x38;
	[tilespmem:$0x3A80] =	vst v63  }
0x3f: {  	s18 =	rddreg [dreg:$0x8]  }
0x40: {  	[tilespmem:s24], [sflag:$0x2] =	stream.strided.gather [hbm4b:s18+s20], $0x200, s21, s20, $0x38;
	[tilespmem:$0x3A80] =	vst v63  }
0x41: {  	s22 =	rddreg [dreg:$0x9]  }
0x42: {  	[tilespmem:s25], [sflag:$0x4] =	stream.strided.gather [hbm4b:s22+s20], $0x200, s21, s20, $0x38;
	[tilespmem:$0x3A80] =	vst v63  }
0x43: {  	[bflag:$0x0] =	sbarrier.arrive $0xFFFF  }
0x44: {  	s12 =	simm.s32 $0x0;
	s16 =	rddreg [dreg:$0xc]  }
.LBB2_2:
0x45: {  	_ =	swait.ge [sflag:s26], $0x200  }
0x46: {  	[sflag:s26] =	ssyncset.done $0x0  }
0x47: {  	[sflag:s26] =	ssyncadd.s32 $0xFFFFFE00  }
0x48: {  	_ =	swait.ge [sflag:s28], $0x200  }
0x49: {  	p0 =	seq.s32 s12, $0x0;
	[sflag:s28] =	ssyncset.done $0x0  }
0x4a: {  	s13 =	simm.s32 @!p0 $0x9;
	[sflag:s28] =	ssyncadd.s32 $0xFFFFFE00  }
0x4b: {  	_ =	swait.ge @!p0 [sflag:s13], $0x200  }
0x4c: {  	[sflag:s13] =	ssyncset.done @!p0 $0x0  }
0x4d: {  	[sflag:s13] =	ssyncadd.s32 @!p0 $0xFFFFFE00  }
0x4e: {  	v0 =	vld [tilespmem:$0x2E80];
	_ =	sdelay $0x5  }
0x4f: {  	v1 =	vld [tilespmem:$0x2E90];
	_ =	sdelay $0x1  }
0x50: {  	v0 =	vld.idx.msk [tilespmem:v0+s19+$0x0], $0xffff;
	_ =	sdelay $0x3  }
0x51: {  	v2 =	vld [tilespmem:$0x2EA0]  }
0x52: {  	[tilespmem:$0x2A80] =	vst v0  }
0x53: {  	v0 =	vld.idx.msk [tilespmem:v1+s19+$0x0], $0xffff;
	_ =	sdelay $0x3  }
0x54: {  	v59 =	vld [tilespmem:$0x2EB0]  }
0x55: {  	[tilespmem:$0x2A90] =	vst v0  }
0x56: {  	v0 =	vld.idx.msk [tilespmem:v2+s19+$0x0], $0xffff;
	_ =	sdelay $0x3  }
0x57: {  	v60 =	vld [tilespmem:$0x2EC0]  }
0x58: {  	[tilespmem:$0x2AA0] =	vst v0  }
0x59: {  	v0 =	vld.idx.msk [tilespmem:v59+s19+$0x0], $0xffff;
	_ =	sdelay $0x3  }
0x5a: {  	v61 =	vld [tilespmem:$0x2ED0]  }
0x5b: {  	[tilespmem:$0x2AB0] =	vst v0  }
0x5c: {  	v0 =	vld.idx.msk [tilespmem:v60+s19+$0x0], $0xffff;
	_ =	sdelay $0x3  }
0x5d: {  	v62 =	vld [tilespmem:$0x2EE0]  }
0x5e: {  	[tilespmem:$0x2AC0] =	vst v0  }
0x5f: {  	v0 =	vld.idx.msk [tilespmem:v61+s19+$0x0], $0xffff;
	_ =	sdelay $0x3  }
0x60: {  	v63 =	vld [tilespmem:$0x2EF0]  }
0x61: {  	[tilespmem:$0x2AD0] =	vst v0  }
0x62: {  	v0 =	vld.idx.msk [tilespmem:v62+s19+$0x0], $0xffff;
	_ =	sdelay $0x3  }
0x63: {  	v4 =	vld [tilespmem:$0x2F00]  }
0x64: {  	[tilespmem:$0x2AE0] =	vst v0  }
0x65: {  	v0 =	vld.idx.msk [tilespmem:v63+s19+$0x0], $0xffff;
	_ =	sdelay $0x3  }
0x66: {  	v5 =	vld [tilespmem:$0x2F10]  }
0x67: {  	[tilespmem:$0x2AF0] =	vst v0  }
0x68: {  	v0 =	vld.idx.msk [tilespmem:v4+s19+$0x0], $0xffff;
	_ =	sdelay $0x3  }
0x69: {  	v6 =	vld [tilespmem:$0x2F20]  }
0x6a: {  	[tilespmem:$0x2B00] =	vst v0  }
0x6b: {  	v0 =	vld.idx.msk [tilespmem:v5+s19+$0x0], $0xffff;
	_ =	sdelay $0x3  }
0x6c: {  	v7 =	vld [tilespmem:$0x2F30]  }
0x6d: {  	[tilespmem:$0x2B10] =	vst v0  }
0x6e: {  	v0 =	vld.idx.msk [tilespmem:v6+s19+$0x0], $0xffff;
	_ =	sdelay $0x3  }
0x6f: {  	v8 =	vld [tilespmem:$0x2F40]  }
0x70: {  	[tilespmem:$0x2B20] =	vst v0  }
0x71: {  	v0 =	vld.idx.msk [tilespmem:v7+s19+$0x0], $0xffff;
	_ =	sdelay $0x3  }
0x72: {  	v9 =	vld [tilespmem:$0x2F50]  }
0x73: {  	[tilespmem:$0x2B30] =	vst v0  }
0x74: {  	v0 =	vld.idx.msk [tilespmem:v8+s19+$0x0], $0xffff;
	_ =	sdelay $0x3  }
0x75: {  	v10 =	vld [tilespmem:$0x2F60]  }
0x76: {  	[tilespmem:$0x2B40] =	vst v0  }
0x77: {  	v0 =	vld.idx.msk [tilespmem:v9+s19+$0x0], $0xffff;
	_ =	sdelay $0x3  }
0x78: {  	v11 =	vld [tilespmem:$0x2F70]  }
0x79: {  	[tilespmem:$0x2B50] =	vst v0  }
0x7a: {  	v0 =	vld.idx.msk [tilespmem:v10+s19+$0x0], $0xffff;
	_ =	sdelay $0x3  }
0x7b: {  	v12 =	vld [tilespmem:$0x2F80]  }
0x7c: {  	[tilespmem:$0x2B60] =	vst v0  }
0x7d: {  	v0 =	vld.idx.msk [tilespmem:v11+s19+$0x0], $0xffff;
	_ =	sdelay $0x3  }
0x7e: {  	v13 =	vld [tilespmem:$0x2F90]  }
0x7f: {  	[tilespmem:$0x2B70] =	vst v0  }
0x80: {  	v0 =	vld.idx.msk [tilespmem:v12+s19+$0x0], $0xffff;
	_ =	sdelay $0x3  }
0x81: {  	v14 =	vld [tilespmem:$0x2FA0]  }
0x82: {  	[tilespmem:$0x2B80] =	vst v0  }
0x83: {  	v0 =	vld.idx.msk [tilespmem:v13+s19+$0x0], $0xffff;
	_ =	sdelay $0x3  }
0x84: {  	v15 =	vld [tilespmem:$0x2FB0]  }
0x85: {  	[tilespmem:$0x2B90] =	vst v0  }
0x86: {  	v0 =	vld.idx.msk [tilespmem:v14+s19+$0x0], $0xffff;
	_ =	sdelay $0x3  }
0x87: {  	v16 =	vld [tilespmem:$0x2FC0]  }
0x88: {  	[tilespmem:$0x2BA0] =	vst v0  }
0x89: {  	v0 =	vld.idx.msk [tilespmem:v15+s19+$0x0], $0xffff;
	_ =	sdelay $0x3  }
0x8a: {  	v17 =	vld [tilespmem:$0x2FD0]  }
0x8b: {  	[tilespmem:$0x2BB0] =	vst v0  }
0x8c: {  	v0 =	vld.idx.msk [tilespmem:v16+s19+$0x0], $0xffff;
	_ =	sdelay $0x3  }
0x8d: {  	v18 =	vld [tilespmem:$0x2FE0]  }
0x8e: {  	[tilespmem:$0x2BC0] =	vst v0  }
0x8f: {  	v0 =	vld.idx.msk [tilespmem:v17+s19+$0x0], $0xffff;
	_ =	sdelay $0x3  }
0x90: {  	v19 =	vld [tilespmem:$0x2FF0]  }
0x91: {  	[tilespmem:$0x2BD0] =	vst v0  }
0x92: {  	v0 =	vld.idx.msk [tilespmem:v18+s19+$0x0], $0xffff;
	_ =	sdelay $0x3  }
0x93: {  	v20 =	vld [tilespmem:$0x3000]  }
0x94: {  	[tilespmem:$0x2BE0] =	vst v0  }
0x95: {  	v0 =	vld.idx.msk [tilespmem:v19+s19+$0x0], $0xffff;
	_ =	sdelay $0x3  }
0x96: {  	v21 =	vld [tilespmem:$0x3010]  }
0x97: {  	[tilespmem:$0x2BF0] =	vst v0  }
0x98: {  	v0 =	vld.idx.msk [tilespmem:v20+s19+$0x0], $0xffff;
	_ =	sdelay $0x3  }
0x99: {  	v22 =	vld [tilespmem:$0x3020]  }
0x9a: {  	[tilespmem:$0x2C00] =	vst v0  }
0x9b: {  	v0 =	vld.idx.msk [tilespmem:v21+s19+$0x0], $0xffff;
	_ =	sdelay $0x3  }
0x9c: {  	v23 =	vld [tilespmem:$0x3030]  }
0x9d: {  	[tilespmem:$0x2C10] =	vst v0  }
0x9e: {  	v0 =	vld.idx.msk [tilespmem:v22+s19+$0x0], $0xffff;
	_ =	sdelay $0x3  }
0x9f: {  	v24 =	vld [tilespmem:$0x3040]  }
0xa0: {  	[tilespmem:$0x2C20] =	vst v0  }
0xa1: {  	v0 =	vld.idx.msk [tilespmem:v23+s19+$0x0], $0xffff;
	_ =	sdelay $0x3  }
0xa2: {  	v25 =	vld [tilespmem:$0x3050]  }
0xa3: {  	[tilespmem:$0x2C30] =	vst v0  }
0xa4: {  	v0 =	vld.idx.msk [tilespmem:v24+s19+$0x0], $0xffff;
	_ =	sdelay $0x3  }
0xa5: {  	v26 =	vld [tilespmem:$0x3060]  }
0xa6: {  	[tilespmem:$0x2C40] =	vst v0  }
0xa7: {  	v0 =	vld.idx.msk [tilespmem:v25+s19+$0x0], $0xffff;
	_ =	sdelay $0x3  }
0xa8: {  	v27 =	vld [tilespmem:$0x3070]  }
0xa9: {  	[tilespmem:$0x2C50] =	vst v0  }
0xaa: {  	v0 =	vld.idx.msk [tilespmem:v26+s19+$0x0], $0xffff;
	_ =	sdelay $0x4  }
0xab: {  	[tilespmem:$0x2C60] =	vst v0  }
0xac: {  	v0 =	vld.idx.msk [tilespmem:v27+s19+$0x0], $0xffff  }
0xad: {  	s13 =	sadd.s32 s12, s15  }
0xae: {  	s8 =	sadd.s32 $0x80, s16;
	s17 =	sadd.s32 $0x20, s13  }
0xaf: {  	s8 =	sand.u32 $0xFFFFE00, s8;
	s17 =	sand.u32 $0x60, s17  }
0xb0: {  	s8 =	sor.u32 s17, s8  }
0xb1: {  	s14 =	simm.s32 $0x2E80;
	s17 =	sadd.s32 s4, s8;
	[tilespmem:$0x2C70] =	vst v0  }
0xb2: {  	[tilespmem:s14], [sflag:$0x1] =	stream.strided.gather [hbm4b:s17+s20], $0x200, s21, s20, $0x38;
	[tilespmem:$0x3A80] =	vst v63  }
0xb3: {  	s8 =	sadd.s32 s5, s8  }
0xb4: {  	[tilespmem:s29], [sflag:$0x5] =	stream.strided.gather [hbm4b:s8+s20], $0x200, s21, s20, $0x38;
	[tilespmem:$0x3A80] =	vst v63  }
0xb5: {  	_ = 	snop  }
0xb6: {  	[spmem:s1] =	stream.indirect.scatter.add.f32 [tilespmem:s31], [sflag:$0x7], $0x1, s23, s30, $0xb8;
	[tilespmem:$0x3A80] =	vst v63  }
0xb7: {  	_ =	swait.ge [sflag:s0], $0x200  }
0xb8: {  	[sflag:s0] =	ssyncset.done $0x0  }
0xb9: {  	[sflag:s0] =	ssyncadd.s32 $0xFFFFFE00  }
0xba: {  	_ =	swait.ge [sflag:s3], $0x200  }
0xbb: {  	[sflag:s3] =	ssyncset.done $0x0  }
0xbc: {  	s8 =	simm.s32 @!p0 $0xA;
	[sflag:s3] =	ssyncadd.s32 $0xFFFFFE00  }
0xbd: {  	_ =	swait.ge @!p0 [sflag:s8], $0x200  }
0xbe: {  	[sflag:s8] =	ssyncset.done @!p0 $0x0  }
0xbf: {  	[sflag:s8] =	ssyncadd.s32 @!p0 $0xFFFFFE00  }
0xc0: {  	v28 =	vld [tilespmem:$0x3080];
	_ =	sdelay $0x5  }
0xc1: {  	v29 =	vld [tilespmem:$0x3090];
	_ =	sdelay $0x1  }
0xc2: {  	v0 =	vld.idx.msk [tilespmem:v28+s19+$0x0], $0xffff;
	_ =	sdelay $0x3  }
0xc3: {  	v30 =	vld [tilespmem:$0x30A0]  }
0xc4: {  	[tilespmem:$0x2C80] =	vst v0  }
0xc5: {  	v0 =	vld.idx.msk [tilespmem:v29+s19+$0x0], $0xffff;
	_ =	sdelay $0x3  }
0xc6: {  	v31 =	vld [tilespmem:$0x30B0]  }
0xc7: {  	[tilespmem:$0x2C90] =	vst v0  }
0xc8: {  	v0 =	vld.idx.msk [tilespmem:v30+s19+$0x0], $0xffff;
	_ =	sdelay $0x3  }
0xc9: {  	v32 =	vld [tilespmem:$0x30C0]  }
0xca: {  	[tilespmem:$0x2CA0] =	vst v0  }
0xcb: {  	v0 =	vld.idx.msk [tilespmem:v31+s19+$0x0], $0xffff;
	_ =	sdelay $0x3  }
0xcc: {  	v33 =	vld [tilespmem:$0x30D0]  }
0xcd: {  	[tilespmem:$0x2CB0] =	vst v0  }
0xce: {  	v0 =	vld.idx.msk [tilespmem:v32+s19+$0x0], $0xffff;
	_ =	sdelay $0x3  }
0xcf: {  	v34 =	vld [tilespmem:$0x30E0]  }
0xd0: {  	[tilespmem:$0x2CC0] =	vst v0  }
0xd1: {  	v0 =	vld.idx.msk [tilespmem:v33+s19+$0x0], $0xffff;
	_ =	sdelay $0x3  }
0xd2: {  	v35 =	vld [tilespmem:$0x30F0]  }
0xd3: {  	[tilespmem:$0x2CD0] =	vst v0  }
0xd4: {  	v0 =	vld.idx.msk [tilespmem:v34+s19+$0x0], $0xffff;
	_ =	sdelay $0x3  }
0xd5: {  	v36 =	vld [tilespmem:$0x3100]  }
0xd6: {  	[tilespmem:$0x2CE0] =	vst v0  }
0xd7: {  	v0 =	vld.idx.msk [tilespmem:v35+s19+$0x0], $0xffff;
	_ =	sdelay $0x3  }
0xd8: {  	v37 =	vld [tilespmem:$0x3110]  }
0xd9: {  	[tilespmem:$0x2CF0] =	vst v0  }
0xda: {  	v0 =	vld.idx.msk [tilespmem:v36+s19+$0x0], $0xffff;
	_ =	sdelay $0x3  }
0xdb: {  	v38 =	vld [tilespmem:$0x3120]  }
0xdc: {  	[tilespmem:$0x2D00] =	vst v0  }
0xdd: {  	v0 =	vld.idx.msk [tilespmem:v37+s19+$0x0], $0xffff;
	_ =	sdelay $0x3  }
0xde: {  	v39 =	vld [tilespmem:$0x3130]  }
0xdf: {  	[tilespmem:$0x2D10] =	vst v0  }
0xe0: {  	v0 =	vld.idx.msk [tilespmem:v38+s19+$0x0], $0xffff;
	_ =	sdelay $0x3  }
0xe1: {  	v40 =	vld [tilespmem:$0x3140]  }
0xe2: {  	[tilespmem:$0x2D20] =	vst v0  }
0xe3: {  	v0 =	vld.idx.msk [tilespmem:v39+s19+$0x0], $0xffff;
	_ =	sdelay $0x3  }
0xe4: {  	v41 =	vld [tilespmem:$0x3150]  }
0xe5: {  	[tilespmem:$0x2D30] =	vst v0  }
0xe6: {  	v0 =	vld.idx.msk [tilespmem:v40+s19+$0x0], $0xffff;
	_ =	sdelay $0x3  }
0xe7: {  	v42 =	vld [tilespmem:$0x3160]  }
0xe8: {  	[tilespmem:$0x2D40] =	vst v0  }
0xe9: {  	v0 =	vld.idx.msk [tilespmem:v41+s19+$0x0], $0xffff;
	_ =	sdelay $0x3  }
0xea: {  	v43 =	vld [tilespmem:$0x3170]  }
0xeb: {  	[tilespmem:$0x2D50] =	vst v0  }
0xec: {  	v0 =	vld.idx.msk [tilespmem:v42+s19+$0x0], $0xffff;
	_ =	sdelay $0x3  }
0xed: {  	v44 =	vld [tilespmem:$0x3180]  }
0xee: {  	[tilespmem:$0x2D60] =	vst v0  }
0xef: {  	v0 =	vld.idx.msk [tilespmem:v43+s19+$0x0], $0xffff;
	_ =	sdelay $0x3  }
0xf0: {  	v45 =	vld [tilespmem:$0x3190]  }
0xf1: {  	[tilespmem:$0x2D70] =	vst v0  }
0xf2: {  	v0 =	vld.idx.msk [tilespmem:v44+s19+$0x0], $0xffff;
	_ =	sdelay $0x3  }
0xf3: {  	v46 =	vld [tilespmem:$0x31A0]  }
0xf4: {  	[tilespmem:$0x2D80] =	vst v0  }
0xf5: {  	v0 =	vld.idx.msk [tilespmem:v45+s19+$0x0], $0xffff;
	_ =	sdelay $0x3  }
0xf6: {  	v47 =	vld [tilespmem:$0x31B0]  }
0xf7: {  	[tilespmem:$0x2D90] =	vst v0  }
0xf8: {  	v0 =	vld.idx.msk [tilespmem:v46+s19+$0x0], $0xffff;
	_ =	sdelay $0x3  }
0xf9: {  	v48 =	vld [tilespmem:$0x31C0]  }
0xfa: {  	[tilespmem:$0x2DA0] =	vst v0  }
0xfb: {  	v0 =	vld.idx.msk [tilespmem:v47+s19+$0x0], $0xffff;
	_ =	sdelay $0x3  }
0xfc: {  	v49 =	vld [tilespmem:$0x31D0]  }
0xfd: {  	[tilespmem:$0x2DB0] =	vst v0  }
0xfe: {  	v0 =	vld.idx.msk [tilespmem:v48+s19+$0x0], $0xffff;
	_ =	sdelay $0x3  }
0xff: {  	v50 =	vld [tilespmem:$0x31E0]  }
0x100: {  	[tilespmem:$0x2DC0] =	vst v0  }
0x101: {  	v0 =	vld.idx.msk [tilespmem:v49+s19+$0x0], $0xffff;
	_ =	sdelay $0x3  }
0x102: {  	v51 =	vld [tilespmem:$0x31F0]  }
0x103: {  	[tilespmem:$0x2DD0] =	vst v0  }
0x104: {  	v0 =	vld.idx.msk [tilespmem:v50+s19+$0x0], $0xffff;
	_ =	sdelay $0x3  }
0x105: {  	v52 =	vld [tilespmem:$0x3200]  }
0x106: {  	[tilespmem:$0x2DE0] =	vst v0  }
0x107: {  	v0 =	vld.idx.msk [tilespmem:v51+s19+$0x0], $0xffff;
	_ =	sdelay $0x3  }
0x108: {  	v53 =	vld [tilespmem:$0x3210]  }
0x109: {  	[tilespmem:$0x2DF0] =	vst v0  }
0x10a: {  	v0 =	vld.idx.msk [tilespmem:v52+s19+$0x0], $0xffff;
	_ =	sdelay $0x3  }
0x10b: {  	v54 =	vld [tilespmem:$0x3220]  }
0x10c: {  	[tilespmem:$0x2E00] =	vst v0  }
0x10d: {  	v0 =	vld.idx.msk [tilespmem:v53+s19+$0x0], $0xffff;
	_ =	sdelay $0x3  }
0x10e: {  	v55 =	vld [tilespmem:$0x3230]  }
0x10f: {  	[tilespmem:$0x2E10] =	vst v0  }
0x110: {  	v0 =	vld.idx.msk [tilespmem:v54+s19+$0x0], $0xffff;
	_ =	sdelay $0x3  }
0x111: {  	v56 =	vld [tilespmem:$0x3240]  }
0x112: {  	[tilespmem:$0x2E20] =	vst v0  }
0x113: {  	v0 =	vld.idx.msk [tilespmem:v55+s19+$0x0], $0xffff;
	_ =	sdelay $0x3  }
0x114: {  	v57 =	vld [tilespmem:$0x3250]  }
0x115: {  	[tilespmem:$0x2E30] =	vst v0  }
0x116: {  	v0 =	vld.idx.msk [tilespmem:v56+s19+$0x0], $0xffff;
	_ =	sdelay $0x3  }
0x117: {  	v58 =	vld [tilespmem:$0x3260]  }
0x118: {  	[tilespmem:$0x2E40] =	vst v0  }
0x119: {  	v0 =	vld.idx.msk [tilespmem:v57+s19+$0x0], $0xffff;
	_ =	sdelay $0x3  }
0x11a: {  	v59 =	vld [tilespmem:$0x3270]  }
0x11b: {  	[tilespmem:$0x2E50] =	vst v0  }
0x11c: {  	v0 =	vld.idx.msk [tilespmem:v58+s19+$0x0], $0xffff;
	_ =	sdelay $0x4  }
0x11d: {  	[tilespmem:$0x2E60] =	vst v0  }
0x11e: {  	v0 =	vld.idx.msk [tilespmem:v59+s19+$0x0], $0xffff;
	_ =	sdelay $0x1  }
0x11f: {  	s18 =	sadd.s32 $0xC0, s16;
	s22 =	sadd.s32 $0x30, s13  }
0x120: {  	s17 =	sand.u32 $0x70, s22;
	s8 =	sand.u32 $0xFFFFE00, s18  }
0x121: {  	s8 =	sor.u32 s17, s8  }
0x122: {  	s17 =	sadd.s32 s4, s8;
	[tilespmem:$0x2E70] =	vst v0  }
0x123: {  	[tilespmem:s24], [sflag:$0x2] =	stream.strided.gather [hbm4b:s17+s20], $0x200, s21, s20, $0x38;
	[tilespmem:$0x3A80] =	vst v63  }
0x124: {  	s8 =	sadd.s32 s5, s8  }
0x125: {  	[tilespmem:s2], [sflag:$0x6] =	stream.strided.gather [hbm4b:s8+s20], $0x200, s21, s20, $0x38;
	[tilespmem:$0x3A80] =	vst v63  }
0x126: {  	_ = 	snop  }
0x127: {  	[spmem:s1] =	stream.indirect.scatter.add.f32 [tilespmem:s6], [sflag:$0x8], $0x1, s25, s30, $0xb8;
	[tilespmem:$0x3A80] =	vst v63  }
0x128: {  	_ =	swait.ge [sflag:s26], $0x200  }
0x129: {  	[sflag:s26] =	ssyncset.done $0x0  }
0x12a: {  	[sflag:s26] =	ssyncadd.s32 $0xFFFFFE00  }
0x12b: {  	_ =	swait.ge [sflag:s7], $0x200  }
0x12c: {  	[sflag:s7] =	ssyncset.done $0x0  }
0x12d: {  	[sflag:s7] =	ssyncadd.s32 $0xFFFFFE00  }
0x12e: {  	_ =	swait.ge [sflag:s9], $0x200  }
0x12f: {  	[sflag:s9] =	ssyncset.done $0x0  }
0x130: {  	[sflag:s9] =	ssyncadd.s32 $0xFFFFFE00  }
0x131: {  	v60 =	vld [tilespmem:$0x2E80];
	_ =	sdelay $0x5  }
0x132: {  	v61 =	vld [tilespmem:$0x2E90];
	_ =	sdelay $0x1  }
0x133: {  	v0 =	vld.idx.msk [tilespmem:v60+s19+$0x0], $0xffff;
	_ =	sdelay $0x3  }
0x134: {  	v62 =	vld [tilespmem:$0x2EA0]  }
0x135: {  	[tilespmem:$0x2A80] =	vst v0  }
0x136: {  	v0 =	vld.idx.msk [tilespmem:v61+s19+$0x0], $0xffff;
	_ =	sdelay $0x3  }
0x137: {  	v63 =	vld [tilespmem:$0x2EB0]  }
0x138: {  	[tilespmem:$0x2A90] =	vst v0  }
0x139: {  	v0 =	vld.idx.msk [tilespmem:v62+s19+$0x0], $0xffff;
	_ =	sdelay $0x3  }
0x13a: {  	v4 =	vld [tilespmem:$0x2EC0]  }
0x13b: {  	[tilespmem:$0x2AA0] =	vst v0  }
0x13c: {  	v0 =	vld.idx.msk [tilespmem:v63+s19+$0x0], $0xffff;
	_ =	sdelay $0x3  }
0x13d: {  	v5 =	vld [tilespmem:$0x2ED0]  }
0x13e: {  	[tilespmem:$0x2AB0] =	vst v0  }
0x13f: {  	v0 =	vld.idx.msk [tilespmem:v4+s19+$0x0], $0xffff;
	_ =	sdelay $0x3  }
0x140: {  	v6 =	vld [tilespmem:$0x2EE0]  }
0x141: {  	[tilespmem:$0x2AC0] =	vst v0  }
0x142: {  	v0 =	vld.idx.msk [tilespmem:v5+s19+$0x0], $0xffff;
	_ =	sdelay $0x3  }
0x143: {  	v7 =	vld [tilespmem:$0x2EF0]  }
0x144: {  	[tilespmem:$0x2AD0] =	vst v0  }
0x145: {  	v0 =	vld.idx.msk [tilespmem:v6+s19+$0x0], $0xffff;
	_ =	sdelay $0x3  }
0x146: {  	v8 =	vld [tilespmem:$0x2F00]  }
0x147: {  	[tilespmem:$0x2AE0] =	vst v0  }
0x148: {  	v0 =	vld.idx.msk [tilespmem:v7+s19+$0x0], $0xffff;
	_ =	sdelay $0x3  }
0x149: {  	v9 =	vld [tilespmem:$0x2F10]  }
0x14a: {  	[tilespmem:$0x2AF0] =	vst v0  }
0x14b: {  	v0 =	vld.idx.msk [tilespmem:v8+s19+$0x0], $0xffff;
	_ =	sdelay $0x3  }
0x14c: {  	v10 =	vld [tilespmem:$0x2F20]  }
0x14d: {  	[tilespmem:$0x2B00] =	vst v0  }
0x14e: {  	v0 =	vld.idx.msk [tilespmem:v9+s19+$0x0], $0xffff;
	_ =	sdelay $0x3  }
0x14f: {  	v11 =	vld [tilespmem:$0x2F30]  }
0x150: {  	[tilespmem:$0x2B10] =	vst v0  }
0x151: {  	v0 =	vld.idx.msk [tilespmem:v10+s19+$0x0], $0xffff;
	_ =	sdelay $0x3  }
0x152: {  	v12 =	vld [tilespmem:$0x2F40]  }
0x153: {  	[tilespmem:$0x2B20] =	vst v0  }
0x154: {  	v0 =	vld.idx.msk [tilespmem:v11+s19+$0x0], $0xffff;
	_ =	sdelay $0x3  }
0x155: {  	v13 =	vld [tilespmem:$0x2F50]  }
0x156: {  	[tilespmem:$0x2B30] =	vst v0  }
0x157: {  	v0 =	vld.idx.msk [tilespmem:v12+s19+$0x0], $0xffff;
	_ =	sdelay $0x3  }
0x158: {  	v14 =	vld [tilespmem:$0x2F60]  }
0x159: {  	[tilespmem:$0x2B40] =	vst v0  }
0x15a: {  	v0 =	vld.idx.msk [tilespmem:v13+s19+$0x0], $0xffff;
	_ =	sdelay $0x3  }
0x15b: {  	v15 =	vld [tilespmem:$0x2F70]  }
0x15c: {  	[tilespmem:$0x2B50] =	vst v0  }
0x15d: {  	v0 =	vld.idx.msk [tilespmem:v14+s19+$0x0], $0xffff;
	_ =	sdelay $0x3  }
0x15e: {  	v16 =	vld [tilespmem:$0x2F80]  }
0x15f: {  	[tilespmem:$0x2B60] =	vst v0  }
0x160: {  	v0 =	vld.idx.msk [tilespmem:v15+s19+$0x0], $0xffff;
	_ =	sdelay $0x3  }
0x161: {  	v17 =	vld [tilespmem:$0x2F90]  }
0x162: {  	[tilespmem:$0x2B70] =	vst v0  }
0x163: {  	v0 =	vld.idx.msk [tilespmem:v16+s19+$0x0], $0xffff;
	_ =	sdelay $0x3  }
0x164: {  	v18 =	vld [tilespmem:$0x2FA0]  }
0x165: {  	[tilespmem:$0x2B80] =	vst v0  }
0x166: {  	v0 =	vld.idx.msk [tilespmem:v17+s19+$0x0], $0xffff;
	_ =	sdelay $0x3  }
0x167: {  	v19 =	vld [tilespmem:$0x2FB0]  }
0x168: {  	[tilespmem:$0x2B90] =	vst v0  }
0x169: {  	v0 =	vld.idx.msk [tilespmem:v18+s19+$0x0], $0xffff;
	_ =	sdelay $0x3  }
0x16a: {  	v20 =	vld [tilespmem:$0x2FC0]  }
0x16b: {  	[tilespmem:$0x2BA0] =	vst v0  }
0x16c: {  	v0 =	vld.idx.msk [tilespmem:v19+s19+$0x0], $0xffff;
	_ =	sdelay $0x3  }
0x16d: {  	v21 =	vld [tilespmem:$0x2FD0]  }
0x16e: {  	[tilespmem:$0x2BB0] =	vst v0  }
0x16f: {  	v0 =	vld.idx.msk [tilespmem:v20+s19+$0x0], $0xffff;
	_ =	sdelay $0x3  }
0x170: {  	v22 =	vld [tilespmem:$0x2FE0]  }
0x171: {  	[tilespmem:$0x2BC0] =	vst v0  }
0x172: {  	v0 =	vld.idx.msk [tilespmem:v21+s19+$0x0], $0xffff;
	_ =	sdelay $0x3  }
0x173: {  	v23 =	vld [tilespmem:$0x2FF0]  }
0x174: {  	[tilespmem:$0x2BD0] =	vst v0  }
0x175: {  	v0 =	vld.idx.msk [tilespmem:v22+s19+$0x0], $0xffff;
	_ =	sdelay $0x3  }
0x176: {  	v24 =	vld [tilespmem:$0x3000]  }
0x177: {  	[tilespmem:$0x2BE0] =	vst v0  }
0x178: {  	v0 =	vld.idx.msk [tilespmem:v23+s19+$0x0], $0xffff;
	_ =	sdelay $0x3  }
0x179: {  	v25 =	vld [tilespmem:$0x3010]  }
0x17a: {  	[tilespmem:$0x2BF0] =	vst v0  }
0x17b: {  	v0 =	vld.idx.msk [tilespmem:v24+s19+$0x0], $0xffff;
	_ =	sdelay $0x3  }
0x17c: {  	v26 =	vld [tilespmem:$0x3020]  }
0x17d: {  	[tilespmem:$0x2C00] =	vst v0  }
0x17e: {  	v0 =	vld.idx.msk [tilespmem:v25+s19+$0x0], $0xffff;
	_ =	sdelay $0x3  }
0x17f: {  	v27 =	vld [tilespmem:$0x3030]  }
0x180: {  	[tilespmem:$0x2C10] =	vst v0  }
0x181: {  	v0 =	vld.idx.msk [tilespmem:v26+s19+$0x0], $0xffff;
	_ =	sdelay $0x3  }
0x182: {  	v28 =	vld [tilespmem:$0x3040]  }
0x183: {  	[tilespmem:$0x2C20] =	vst v0  }
0x184: {  	v0 =	vld.idx.msk [tilespmem:v27+s19+$0x0], $0xffff;
	_ =	sdelay $0x3  }
0x185: {  	v29 =	vld [tilespmem:$0x3050]  }
0x186: {  	[tilespmem:$0x2C30] =	vst v0  }
0x187: {  	v0 =	vld.idx.msk [tilespmem:v28+s19+$0x0], $0xffff;
	_ =	sdelay $0x3  }
0x188: {  	v30 =	vld [tilespmem:$0x3060]  }
0x189: {  	[tilespmem:$0x2C40] =	vst v0  }
0x18a: {  	v0 =	vld.idx.msk [tilespmem:v29+s19+$0x0], $0xffff;
	_ =	sdelay $0x3  }
0x18b: {  	v31 =	vld [tilespmem:$0x3070]  }
0x18c: {  	[tilespmem:$0x2C50] =	vst v0  }
0x18d: {  	v0 =	vld.idx.msk [tilespmem:v30+s19+$0x0], $0xffff;
	_ =	sdelay $0x4  }
0x18e: {  	[tilespmem:$0x2C60] =	vst v0  }
0x18f: {  	p0 =	seq.s32 s12, $0x100;
	v0 =	vld.idx.msk [tilespmem:v31+s19+$0x0], $0xffff  }
0x190: {  	s8 =	sadd.s32 @!p0 s12, s15  }
0x191: {  	s17 =	sadd.s32 @!p0 $0x100, s16;
	s8 =	sxor.u32 @!p0 $0xFFFFFFFF, s8  }
0x192: {  	s17 =	sand.u32 @!p0 $0xFFFFE00, s17;
	s8 =	sand.u32 @!p0 $0x40, s8  }
0x193: {  	s18 =	simm.s32 @!p0 $0x80;
	s8 =	sor.u32 @!p0 s8, s17  }
0x194: {  	s14 =	simm.s32 @!p0 $0x400;
	s22 =	simm.s32 @!p0 $0x2E80;
	s17 =	sadd.s32 @!p0 s4, s8;
	[tilespmem:$0x2C70] =	vst v0  }
0x195: {  	[tilespmem:s22], [sflag:$0x1] =	stream.strided.gather @!p0 [hbm4b:s17+s18], $0x200, s14, s18, $0x38;
	[tilespmem:$0x3A80] =	vst v63  }
0x196: {  	s8 =	sadd.s32 @!p0 s5, s8;
	s17 =	simm.s32 @!p0 $0x3280  }
0x197: {  	[tilespmem:s17], [sflag:$0x3] =	stream.strided.gather @!p0 [hbm4b:s8+s18], $0x200, s14, s18, $0x38;
	[tilespmem:$0x3A80] =	vst v63  }
0x198: {  	_ = 	snop  }
0x199: {  	[spmem:s1] =	stream.indirect.scatter.add.f32 [tilespmem:s31], [sflag:$0x9], $0x1, s29, s30, $0xb8;
	[tilespmem:$0x3A80] =	vst v63  }
0x19a: {  	_ =	swait.ge [sflag:s0], $0x200  }
0x19b: {  	[sflag:s0] =	ssyncset.done $0x0  }
0x19c: {  	[sflag:s0] =	ssyncadd.s32 $0xFFFFFE00  }
0x19d: {  	_ =	swait.ge [sflag:s10], $0x200  }
0x19e: {  	[sflag:s10] =	ssyncset.done $0x0  }
0x19f: {  	[sflag:s10] =	ssyncadd.s32 $0xFFFFFE00  }
0x1a0: {  	_ =	swait.ge [sflag:s11], $0x200  }
0x1a1: {  	[sflag:s11] =	ssyncset.done $0x0  }
0x1a2: {  	[sflag:s11] =	ssyncadd.s32 $0xFFFFFE00  }
0x1a3: {  	v32 =	vld [tilespmem:$0x3080];
	_ =	sdelay $0x5  }
0x1a4: {  	v33 =	vld [tilespmem:$0x3090];
	_ =	sdelay $0x1  }
0x1a5: {  	v0 =	vld.idx.msk [tilespmem:v32+s19+$0x0], $0xffff;
	_ =	sdelay $0x3  }
0x1a6: {  	v34 =	vld [tilespmem:$0x30A0]  }
0x1a7: {  	[tilespmem:$0x2C80] =	vst v0  }
0x1a8: {  	v0 =	vld.idx.msk [tilespmem:v33+s19+$0x0], $0xffff;
	_ =	sdelay $0x3  }
0x1a9: {  	v35 =	vld [tilespmem:$0x30B0]  }
0x1aa: {  	[tilespmem:$0x2C90] =	vst v0  }
0x1ab: {  	v0 =	vld.idx.msk [tilespmem:v34+s19+$0x0], $0xffff;
	_ =	sdelay $0x3  }
0x1ac: {  	v36 =	vld [tilespmem:$0x30C0]  }
0x1ad: {  	[tilespmem:$0x2CA0] =	vst v0  }
0x1ae: {  	v0 =	vld.idx.msk [tilespmem:v35+s19+$0x0], $0xffff;
	_ =	sdelay $0x3  }
0x1af: {  	v37 =	vld [tilespmem:$0x30D0]  }
0x1b0: {  	[tilespmem:$0x2CB0] =	vst v0  }
0x1b1: {  	v0 =	vld.idx.msk [tilespmem:v36+s19+$0x0], $0xffff;
	_ =	sdelay $0x3  }
0x1b2: {  	v38 =	vld [tilespmem:$0x30E0]  }
0x1b3: {  	[tilespmem:$0x2CC0] =	vst v0  }
0x1b4: {  	v0 =	vld.idx.msk [tilespmem:v37+s19+$0x0], $0xffff;
	_ =	sdelay $0x3  }
0x1b5: {  	v39 =	vld [tilespmem:$0x30F0]  }
0x1b6: {  	[tilespmem:$0x2CD0] =	vst v0  }
0x1b7: {  	v0 =	vld.idx.msk [tilespmem:v38+s19+$0x0], $0xffff;
	_ =	sdelay $0x3  }
0x1b8: {  	v40 =	vld [tilespmem:$0x3100]  }
0x1b9: {  	[tilespmem:$0x2CE0] =	vst v0  }
0x1ba: {  	v0 =	vld.idx.msk [tilespmem:v39+s19+$0x0], $0xffff;
	_ =	sdelay $0x3  }
0x1bb: {  	v41 =	vld [tilespmem:$0x3110]  }
0x1bc: {  	[tilespmem:$0x2CF0] =	vst v0  }
0x1bd: {  	v0 =	vld.idx.msk [tilespmem:v40+s19+$0x0], $0xffff;
	_ =	sdelay $0x3  }
0x1be: {  	v42 =	vld [tilespmem:$0x3120]  }
0x1bf: {  	[tilespmem:$0x2D00] =	vst v0  }
0x1c0: {  	v0 =	vld.idx.msk [tilespmem:v41+s19+$0x0], $0xffff;
	_ =	sdelay $0x3  }
0x1c1: {  	v43 =	vld [tilespmem:$0x3130]  }
0x1c2: {  	[tilespmem:$0x2D10] =	vst v0  }
0x1c3: {  	v0 =	vld.idx.msk [tilespmem:v42+s19+$0x0], $0xffff;
	_ =	sdelay $0x3  }
0x1c4: {  	v44 =	vld [tilespmem:$0x3140]  }
0x1c5: {  	[tilespmem:$0x2D20] =	vst v0  }
0x1c6: {  	v0 =	vld.idx.msk [tilespmem:v43+s19+$0x0], $0xffff;
	_ =	sdelay $0x3  }
0x1c7: {  	v45 =	vld [tilespmem:$0x3150]  }
0x1c8: {  	[tilespmem:$0x2D30] =	vst v0  }
0x1c9: {  	v0 =	vld.idx.msk [tilespmem:v44+s19+$0x0], $0xffff;
	_ =	sdelay $0x3  }
0x1ca: {  	v46 =	vld [tilespmem:$0x3160]  }
0x1cb: {  	[tilespmem:$0x2D40] =	vst v0  }
0x1cc: {  	v0 =	vld.idx.msk [tilespmem:v45+s19+$0x0], $0xffff;
	_ =	sdelay $0x3  }
0x1cd: {  	v47 =	vld [tilespmem:$0x3170]  }
0x1ce: {  	[tilespmem:$0x2D50] =	vst v0  }
0x1cf: {  	v0 =	vld.idx.msk [tilespmem:v46+s19+$0x0], $0xffff;
	_ =	sdelay $0x3  }
0x1d0: {  	v48 =	vld [tilespmem:$0x3180]  }
0x1d1: {  	[tilespmem:$0x2D60] =	vst v0  }
0x1d2: {  	v0 =	vld.idx.msk [tilespmem:v47+s19+$0x0], $0xffff;
	_ =	sdelay $0x3  }
0x1d3: {  	v49 =	vld [tilespmem:$0x3190]  }
0x1d4: {  	[tilespmem:$0x2D70] =	vst v0  }
0x1d5: {  	v0 =	vld.idx.msk [tilespmem:v48+s19+$0x0], $0xffff;
	_ =	sdelay $0x3  }
0x1d6: {  	v50 =	vld [tilespmem:$0x31A0]  }
0x1d7: {  	[tilespmem:$0x2D80] =	vst v0  }
0x1d8: {  	v0 =	vld.idx.msk [tilespmem:v49+s19+$0x0], $0xffff;
	_ =	sdelay $0x3  }
0x1d9: {  	v51 =	vld [tilespmem:$0x31B0]  }
0x1da: {  	[tilespmem:$0x2D90] =	vst v0  }
0x1db: {  	v0 =	vld.idx.msk [tilespmem:v50+s19+$0x0], $0xffff;
	_ =	sdelay $0x3  }
0x1dc: {  	v52 =	vld [tilespmem:$0x31C0]  }
0x1dd: {  	[tilespmem:$0x2DA0] =	vst v0  }
0x1de: {  	v0 =	vld.idx.msk [tilespmem:v51+s19+$0x0], $0xffff;
	_ =	sdelay $0x3  }
0x1df: {  	v53 =	vld [tilespmem:$0x31D0]  }
0x1e0: {  	[tilespmem:$0x2DB0] =	vst v0  }
0x1e1: {  	v0 =	vld.idx.msk [tilespmem:v52+s19+$0x0], $0xffff;
	_ =	sdelay $0x3  }
0x1e2: {  	v54 =	vld [tilespmem:$0x31E0]  }
0x1e3: {  	[tilespmem:$0x2DC0] =	vst v0  }
0x1e4: {  	v0 =	vld.idx.msk [tilespmem:v53+s19+$0x0], $0xffff;
	_ =	sdelay $0x3  }
0x1e5: {  	v55 =	vld [tilespmem:$0x31F0]  }
0x1e6: {  	[tilespmem:$0x2DD0] =	vst v0  }
0x1e7: {  	v0 =	vld.idx.msk [tilespmem:v54+s19+$0x0], $0xffff;
	_ =	sdelay $0x3  }
0x1e8: {  	v56 =	vld [tilespmem:$0x3200]  }
0x1e9: {  	[tilespmem:$0x2DE0] =	vst v0  }
0x1ea: {  	v0 =	vld.idx.msk [tilespmem:v55+s19+$0x0], $0xffff;
	_ =	sdelay $0x3  }
0x1eb: {  	v57 =	vld [tilespmem:$0x3210]  }
0x1ec: {  	[tilespmem:$0x2DF0] =	vst v0  }
0x1ed: {  	v0 =	vld.idx.msk [tilespmem:v56+s19+$0x0], $0xffff;
	_ =	sdelay $0x3  }
0x1ee: {  	v58 =	vld [tilespmem:$0x3220]  }
0x1ef: {  	[tilespmem:$0x2E00] =	vst v0  }
0x1f0: {  	v0 =	vld.idx.msk [tilespmem:v57+s19+$0x0], $0xffff;
	_ =	sdelay $0x3  }
0x1f1: {  	v59 =	vld [tilespmem:$0x3230]  }
0x1f2: {  	[tilespmem:$0x2E10] =	vst v0  }
0x1f3: {  	v0 =	vld.idx.msk [tilespmem:v58+s19+$0x0], $0xffff;
	_ =	sdelay $0x3  }
0x1f4: {  	v60 =	vld [tilespmem:$0x3240]  }
0x1f5: {  	[tilespmem:$0x2E20] =	vst v0  }
0x1f6: {  	v0 =	vld.idx.msk [tilespmem:v59+s19+$0x0], $0xffff;
	_ =	sdelay $0x3  }
0x1f7: {  	v61 =	vld [tilespmem:$0x3250]  }
0x1f8: {  	[tilespmem:$0x2E30] =	vst v0  }
0x1f9: {  	v0 =	vld.idx.msk [tilespmem:v60+s19+$0x0], $0xffff;
	_ =	sdelay $0x3  }
0x1fa: {  	v62 =	vld [tilespmem:$0x3260]  }
0x1fb: {  	[tilespmem:$0x2E40] =	vst v0  }
0x1fc: {  	v0 =	vld.idx.msk [tilespmem:v61+s19+$0x0], $0xffff;
	_ =	sdelay $0x3  }
0x1fd: {  	v63 =	vld [tilespmem:$0x3270]  }
0x1fe: {  	[tilespmem:$0x2E50] =	vst v0  }
0x1ff: {  	v0 =	vld.idx.msk [tilespmem:v62+s19+$0x0], $0xffff;
	_ =	sdelay $0x4  }
0x200: {  	[tilespmem:$0x2E60] =	vst v0  }
0x201: {  	v0 =	vld.idx.msk [tilespmem:v63+s19+$0x0], $0xffff  }
.Ltmp2:
0x202: {  	_ = 	snop;
	(pc) =	sbr.rel @p0 .LBB2_4-.Ltmp2, $2  }
0x203: {  	_ =	sdelay $0x2  }
0x204: {  	[tilespmem:$0x2E70] =	vst v0  }
0x205: {  	s8 =	sadd.s32 $0x140, s16;
	s13 =	sadd.s32 $0x50, s13  }
0x206: {  	s8 =	sand.u32 $0xFFFFE00, s8;
	s13 =	sand.u32 $0x50, s13  }
0x207: {  	s8 =	sor.u32 s13, s8  }
0x208: {  	s13 =	sadd.s32 s4, s8  }
0x209: {  	[tilespmem:s24], [sflag:$0x2] =	stream.strided.gather [hbm4b:s13+s20], $0x200, s21, s20, $0x38;
	[tilespmem:$0x3A80] =	vst v63  }
.Ltmp3:
0x20a: {  	_ = 	snop;
	(pc) =	sbr.rel .LBB2_2-.Ltmp3, $4  }
0x20b: {  	s8 =	sadd.s32 s5, s8  }
0x20c: {  	[tilespmem:s25], [sflag:$0x4] =	stream.strided.gather [hbm4b:s8+s20], $0x200, s21, s20, $0x38;
	[tilespmem:$0x3A80] =	vst v63  }
0x20d: {  	s12 =	sadd.s32 $0x40, s12;
	s16 =	sadd.s32 $0x100, s16  }
0x20e: {  	[spmem:s1] =	stream.indirect.scatter.add.f32 [tilespmem:s6], [sflag:$0xA], $0x1, s2, s30, $0xb8;
	[tilespmem:$0x3A80] =	vst v63  }
.LBB2_5:
0x20f: {  	_ =	sfence.sel $0x180000  }
0x210: {  	[bflag:$0x0] =	sbarrier.arrive $0xFFFF  }
0x211: {  	_ =	strace $0x9000004A  }
0x212: {  	s0 =	stileid.u32;
	[bflag:$0x2] =	sbarrier.arrive $0xFFFF  }
0x213: {  	p0 =	sne.s32 s0, $0x0;
	s0 =	rddreg [dreg:$0x2]  }
0x214: {  	s0 =	sadd.s32 @!p0 $0x100000, s0  }
0x215: {  	[sflag:s0] =	ssyncadd.tile.s32 @!p0 $0x1;
	_ =	shalt  }
.Lfunc_end2:
_tile_overlayer_lowered:
.L_overlay_start_2:
0x216: {  	(tag) =	ssettag $0x2  }
0x217: {  	s0 =	rddreg [dreg:$0x0];
	s2 =	stileid.u32  }
0x218: {  	s1 =	rddreg [dreg:$0x1];
	p0 =	sne.s32 s2, $0x0  }
0x219: {  	s3 =	rddreg [dreg:$0x2];
	[bflag:$0x3] =	sbarrier.arrive $0xFFFF;
	s2 =	simm.s32 @!p0 $0x1C0B  }
0x21a: {  	[timem:s3], [sflag:s2] =	dma.local @!p0 [hbm:s0], s1  }
0x21b: {  	s0 =	simm.s32 @!p0 $0xB  }
0x21c: {  	_ =	swait.ge @!p0 [sflag:s0], s1  }
0x21d: {  	s1 =	ssub.s32 @!p0 $0x0, s1;
	[sflag:s0] =	ssyncset.done @!p0 $0x0  }
0x21e: {  	[sflag:s0] =	ssyncadd.s32 @!p0 s1  }
0x21f: {  	[bflag:$0x3] =	sbarrier.arrive $0xFFFF  }
0x220: {  	_ =	shalt  }

</sc_bundles>
